<compile_context>
chip_gen: v7x
topology: tpu7x:2x2x1
jax: 0.10.2.dev20260603
libtpu: 0.0.44.dev20260713+nightly
codegen_flags: <defaults>
</compile_context>

<pallas_src>
import functools

import jax
import jax.numpy as jnp
from jax import lax
from jax.experimental import pallas as pl
from jax.experimental.pallas import tpu as pltpu
from jax.experimental.pallas import tpu_sc as plsc

_N = 50000
_E = 800000
_NC = 2
_NS = 16
_NHALF = _N // _NC
_RPT = 1568
_NHP = _RPT * _NS
_DUMMY = _NHALF + 40
_B = 80
_EPT = _E // _NS
_NB = _EPT // _B
_R = 2000
_GRID = _N // _R



def _make_gat_sc(H, FW, TWL, TWR):
    F = 16 * H
    mesh = plsc.VectorSubcoreMesh(core_axis_name="c", subcore_axis_name="s",
                                  num_cores=_NC, num_subcores=_NS)
    nz = _RPT // _B

    @functools.partial(
        pl.kernel,
        out_type=jax.ShapeDtypeStruct((_NC * _NHP, FW), jnp.float32),
        mesh=mesh,
        compiler_params=pltpu.CompilerParams(needs_layout_passes=False,
                                             use_tc_tiling_on_sc=False),
        scratch_types=[
            pltpu.VMEM((H, 16), jnp.float32),
            pltpu.VMEM((_B,), jnp.int32),
            pltpu.VMEM((_B,), jnp.int32),
            pltpu.VMEM((_B,), jnp.int32),
            pltpu.VMEM((_B, TWL), jnp.float32),
            pltpu.VMEM((_B, TWR), jnp.float32),
            pltpu.VMEM((_B, FW), jnp.float32),
            pltpu.VMEM_SHARED((_NHP, FW), jnp.float32),
            pltpu.SemaphoreType.DMA,
            pltpu.SemaphoreType.DMA,
        ],
    )
    def gat(xl_hbm, xr_hbm, src_hbm, dst_hbm, att_hbm, out_hbm,
            att_v, src_v, dst_v, idx_v, xl_v, xr_v, msg_v, acc, sem1, sem2):
        c = lax.axis_index("c")
        s = lax.axis_index("s")
        lo = c * _NHALF
        zero16 = jnp.zeros((16,), jnp.float32)
        lane = lax.iota(jnp.int32, 16)

        @pl.loop(0, _B)
        def _zrow(r):
            for cc in range(FW // 16):
                msg_v[r, pl.ds(cc * 16, 16)] = zero16
            if FW % 16:
                msg_v[r, pl.ds(FW - 16, 16)] = zero16

        zbase = s * _RPT

        @pl.loop(0, nz)
        def _zacc(j):
            pltpu.sync_copy(msg_v, acc.at[pl.ds(zbase + j * _B, _B)])

        pltpu.sync_copy(msg_v, acc.at[pl.ds(zbase + _RPT - _B, _B)])

        pltpu.sync_copy(att_hbm, att_v)
        atts = [att_v[h, :] for h in range(H)]
        plsc.subcore_barrier()

        ebase0 = s * _EPT

        @pl.loop(0, _NB)
        def _batch(j):
            eb = ebase0 + j * _B
            pltpu.sync_copy(src_hbm.at[pl.ds(eb, _B)], src_v)
            pltpu.sync_copy(dst_hbm.at[pl.ds(eb, _B)], dst_v)
            g1 = pltpu.async_copy(xl_hbm.at[src_v], xl_v, sem1)
            g2 = pltpu.async_copy(xr_hbm.at[dst_v], xr_v, sem2)

            @pl.loop(0, _B // 16)
            def _idx(k):
                d = dst_v[pl.ds(k * 16, 16)] - lo
                inr = (d >= 0) & (d < _NHALF)
                idx_v[pl.ds(k * 16, 16)] = jnp.where(inr, d, _DUMMY)

            g1.wait()
            g2.wait()

            ov = F + 16 - FW

            @pl.loop(0, _B, unroll=8)
            def _edge(e):
                den = zero16
                gl = None
                for h in range(H):
                    xl_h = xl_v[e, pl.ds(h * 16, 16)]
                    xr_h = xr_v[e, pl.ds(h * 16, 16)]
                    z = xl_h + xr_h
                    z = jnp.maximum(z, 0.2 * z)
                    sc = jnp.sum(z * atts[h])
                    g = jnp.exp(jnp.full((16,), sc, jnp.float32))
                    msg_v[e, pl.ds(h * 16, 16)] = xl_h * g
                    den = jnp.where(lane == ov + h, g, den)
                    gl = g
                if ov:
                    tail = xl_v[e, pl.ds(FW - 16, 16)] * gl
                    den = jnp.where(lane < ov, tail, den)
                msg_v[e, pl.ds(FW - 16, 16)] = den

            pltpu.sync_copy(msg_v, acc.at[idx_v], add=True)

        plsc.subcore_barrier()
        pltpu.sync_copy(acc.at[pl.ds(s * _RPT, _RPT)],
                        out_hbm.at[pl.ds(c * _NHP + s * _RPT, _RPT)])

    return gat


_gat_sc = functools.lru_cache(maxsize=None)(_make_gat_sc)



def _full(shape):
    return pl.BlockSpec(shape, lambda i: tuple(0 for _ in shape))


def _rows(cols, r=_R):
    return pl.BlockSpec((r, cols), lambda i: (i, 0))


def _stats(ref, x, first):
    @pl.when(first)
    def _():
        ref[...] = jnp.zeros_like(ref)

    ref[...] += jnp.concatenate(
        [jnp.sum(x, axis=0, keepdims=True),
         jnp.sum(x * x, axis=0, keepdims=True)], axis=0)


def _elu(x):
    return jnp.where(x > 0, x, jnp.exp(jnp.minimum(x, 0.0)) - 1.0)


def _bn_apply(x, st, g, b):
    mu = st[0:1] * (1.0 / _N)
    var = st[1:2] * (1.0 / _N) - mu * mu
    return (x - mu) * lax.rsqrt(var + 1e-5) * g + b


def _t1_body(xb, w1, b1, t, st):
    x = jnp.dot(xb[...], w1[...], preferred_element_type=jnp.float32) + b1[...]
    t[...] = x
    _stats(st, x, pl.program_id(0) == 0)


def _t2_body(t, st, g1, b1, w2, b2, xp, wl, wr, xl, xr):
    h = _elu(_bn_apply(t[...], st[...], g1[...], b1[...]))
    h = _elu(jnp.dot(h, w2[...], preferred_element_type=jnp.float32) + b2[...])
    xpv = xp[...]
    wlv, wrv = wl[...], wr[...]
    xl[...] = (jnp.dot(xpv, wlv[:50], preferred_element_type=jnp.float32)
               + jnp.dot(h, wlv[50:], preferred_element_type=jnp.float32))
    xr[...] = (jnp.dot(xpv, wrv[:50], preferred_element_type=jnp.float32)
               + jnp.dot(h, wrv[50:], preferred_element_type=jnp.float32))


def _t3_body(a, bias, out, st, heads, ch):
    av = a[...]
    parts = []
    for h in range(heads):
        den = av[:, heads * ch + h:heads * ch + h + 1]
        parts.append(av[:, h * ch:(h + 1) * ch] / (den + 1e-16))
    o = (jnp.concatenate(parts, axis=1) if heads > 1 else parts[0]) + bias[...]
    out[...] = o
    _stats(st, o, pl.program_id(0) == 0)


def _t4_body(x, st, g, b, wl, wr, xl, xr):
    h = _elu(_bn_apply(x[...], st[...], g[...], b[...]))
    xl[...] = jnp.dot(h, wl[...], preferred_element_type=jnp.float32)
    xr[...] = jnp.dot(h, wr[...], preferred_element_type=jnp.float32)


def _t6_body(x, st, g, b, wp, bp, y):
    h = _elu(_bn_apply(x[...], st[...], g[...], b[...]))
    y[...] = jnp.dot(h, wp[...], preferred_element_type=jnp.float32) + bp[...]


def _call(body, ins, in_specs, outs, out_specs):
    return pl.pallas_call(
        body,
        grid=(_GRID,),
        in_specs=in_specs,
        out_specs=out_specs,
        out_shape=outs,
    )(*ins)



def kernel(x_pca, x_bio, params, edge_index):
    p = params
    f32 = jnp.float32
    src = edge_index[0]
    dst = edge_index[1]

    r2 = lambda v: v.reshape(1, -1)

    t, st0 = _call(
        _t1_body,
        [x_bio, p['W_bio1'], r2(p['b_bio1'])],
        [_rows(8), _full((8, 16)), _full((1, 16))],
        [jax.ShapeDtypeStruct((_N, 16), f32), jax.ShapeDtypeStruct((2, 16), f32)],
        [_rows(16), _full((2, 16))],
    )

    wl1p = jnp.pad(p['Wl1'], ((0, 0), (0, 8)))
    xl1, xr1 = _call(
        _t2_body,
        [t, st0, r2(p['bn_bio_g']), r2(p['bn_bio_b']), p['W_bio2'],
         r2(p['b_bio2']), x_pca, wl1p, p['Wr1']],
        [_rows(16), _full((2, 16)), _full((1, 16)), _full((1, 16)),
         _full((16, 16)), _full((1, 16)), _rows(50), _full((66, 72)),
         _full((66, 64))],
        [jax.ShapeDtypeStruct((_N, 72), f32), jax.ShapeDtypeStruct((_N, 64), f32)],
        [_rows(72), _rows(64)],
    )

    acc1 = _gat_sc(4, 72, 72, 64)(xl1, xr1, src, dst, p['att1'])
    acc1 = jnp.concatenate([acc1[:_NHALF], acc1[_NHP:_NHP + _NHALF]], axis=0)

    out1, st1 = _call(
        functools.partial(_t3_body, heads=4, ch=16),
        [acc1, r2(p['bias1'])],
        [_rows(72), _full((1, 64))],
        [jax.ShapeDtypeStruct((_N, 64), f32), jax.ShapeDtypeStruct((2, 64), f32)],
        [_rows(64), _full((2, 64))],
    )

    xl2, xr2 = _call(
        _t4_body,
        [out1, st1, r2(p['bn1_g']), r2(p['bn1_b']), p['Wl2'], p['Wr2']],
        [_rows(64), _full((2, 64)), _full((1, 64)), _full((1, 64)),
         _full((64, 16)), _full((64, 16))],
        [jax.ShapeDtypeStruct((_N, 16), f32), jax.ShapeDtypeStruct((_N, 16), f32)],
        [_rows(16), _rows(16)],
    )

    acc2 = _gat_sc(1, 32, 16, 16)(xl2, xr2, src, dst, p['att2'])
    acc2 = jnp.concatenate([acc2[:_NHALF], acc2[_NHP:_NHP + _NHALF]], axis=0)

    out2, st2 = _call(
        functools.partial(_t3_body, heads=1, ch=16),
        [acc2, r2(p['bias2'])],
        [_rows(32), _full((1, 16))],
        [jax.ShapeDtypeStruct((_N, 16), f32), jax.ShapeDtypeStruct((2, 16), f32)],
        [_rows(16), _full((2, 16))],
    )

    y = _call(
        _t6_body,
        [out2, st2, r2(p['bn2_g']), r2(p['bn2_b']), p['W_pred'], r2(p['b_pred'])],
        [_rows(16), _full((2, 16)), _full((1, 16)), _full((1, 16)),
         _full((16, 50)), _full((1, 50))],
        [jax.ShapeDtypeStruct((_N, 50), f32)],
        [_rows(50)],
    )[0]
    return y

# --- scband reference (transcript-rebuilt; emitter-appended) ---
"""Pipeline reference for scband-hybrid-velocity-gat-67053029425712 (READ-ONLY COPY).

The authoritative reference and input builder live on the scoring server;
editing this copy changes nothing except your own understanding.
"""

import jax, jax.numpy as jnp
import numpy as np

N = 50000
E = 800000
D_PCA = 50
D_BIO = 8
HID = 16
HEADS = 4
OUT = 50
TOTAL_IN = D_PCA + 16


def _glorot(key, shape):
    lim = np.sqrt(6.0 / (shape[0] + shape[-1]))
    return jax.random.uniform(key, shape, minval=-lim, maxval=lim, dtype=jnp.float32)


def setup_inputs(seed: int = 0):
    key = jax.random.key(seed)
    ks = jax.random.split(key, 16)
    x_pca = jax.random.normal(ks[0], (N, D_PCA), dtype=jnp.float32)
    x_bio = jax.random.normal(ks[1], (N, D_BIO), dtype=jnp.float32)
    edge_index = jax.random.randint(ks[2], (2, E), 0, N, dtype=jnp.int32)
    params = {
        'W_bio1': _glorot(ks[3], (D_BIO, 16)), 'b_bio1': jnp.zeros((16,), jnp.float32),
        'bn_bio_g': jnp.ones((16,), jnp.float32), 'bn_bio_b': jnp.zeros((16,), jnp.float32),
        'W_bio2': _glorot(ks[4], (16, 16)), 'b_bio2': jnp.zeros((16,), jnp.float32),
        'Wl1': _glorot(ks[5], (TOTAL_IN, HEADS * HID)), 'Wr1': _glorot(ks[6], (TOTAL_IN, HEADS * HID)),
        'att1': _glorot(ks[7], (HEADS, HID)), 'bias1': jnp.zeros((HEADS * HID,), jnp.float32),
        'bn1_g': jnp.ones((HEADS * HID,), jnp.float32), 'bn1_b': jnp.zeros((HEADS * HID,), jnp.float32),
        'Wl2': _glorot(ks[8], (HEADS * HID, HID)), 'Wr2': _glorot(ks[9], (HEADS * HID, HID)),
        'att2': _glorot(ks[10], (1, HID)), 'bias2': jnp.zeros((HID,), jnp.float32),
        'bn2_g': jnp.ones((HID,), jnp.float32), 'bn2_b': jnp.zeros((HID,), jnp.float32),
        'W_pred': _glorot(ks[11], (HID, OUT)), 'b_pred': jnp.zeros((OUT,), jnp.float32),
    }
    return {'x_pca': x_pca, 'x_bio': x_bio, 'params': params, 'edge_index': edge_index}


def _bn(x, g, b, eps=1e-5):
    mu = jnp.mean(x, axis=0)
    var = jnp.var(x, axis=0)
    return g * (x - mu) / jnp.sqrt(var + eps) + b


def _gatv2(x, edge_index, Wl, Wr, att, bias, heads, ch, concat):
    Nn = x.shape[0]
    src, dst = edge_index[0], edge_index[1]
    xl = (x @ Wl).reshape(Nn, heads, ch)
    xr = (x @ Wr).reshape(Nn, heads, ch)
    z = jax.nn.leaky_relu(xl[src] + xr[dst], negative_slope=0.2)
    e = (z * att[None, :, :]).sum(-1)
    emax = jax.ops.segment_max(e, dst, num_segments=Nn)
    emax = jnp.where(jnp.isfinite(emax), emax, 0.0)
    ex = jnp.exp(e - emax[dst])
    den = jax.ops.segment_sum(ex, dst, num_segments=Nn)
    alpha = ex / (den[dst] + 1e-16)
    out = jax.ops.segment_sum(xl[src] * alpha[..., None], dst, num_segments=Nn)
    if concat:
        out = out.reshape(Nn, heads * ch)
    else:
        out = out.mean(axis=1)
    return out + bias


def _forward(x_pca, x_bio, p, edge_index):
    h = x_bio @ p['W_bio1'] + p['b_bio1']
    h = _bn(h, p['bn_bio_g'], p['bn_bio_b'])
    h = jax.nn.elu(h)
    h = jax.nn.elu(h @ p['W_bio2'] + p['b_bio2'])
    xc = jnp.concatenate([x_pca, h], axis=1)
    h = _gatv2(xc, edge_index, p['Wl1'], p['Wr1'], p['att1'], p['bias1'], HEADS, HID, True)
    h = jax.nn.elu(_bn(h, p['bn1_g'], p['bn1_b']))
    h = _gatv2(h, edge_index, p['Wl2'], p['Wr2'], p['att2'], p['bias2'], 1, HID, False)
    h = jax.nn.elu(_bn(h, p['bn2_g'], p['bn2_b']))
    return h @ p['W_pred'] + p['b_pred']


def reference(x_pca, x_bio, params, edge_index):
    return _forward(x_pca, x_bio, params, edge_index)

if __name__ == "__main__":
    import jax
    _d = setup_inputs()
    print(jax.jit(kernel)(*tuple(_d.values())))

</pallas_src>

<mosaic_0001>
#map = affine_map<(d0, d1) -> (0, 0)>
#map1 = affine_map<(d0, d1) -> (0)>
module attributes {stable_mosaic.version = 14 : i64} {
  func.func @gat(%arg0: i32, %arg1: i32, %arg2: memref<50000x72xf32, #tpu.memory_space<hbm>>, %arg3: memref<50000x64xf32, #tpu.memory_space<hbm>>, %arg4: memref<800000xi32, #tpu.memory_space<hbm>>, %arg5: memref<800000xi32, #tpu.memory_space<hbm>>, %arg6: memref<4x16xf32, #tpu.memory_space<hbm>>, %arg7: memref<50176x72xf32, #tpu.memory_space<hbm>>, %arg8: memref<4x16xf32, #tpu.memory_space<vmem>>, %arg9: memref<80xi32, #tpu.memory_space<vmem>>, %arg10: memref<80xi32, #tpu.memory_space<vmem>>, %arg11: memref<80xi32, #tpu.memory_space<vmem>>, %arg12: memref<80x72xf32, #tpu.memory_space<vmem>>, %arg13: memref<80x64xf32, #tpu.memory_space<vmem>>, %arg14: memref<80x72xf32, #tpu.memory_space<vmem>>, %arg15: memref<25088x72xf32, #tpu.memory_space<vmem_shared>>, %arg16: memref<!tpu.dma_semaphore, #tpu.memory_space<semaphore_mem>>, %arg17: memref<!tpu.dma_semaphore, #tpu.memory_space<semaphore_mem>>) attributes {dimension_semantics = [#tpu.dimension_semantics<core_parallel>, #tpu.dimension_semantics<subcore_parallel>], iteration_bounds = array<i64: 2, 16>, scalar_prefetch = 0 : i64, scratch_operands = 10 : i64, tpu.core_type = #tpu.core_type<sc_vector_subcore>, window_params = [{transform_indices = #map}, {transform_indices = #map}, {transform_indices = #map1}, {transform_indices = #map1}, {transform_indices = #map}, {transform_indices = #map}]} {
    %mul3A = arith.constant 25000 : i32
    %mul3A_0 = arith.muli %arg0, %mul3A : i32
    %broadcast_in_dim3A = arith.constant 0.000000e+00 : f32
    %broadcast_in_dim3A_1 = vector.broadcast %broadcast_in_dim3A : f32 to vector<16xf32>
    %iota3A = tpu.iota {dimensions = array<i32: 0>} : vector<16xi32>
    %scan3A = arith.constant 0 : i32
    %scan3A_2 = arith.constant 80 : i32
    %scan3A_3 = arith.addi %scan3A, %scan3A_2 : i32
    %scan3A_4 = arith.constant 1 : i32
    scf.for %scan3A_45 = %scan3A to %scan3A_3 step %scan3A_4  : i32 {
      %mul3A_46 = arith.constant 1 : i32
      %mul3A_47 = arith.muli %scan3A_45, %mul3A_46 : i32
      %add3A_48 = arith.constant 0 : i32
      %add3A_49 = arith.addi %add3A_48, %mul3A_47 : i32
      %swap3A = arith.index_cast %add3A_49 : i32 to index
      %swap3A_50 = arith.constant 0 : index
      %swap3A_51 = tpu.vector_load %arg14[%swap3A, %swap3A_50] {strides = array<i32>} : memref<80x72xf32, #tpu.memory_space<vmem>>, vector<16xf32>,
      tpu.vector_store %arg14[%swap3A, %swap3A_50], %broadcast_in_dim3A_1 {strides = array<i32>} : memref<80x72xf32, #tpu.memory_space<vmem>>, vector<16xf32>,
      %swap3A_52 = arith.index_cast %add3A_49 : i32 to index
      %swap3A_53 = arith.constant 16 : index
      %swap3A_54 = tpu.vector_load %arg14[%swap3A_52, %swap3A_53] {strides = array<i32>} : memref<80x72xf32, #tpu.memory_space<vmem>>, vector<16xf32>,
      tpu.vector_store %arg14[%swap3A_52, %swap3A_53], %broadcast_in_dim3A_1 {strides = array<i32>} : memref<80x72xf32, #tpu.memory_space<vmem>>, vector<16xf32>,
      %swap3A_55 = arith.index_cast %add3A_49 : i32 to index
      %swap3A_56 = arith.constant 32 : index
      %swap3A_57 = tpu.vector_load %arg14[%swap3A_55, %swap3A_56] {strides = array<i32>} : memref<80x72xf32, #tpu.memory_space<vmem>>, vector<16xf32>,
      tpu.vector_store %arg14[%swap3A_55, %swap3A_56], %broadcast_in_dim3A_1 {strides = array<i32>} : memref<80x72xf32, #tpu.memory_space<vmem>>, vector<16xf32>,
      %swap3A_58 = arith.index_cast %add3A_49 : i32 to index
      %swap3A_59 = arith.constant 48 : index
      %swap3A_60 = tpu.vector_load %arg14[%swap3A_58, %swap3A_59] {strides = array<i32>} : memref<80x72xf32, #tpu.memory_space<vmem>>, vector<16xf32>,
      tpu.vector_store %arg14[%swap3A_58, %swap3A_59], %broadcast_in_dim3A_1 {strides = array<i32>} : memref<80x72xf32, #tpu.memory_space<vmem>>, vector<16xf32>,
      %swap3A_61 = arith.index_cast %add3A_49 : i32 to index
      %swap3A_62 = arith.constant 56 : index
      %swap3A_63 = tpu.vector_load %arg14[%swap3A_61, %swap3A_62] {strides = array<i32>} : memref<80x72xf32, #tpu.memory_space<vmem>>, vector<16xf32>,
      tpu.vector_store %arg14[%swap3A_61, %swap3A_62], %broadcast_in_dim3A_1 {strides = array<i32>} : memref<80x72xf32, #tpu.memory_space<vmem>>, vector<16xf32>,
    }
    %scan3A_5 = arith.constant 80 : i32
    %mul3A_6 = arith.constant 1568 : i32
    %mul3A_7 = arith.muli %arg1, %mul3A_6 : i32
    %scan3A_8 = arith.constant 0 : i32
    %scan3A_9 = arith.constant 19 : i32
    %scan3A_10 = arith.addi %scan3A_8, %scan3A_9 : i32
    %scan3A_11 = arith.constant 1 : i32
    scf.for %scan3A_45 = %scan3A_8 to %scan3A_10 step %scan3A_11  : i32 {
      %mul3A_46 = arith.constant 1 : i32
      %mul3A_47 = arith.muli %scan3A_45, %mul3A_46 : i32
      %add3A_48 = arith.constant 0 : i32
      %add3A_49 = arith.addi %add3A_48, %mul3A_47 : i32
      %mul3A_50 = arith.constant 80 : i32
      %mul3A_51 = arith.muli %add3A_49, %mul3A_50 : i32
      %add3A_52 = arith.addi %mul3A_7, %mul3A_51 : i32
      "tpu.region"() ({
        %run_scoped3A = tpu.sem_alloc : memref<!tpu.dma_semaphore, #tpu.memory_space<semaphore_mem>>
        %dma_start3A = arith.constant 0 : i32
        %dma_start3A_53 = tpu.memref_slice %arg15[%add3A_52, %dma_start3A] : memref<25088x72xf32, #tpu.memory_space<vmem_shared>> -> memref<80x72xf32, #tpu.memory_space<vmem_shared>>
        %dma_start3A_54 = arith.constant 0 : i32
        %dma_start3A_55 = tpu.memref_slice %arg15[%add3A_52, %dma_start3A_54] : memref<25088x72xf32, #tpu.memory_space<vmem_shared>> -> memref<80x72xf32, #tpu.memory_space<vmem_shared>>
        tpu.enqueue_dma source(%arg14 : memref<80x72xf32, #tpu.memory_space<vmem>>) target(%dma_start3A_55 : memref<80x72xf32, #tpu.memory_space<vmem_shared>>) target_semaphore(%run_scoped3A : memref<!tpu.dma_semaphore, #tpu.memory_space<semaphore_mem>>)
        %dma_wait3A = arith.constant 0 : i32
        %dma_wait3A_56 = tpu.memref_slice %arg15[%add3A_52, %dma_wait3A] : memref<25088x72xf32, #tpu.memory_space<vmem_shared>> -> memref<80x72xf32, #tpu.memory_space<vmem_shared>>
        %dma_wait3A_57 = arith.constant 0 : i32
        %dma_wait3A_58 = tpu.memref_slice %arg15[%add3A_52, %dma_wait3A_57] : memref<25088x72xf32, #tpu.memory_space<vmem_shared>> -> memref<80x72xf32, #tpu.memory_space<vmem_shared>>
        tpu.wait_dma2 semaphore(%run_scoped3A : memref<!tpu.dma_semaphore, #tpu.memory_space<semaphore_mem>>) src(%arg14 : memref<80x72xf32, #tpu.memory_space<vmem>>) dst(%dma_wait3A_58 : memref<80x72xf32, #tpu.memory_space<vmem_shared>>)
        tpu.yield
      }) : () -> ()
    }
    %scan3A_12 = arith.constant 19 : i32
    %add3A = arith.constant 1568 : i32
    %add3A_13 = arith.addi %mul3A_7, %add3A : i32
    %sub3A = arith.constant 80 : i32
    %sub3A_14 = arith.subi %add3A_13, %sub3A : i32
    "tpu.region"() ({
      %run_scoped3A = tpu.sem_alloc : memref<!tpu.dma_semaphore, #tpu.memory_space<semaphore_mem>>
      %dma_start3A = arith.constant 0 : i32
      %dma_start3A_45 = tpu.memref_slice %arg15[%sub3A_14, %dma_start3A] : memref<25088x72xf32, #tpu.memory_space<vmem_shared>> -> memref<80x72xf32, #tpu.memory_space<vmem_shared>>
      %dma_start3A_46 = arith.constant 0 : i32
      %dma_start3A_47 = tpu.memref_slice %arg15[%sub3A_14, %dma_start3A_46] : memref<25088x72xf32, #tpu.memory_space<vmem_shared>> -> memref<80x72xf32, #tpu.memory_space<vmem_shared>>
      tpu.enqueue_dma source(%arg14 : memref<80x72xf32, #tpu.memory_space<vmem>>) target(%dma_start3A_47 : memref<80x72xf32, #tpu.memory_space<vmem_shared>>) target_semaphore(%run_scoped3A : memref<!tpu.dma_semaphore, #tpu.memory_space<semaphore_mem>>)
      %dma_wait3A = arith.constant 0 : i32
      %dma_wait3A_48 = tpu.memref_slice %arg15[%sub3A_14, %dma_wait3A] : memref<25088x72xf32, #tpu.memory_space<vmem_shared>> -> memref<80x72xf32, #tpu.memory_space<vmem_shared>>
      %dma_wait3A_49 = arith.constant 0 : i32
      %dma_wait3A_50 = tpu.memref_slice %arg15[%sub3A_14, %dma_wait3A_49] : memref<25088x72xf32, #tpu.memory_space<vmem_shared>> -> memref<80x72xf32, #tpu.memory_space<vmem_shared>>
      tpu.wait_dma2 semaphore(%run_scoped3A : memref<!tpu.dma_semaphore, #tpu.memory_space<semaphore_mem>>) src(%arg14 : memref<80x72xf32, #tpu.memory_space<vmem>>) dst(%dma_wait3A_50 : memref<80x72xf32, #tpu.memory_space<vmem_shared>>)
      tpu.yield
    }) : () -> ()
    "tpu.region"() ({
      %run_scoped3A = tpu.sem_alloc : memref<!tpu.dma_semaphore, #tpu.memory_space<semaphore_mem>>
      tpu.enqueue_dma source(%arg6 : memref<4x16xf32, #tpu.memory_space<hbm>>) target(%arg8 : memref<4x16xf32, #tpu.memory_space<vmem>>) target_semaphore(%run_scoped3A : memref<!tpu.dma_semaphore, #tpu.memory_space<semaphore_mem>>)
      tpu.wait_dma2 semaphore(%run_scoped3A : memref<!tpu.dma_semaphore, #tpu.memory_space<semaphore_mem>>) src(%arg6 : memref<4x16xf32, #tpu.memory_space<hbm>>) dst(%arg8 : memref<4x16xf32, #tpu.memory_space<vmem>>)
      tpu.yield
    }) : () -> ()
    %get3A = arith.constant 0 : i32
    %get3A_15 = arith.index_cast %get3A : i32 to index
    %get3A_16 = arith.constant 0 : index
    %get3A_17 = tpu.vector_load %arg8[%get3A_15, %get3A_16] {strides = array<i32>} : memref<4x16xf32, #tpu.memory_space<vmem>>, vector<16xf32>,
    %get3A_18 = arith.constant 1 : i32
    %get3A_19 = arith.index_cast %get3A_18 : i32 to index
    %get3A_20 = arith.constant 0 : index
    %get3A_21 = tpu.vector_load %arg8[%get3A_19, %get3A_20] {strides = array<i32>} : memref<4x16xf32, #tpu.memory_space<vmem>>, vector<16xf32>,
    %get3A_22 = arith.constant 2 : i32
    %get3A_23 = arith.index_cast %get3A_22 : i32 to index
    %get3A_24 = arith.constant 0 : index
    %get3A_25 = tpu.vector_load %arg8[%get3A_23, %get3A_24] {strides = array<i32>} : memref<4x16xf32, #tpu.memory_space<vmem>>, vector<16xf32>,
    %get3A_26 = arith.constant 3 : i32
    %get3A_27 = arith.index_cast %get3A_26 : i32 to index
    %get3A_28 = arith.constant 0 : index
    %get3A_29 = tpu.vector_load %arg8[%get3A_27, %get3A_28] {strides = array<i32>} : memref<4x16xf32, #tpu.memory_space<vmem>>, vector<16xf32>,
    %barrier3A = arith.constant 0 : index
    tpu.barrier barrier_id(%barrier3A)
    %mul3A_30 = arith.constant 50000 : i32
    %mul3A_31 = arith.muli %arg1, %mul3A_30 : i32
    %scan3A_32 = arith.constant 0 : i32
    %scan3A_33 = arith.constant 625 : i32
    %scan3A_34 = arith.addi %scan3A_32, %scan3A_33 : i32
    %scan3A_35 = arith.constant 1 : i32
    scf.for %scan3A_45 = %scan3A_32 to %scan3A_34 step %scan3A_35  : i32 {
      %mul3A_46 = arith.constant 1 : i32
      %mul3A_47 = arith.muli %scan3A_45, %mul3A_46 : i32
      %add3A_48 = arith.constant 0 : i32
      %add3A_49 = arith.addi %add3A_48, %mul3A_47 : i32
      %mul3A_50 = arith.constant 80 : i32
      %mul3A_51 = arith.muli %add3A_49, %mul3A_50 : i32
      %add3A_52 = arith.addi %mul3A_31, %mul3A_51 : i32
      "tpu.region"() ({
        %run_scoped3A = tpu.sem_alloc : memref<!tpu.dma_semaphore, #tpu.memory_space<semaphore_mem>>
        %dma_start3A_73 = tpu.memref_slice %arg4[%add3A_52] : memref<800000xi32, #tpu.memory_space<hbm>> -> memref<80xi32, #tpu.memory_space<hbm>>
        %dma_start3A_74 = tpu.memref_slice %arg4[%add3A_52] : memref<800000xi32, #tpu.memory_space<hbm>> -> memref<80xi32, #tpu.memory_space<hbm>>
        tpu.enqueue_dma source(%dma_start3A_74 : memref<80xi32, #tpu.memory_space<hbm>>) target(%arg9 : memref<80xi32, #tpu.memory_space<vmem>>) target_semaphore(%run_scoped3A : memref<!tpu.dma_semaphore, #tpu.memory_space<semaphore_mem>>)
        %dma_wait3A_75 = tpu.memref_slice %arg4[%add3A_52] : memref<800000xi32, #tpu.memory_space<hbm>> -> memref<80xi32, #tpu.memory_space<hbm>>
        %dma_wait3A_76 = tpu.memref_slice %arg4[%add3A_52] : memref<800000xi32, #tpu.memory_space<hbm>> -> memref<80xi32, #tpu.memory_space<hbm>>
        tpu.wait_dma2 semaphore(%run_scoped3A : memref<!tpu.dma_semaphore, #tpu.memory_space<semaphore_mem>>) src(%dma_wait3A_76 : memref<80xi32, #tpu.memory_space<hbm>>) dst(%arg9 : memref<80xi32, #tpu.memory_space<vmem>>)
        tpu.yield
      }) : () -> ()
      "tpu.region"() ({
        %run_scoped3A = tpu.sem_alloc : memref<!tpu.dma_semaphore, #tpu.memory_space<semaphore_mem>>
        %dma_start3A_73 = tpu.memref_slice %arg5[%add3A_52] : memref<800000xi32, #tpu.memory_space<hbm>> -> memref<80xi32, #tpu.memory_space<hbm>>
        %dma_start3A_74 = tpu.memref_slice %arg5[%add3A_52] : memref<800000xi32, #tpu.memory_space<hbm>> -> memref<80xi32, #tpu.memory_space<hbm>>
        tpu.enqueue_dma source(%dma_start3A_74 : memref<80xi32, #tpu.memory_space<hbm>>) target(%arg10 : memref<80xi32, #tpu.memory_space<vmem>>) target_semaphore(%run_scoped3A : memref<!tpu.dma_semaphore, #tpu.memory_space<semaphore_mem>>)
        %dma_wait3A_75 = tpu.memref_slice %arg5[%add3A_52] : memref<800000xi32, #tpu.memory_space<hbm>> -> memref<80xi32, #tpu.memory_space<hbm>>
        %dma_wait3A_76 = tpu.memref_slice %arg5[%add3A_52] : memref<800000xi32, #tpu.memory_space<hbm>> -> memref<80xi32, #tpu.memory_space<hbm>>
        tpu.wait_dma2 semaphore(%run_scoped3A : memref<!tpu.dma_semaphore, #tpu.memory_space<semaphore_mem>>) src(%dma_wait3A_76 : memref<80xi32, #tpu.memory_space<hbm>>) dst(%arg10 : memref<80xi32, #tpu.memory_space<vmem>>)
        tpu.yield
      }) : () -> ()
      %dma_start3A = arith.constant 0 : i32
      %dma_start3A_53 = arith.constant 0 : i32
      %dma_start3A_54 = tpu.memref_slice %arg2[%dma_start3A, %dma_start3A_53] : memref<50000x72xf32, #tpu.memory_space<hbm>> -> memref<50000x72xf32, #tpu.memory_space<hbm>>
      tpu.enqueue_indirect_dma source(%dma_start3A_54 : memref<50000x72xf32, #tpu.memory_space<hbm>>) target(%arg12 : memref<80x72xf32, #tpu.memory_space<vmem>>) offsets(%arg9 : memref<80xi32, #tpu.memory_space<vmem>>) semaphore(%arg16 : memref<!tpu.dma_semaphore, #tpu.memory_space<semaphore_mem>>)
      %dma_start3A_55 = arith.constant 0 : i32
      %dma_start3A_56 = arith.constant 0 : i32
      %dma_start3A_57 = tpu.memref_slice %arg3[%dma_start3A_55, %dma_start3A_56] : memref<50000x64xf32, #tpu.memory_space<hbm>> -> memref<50000x64xf32, #tpu.memory_space<hbm>>
      tpu.enqueue_indirect_dma source(%dma_start3A_57 : memref<50000x64xf32, #tpu.memory_space<hbm>>) target(%arg13 : memref<80x64xf32, #tpu.memory_space<vmem>>) offsets(%arg10 : memref<80xi32, #tpu.memory_space<vmem>>) semaphore(%arg17 : memref<!tpu.dma_semaphore, #tpu.memory_space<semaphore_mem>>)
      %scan3A_58 = arith.constant 0 : i32
      %scan3A_59 = arith.constant 5 : i32
      %scan3A_60 = arith.addi %scan3A_58, %scan3A_59 : i32
      %scan3A_61 = arith.constant 1 : i32
      scf.for %scan3A_73 = %scan3A_58 to %scan3A_60 step %scan3A_61  : i32 {
        %mul3A_74 = arith.constant 1 : i32
        %mul3A_75 = arith.muli %scan3A_73, %mul3A_74 : i32
        %add3A_76 = arith.constant 0 : i32
        %add3A_77 = arith.addi %add3A_76, %mul3A_75 : i32
        %mul3A_78 = arith.constant 16 : i32
        %mul3A_79 = arith.muli %add3A_77, %mul3A_78 : i32
        %get3A_80 = arith.index_cast %mul3A_79 : i32 to index
        %get3A_81 = tpu.vector_load %arg10[%get3A_80] {strides = array<i32>} : memref<80xi32, #tpu.memory_space<vmem>>, vector<16xi32>,
        %sub3A_82 = vector.broadcast %mul3A_0 : i32 to vector<16xi32>
        %sub3A_83 = arith.subi %get3A_81, %sub3A_82 : vector<16xi32>
        %ge3A = arith.constant 0 : i32
        %ge3A_84 = vector.broadcast %ge3A : i32 to vector<16xi32>
        %ge3A_85 = arith.cmpi sge, %sub3A_83, %ge3A_84 : vector<16xi32>
        %lt3A = arith.constant 25000 : i32
        %lt3A_86 = vector.broadcast %lt3A : i32 to vector<16xi32>
        %lt3A_87 = arith.cmpi slt, %sub3A_83, %lt3A_86 : vector<16xi32>
        %and3A = arith.andi %ge3A_85, %lt3A_87 : vector<16xi1>
        %jit3A = arith.constant 25040 : i32
        %broadcast_in_dim3A_88 = vector.broadcast %jit3A : i32 to vector<16xi32>
        %select_n3A = arith.select %and3A, %sub3A_83, %broadcast_in_dim3A_88 : vector<16xi1>, vector<16xi32>
        %mul3A_89 = arith.constant 16 : i32
        %mul3A_90 = arith.muli %add3A_77, %mul3A_89 : i32
        %swap3A = arith.index_cast %mul3A_90 : i32 to index
        %swap3A_91 = tpu.vector_load %arg11[%swap3A] {strides = array<i32>} : memref<80xi32, #tpu.memory_space<vmem>>, vector<16xi32>,
        tpu.vector_store %arg11[%swap3A], %select_n3A {strides = array<i32>} : memref<80xi32, #tpu.memory_space<vmem>>, vector<16xi32>,
      }
      %scan3A_62 = arith.constant 5 : i32
      %dma_wait3A = arith.constant 0 : i32
      %dma_wait3A_63 = arith.constant 0 : i32
      %dma_wait3A_64 = tpu.memref_slice %arg2[%dma_wait3A, %dma_wait3A_63] : memref<50000x72xf32, #tpu.memory_space<hbm>> -> memref<50000x72xf32, #tpu.memory_space<hbm>>
      tpu.wait_indirect_dma semaphore(%arg16 : memref<!tpu.dma_semaphore, #tpu.memory_space<semaphore_mem>>) src(%dma_wait3A_64 : memref<50000x72xf32, #tpu.memory_space<hbm>>) dst(%arg12 : memref<80x72xf32, #tpu.memory_space<vmem>>)
      %dma_wait3A_65 = arith.constant 0 : i32
      %dma_wait3A_66 = arith.constant 0 : i32
      %dma_wait3A_67 = tpu.memref_slice %arg3[%dma_wait3A_65, %dma_wait3A_66] : memref<50000x64xf32, #tpu.memory_space<hbm>> -> memref<50000x64xf32, #tpu.memory_space<hbm>>
      tpu.wait_indirect_dma semaphore(%arg17 : memref<!tpu.dma_semaphore, #tpu.memory_space<semaphore_mem>>) src(%dma_wait3A_67 : memref<50000x64xf32, #tpu.memory_space<hbm>>) dst(%arg13 : memref<80x64xf32, #tpu.memory_space<vmem>>)
      %scan3A_68 = arith.constant 0 : i32
      %scan3A_69 = arith.constant 80 : i32
      %scan3A_70 = arith.addi %scan3A_68, %scan3A_69 : i32
      %scan3A_71 = arith.constant 8 : i32
      scf.for %scan3A_73 = %scan3A_68 to %scan3A_70 step %scan3A_71  : i32 {
        %mul3A_74 = arith.constant 1 : i32
        %mul3A_75 = arith.muli %scan3A_73, %mul3A_74 : i32
        %add3A_76 = arith.constant 0 : i32
        %add3A_77 = arith.addi %add3A_76, %mul3A_75 : i32
        %get3A_78 = arith.index_cast %add3A_77 : i32 to index
        %get3A_79 = arith.constant 0 : index
        %get3A_80 = tpu.vector_load %arg12[%get3A_78, %get3A_79] {strides = array<i32>} : memref<80x72xf32, #tpu.memory_space<vmem>>, vector<16xf32>,
        %get3A_81 = arith.index_cast %add3A_77 : i32 to index
        %get3A_82 = arith.constant 0 : index
        %get3A_83 = tpu.vector_load %arg13[%get3A_81, %get3A_82] {strides = array<i32>} : memref<80x64xf32, #tpu.memory_space<vmem>>, vector<16xf32>,
        %add3A_84 = arith.addf %get3A_80, %get3A_83 : vector<16xf32>
        %mul3A_85 = arith.constant 2.000000e-01 : f32
        %mul3A_86 = vector.broadcast %mul3A_85 : f32 to vector<16xf32>
        %mul3A_87 = arith.mulf %mul3A_86, %add3A_84 : vector<16xf32>
        %max3A = arith.maximumf %add3A_84, %mul3A_87 : vector<16xf32>
        %mul3A_88 = arith.mulf %max3A, %get3A_17 : vector<16xf32>
        %reduce_sum3A = arith.constant true
        %reduce_sum3A_89 = vector.broadcast %reduce_sum3A : i1 to vector<16xi1>
        %reduce_sum3A_90 = tpu.scan <sum>, %mul3A_88 masked %reduce_sum3A_89 : vector<16xf32>, vector<16xi1> -> vector<16xf32>
        %reduce_sum3A_91 = vector.extract %reduce_sum3A_90[15] : f32 from vector<16xf32>
        %broadcast_in_dim3A_92 = vector.broadcast %reduce_sum3A_91 : f32 to vector<16xf32>
        %exp3A = math.exp %broadcast_in_dim3A_92 : vector<16xf32>
        %mul3A_93 = arith.mulf %get3A_80, %exp3A : vector<16xf32>
        %swap3A = arith.index_cast %add3A_77 : i32 to index
        %swap3A_94 = arith.constant 0 : index
        %swap3A_95 = tpu.vector_load %arg14[%swap3A, %swap3A_94] {strides = array<i32>} : memref<80x72xf32, #tpu.memory_space<vmem>>, vector<16xf32>,
        tpu.vector_store %arg14[%swap3A, %swap3A_94], %mul3A_93 {strides = array<i32>} : memref<80x72xf32, #tpu.memory_space<vmem>>, vector<16xf32>,
        %eq3A = arith.constant 8 : i32
        %eq3A_96 = vector.broadcast %eq3A : i32 to vector<16xi32>
        %eq3A_97 = arith.cmpi eq, %iota3A, %eq3A_96 : vector<16xi32>
        %select_n3A = arith.select %eq3A_97, %exp3A, %broadcast_in_dim3A_1 : vector<16xi1>, vector<16xf32>
        %get3A_98 = arith.index_cast %add3A_77 : i32 to index
        %get3A_99 = arith.constant 16 : index
        %get3A_100 = tpu.vector_load %arg12[%get3A_98, %get3A_99] {strides = array<i32>} : memref<80x72xf32, #tpu.memory_space<vmem>>, vector<16xf32>,
        %get3A_101 = arith.index_cast %add3A_77 : i32 to index
        %get3A_102 = arith.constant 16 : index
        %get3A_103 = tpu.vector_load %arg13[%get3A_101, %get3A_102] {strides = array<i32>} : memref<80x64xf32, #tpu.memory_space<vmem>>, vector<16xf32>,
        %add3A_104 = arith.addf %get3A_100, %get3A_103 : vector<16xf32>
        %mul3A_105 = arith.constant 2.000000e-01 : f32
        %mul3A_106 = vector.broadcast %mul3A_105 : f32 to vector<16xf32>
        %mul3A_107 = arith.mulf %mul3A_106, %add3A_104 : vector<16xf32>
        %max3A_108 = arith.maximumf %add3A_104, %mul3A_107 : vector<16xf32>
        %mul3A_109 = arith.mulf %max3A_108, %get3A_21 : vector<16xf32>
        %reduce_sum3A_110 = arith.constant true
        %reduce_sum3A_111 = vector.broadcast %reduce_sum3A_110 : i1 to vector<16xi1>
        %reduce_sum3A_112 = tpu.scan <sum>, %mul3A_109 masked %reduce_sum3A_111 : vector<16xf32>, vector<16xi1> -> vector<16xf32>
        %reduce_sum3A_113 = vector.extract %reduce_sum3A_112[15] : f32 from vector<16xf32>
        %broadcast_in_dim3A_114 = vector.broadcast %reduce_sum3A_113 : f32 to vector<16xf32>
        %exp3A_115 = math.exp %broadcast_in_dim3A_114 : vector<16xf32>
        %mul3A_116 = arith.mulf %get3A_100, %exp3A_115 : vector<16xf32>
        %swap3A_117 = arith.index_cast %add3A_77 : i32 to index
        %swap3A_118 = arith.constant 16 : index
        %swap3A_119 = tpu.vector_load %arg14[%swap3A_117, %swap3A_118] {strides = array<i32>} : memref<80x72xf32, #tpu.memory_space<vmem>>, vector<16xf32>,
        tpu.vector_store %arg14[%swap3A_117, %swap3A_118], %mul3A_116 {strides = array<i32>} : memref<80x72xf32, #tpu.memory_space<vmem>>, vector<16xf32>,
        %eq3A_120 = arith.constant 9 : i32
        %eq3A_121 = vector.broadcast %eq3A_120 : i32 to vector<16xi32>
        %eq3A_122 = arith.cmpi eq, %iota3A, %eq3A_121 : vector<16xi32>
        %select_n3A_123 = arith.select %eq3A_122, %exp3A_115, %select_n3A : vector<16xi1>, vector<16xf32>
        %get3A_124 = arith.index_cast %add3A_77 : i32 to index
        %get3A_125 = arith.constant 32 : index
        %get3A_126 = tpu.vector_load %arg12[%get3A_124, %get3A_125] {strides = array<i32>} : memref<80x72xf32, #tpu.memory_space<vmem>>, vector<16xf32>,
        %get3A_127 = arith.index_cast %add3A_77 : i32 to index
        %get3A_128 = arith.constant 32 : index
        %get3A_129 = tpu.vector_load %arg13[%get3A_127, %get3A_128] {strides = array<i32>} : memref<80x64xf32, #tpu.memory_space<vmem>>, vector<16xf32>,
        %add3A_130 = arith.addf %get3A_126, %get3A_129 : vector<16xf32>
        %mul3A_131 = arith.constant 2.000000e-01 : f32
        %mul3A_132 = vector.broadcast %mul3A_131 : f32 to vector<16xf32>
        %mul3A_133 = arith.mulf %mul3A_132, %add3A_130 : vector<16xf32>
        %max3A_134 = arith.maximumf %add3A_130, %mul3A_133 : vector<16xf32>
        %mul3A_135 = arith.mulf %max3A_134, %get3A_25 : vector<16xf32>
        %reduce_sum3A_136 = arith.constant true
        %reduce_sum3A_137 = vector.broadcast %reduce_sum3A_136 : i1 to vector<16xi1>
        %reduce_sum3A_138 = tpu.scan <sum>, %mul3A_135 masked %reduce_sum3A_137 : vector<16xf32>, vector<16xi1> -> vector<16xf32>
        %reduce_sum3A_139 = vector.extract %reduce_sum3A_138[15] : f32 from vector<16xf32>
        %broadcast_in_dim3A_140 = vector.broadcast %reduce_sum3A_139 : f32 to vector<16xf32>
        %exp3A_141 = math.exp %broadcast_in_dim3A_140 : vector<16xf32>
        %mul3A_142 = arith.mulf %get3A_126, %exp3A_141 : vector<16xf32>
        %swap3A_143 = arith.index_cast %add3A_77 : i32 to index
        %swap3A_144 = arith.constant 32 : index
        %swap3A_145 = tpu.vector_load %arg14[%swap3A_143, %swap3A_144] {strides = array<i32>} : memref<80x72xf32, #tpu.memory_space<vmem>>, vector<16xf32>,
        tpu.vector_store %arg14[%swap3A_143, %swap3A_144], %mul3A_142 {strides = array<i32>} : memref<80x72xf32, #tpu.memory_space<vmem>>, vector<16xf32>,
        %eq3A_146 = arith.constant 10 : i32
        %eq3A_147 = vector.broadcast %eq3A_146 : i32 to vector<16xi32>
        %eq3A_148 = arith.cmpi eq, %iota3A, %eq3A_147 : vector<16xi32>
        %select_n3A_149 = arith.select %eq3A_148, %exp3A_141, %select_n3A_123 : vector<16xi1>, vector<16xf32>
        %get3A_150 = arith.index_cast %add3A_77 : i32 to index
        %get3A_151 = arith.constant 48 : index
        %get3A_152 = tpu.vector_load %arg12[%get3A_150, %get3A_151] {strides = array<i32>} : memref<80x72xf32, #tpu.memory_space<vmem>>, vector<16xf32>,
        %get3A_153 = arith.index_cast %add3A_77 : i32 to index
        %get3A_154 = arith.constant 48 : index
        %get3A_155 = tpu.vector_load %arg13[%get3A_153, %get3A_154] {strides = array<i32>} : memref<80x64xf32, #tpu.memory_space<vmem>>, vector<16xf32>,
        %add3A_156 = arith.addf %get3A_152, %get3A_155 : vector<16xf32>
        %mul3A_157 = arith.constant 2.000000e-01 : f32
        %mul3A_158 = vector.broadcast %mul3A_157 : f32 to vector<16xf32>
        %mul3A_159 = arith.mulf %mul3A_158, %add3A_156 : vector<16xf32>
        %max3A_160 = arith.maximumf %add3A_156, %mul3A_159 : vector<16xf32>
        %mul3A_161 = arith.mulf %max3A_160, %get3A_29 : vector<16xf32>
        %reduce_sum3A_162 = arith.constant true
        %reduce_sum3A_163 = vector.broadcast %reduce_sum3A_162 : i1 to vector<16xi1>
        %reduce_sum3A_164 = tpu.scan <sum>, %mul3A_161 masked %reduce_sum3A_163 : vector<16xf32>, vector<16xi1> -> vector<16xf32>
        %reduce_sum3A_165 = vector.extract %reduce_sum3A_164[15] : f32 from vector<16xf32>
        %broadcast_in_dim3A_166 = vector.broadcast %reduce_sum3A_165 : f32 to vector<16xf32>
        %exp3A_167 = math.exp %broadcast_in_dim3A_166 : vector<16xf32>
        %mul3A_168 = arith.mulf %get3A_152, %exp3A_167 : vector<16xf32>
        %swap3A_169 = arith.index_cast %add3A_77 : i32 to index
        %swap3A_170 = arith.constant 48 : index
        %swap3A_171 = tpu.vector_load %arg14[%swap3A_169, %swap3A_170] {strides = array<i32>} : memref<80x72xf32, #tpu.memory_space<vmem>>, vector<16xf32>,
        tpu.vector_store %arg14[%swap3A_169, %swap3A_170], %mul3A_168 {strides = array<i32>} : memref<80x72xf32, #tpu.memory_space<vmem>>, vector<16xf32>,
        %eq3A_172 = arith.constant 11 : i32
        %eq3A_173 = vector.broadcast %eq3A_172 : i32 to vector<16xi32>
        %eq3A_174 = arith.cmpi eq, %iota3A, %eq3A_173 : vector<16xi32>
        %select_n3A_175 = arith.select %eq3A_174, %exp3A_167, %select_n3A_149 : vector<16xi1>, vector<16xf32>
        %get3A_176 = arith.index_cast %add3A_77 : i32 to index
        %get3A_177 = arith.constant 56 : index
        %get3A_178 = tpu.vector_load %arg12[%get3A_176, %get3A_177] {strides = array<i32>} : memref<80x72xf32, #tpu.memory_space<vmem>>, vector<16xf32>,
        %mul3A_179 = arith.mulf %get3A_178, %exp3A_167 : vector<16xf32>
        %lt3A = arith.constant 8 : i32
        %lt3A_180 = vector.broadcast %lt3A : i32 to vector<16xi32>
        %lt3A_181 = arith.cmpi slt, %iota3A, %lt3A_180 : vector<16xi32>
        %select_n3A_182 = arith.select %lt3A_181, %mul3A_179, %select_n3A_175 : vector<16xi1>, vector<16xf32>
        %swap3A_183 = arith.index_cast %add3A_77 : i32 to index
        %swap3A_184 = arith.constant 56 : index
        %swap3A_185 = tpu.vector_load %arg14[%swap3A_183, %swap3A_184] {strides = array<i32>} : memref<80x72xf32, #tpu.memory_space<vmem>>, vector<16xf32>,
        tpu.vector_store %arg14[%swap3A_183, %swap3A_184], %select_n3A_182 {strides = array<i32>} : memref<80x72xf32, #tpu.memory_space<vmem>>, vector<16xf32>,
        %scan3A_186 = arith.constant 1 : i32
        %scan3A_187 = arith.addi %scan3A_73, %scan3A_186 : i32
        %mul3A_188 = arith.constant 1 : i32
        %mul3A_189 = arith.muli %scan3A_187, %mul3A_188 : i32
        %add3A_190 = arith.constant 0 : i32
        %add3A_191 = arith.addi %add3A_190, %mul3A_189 : i32
        %get3A_192 = arith.index_cast %add3A_191 : i32 to index
        %get3A_193 = arith.constant 0 : index
        %get3A_194 = tpu.vector_load %arg12[%get3A_192, %get3A_193] {strides = array<i32>} : memref<80x72xf32, #tpu.memory_space<vmem>>, vector<16xf32>,
        %get3A_195 = arith.index_cast %add3A_191 : i32 to index
        %get3A_196 = arith.constant 0 : index
        %get3A_197 = tpu.vector_load %arg13[%get3A_195, %get3A_196] {strides = array<i32>} : memref<80x64xf32, #tpu.memory_space<vmem>>, vector<16xf32>,
        %add3A_198 = arith.addf %get3A_194, %get3A_197 : vector<16xf32>
        %mul3A_199 = arith.constant 2.000000e-01 : f32
        %mul3A_200 = vector.broadcast %mul3A_199 : f32 to vector<16xf32>
        %mul3A_201 = arith.mulf %mul3A_200, %add3A_198 : vector<16xf32>
        %max3A_202 = arith.maximumf %add3A_198, %mul3A_201 : vector<16xf32>
        %mul3A_203 = arith.mulf %max3A_202, %get3A_17 : vector<16xf32>
        %reduce_sum3A_204 = arith.constant true
        %reduce_sum3A_205 = vector.broadcast %reduce_sum3A_204 : i1 to vector<16xi1>
        %reduce_sum3A_206 = tpu.scan <sum>, %mul3A_203 masked %reduce_sum3A_205 : vector<16xf32>, vector<16xi1> -> vector<16xf32>
        %reduce_sum3A_207 = vector.extract %reduce_sum3A_206[15] : f32 from vector<16xf32>
        %broadcast_in_dim3A_208 = vector.broadcast %reduce_sum3A_207 : f32 to vector<16xf32>
        %exp3A_209 = math.exp %broadcast_in_dim3A_208 : vector<16xf32>
        %mul3A_210 = arith.mulf %get3A_194, %exp3A_209 : vector<16xf32>
        %swap3A_211 = arith.index_cast %add3A_191 : i32 to index
        %swap3A_212 = arith.constant 0 : index
        %swap3A_213 = tpu.vector_load %arg14[%swap3A_211, %swap3A_212] {strides = array<i32>} : memref<80x72xf32, #tpu.memory_space<vmem>>, vector<16xf32>,
        tpu.vector_store %arg14[%swap3A_211, %swap3A_212], %mul3A_210 {strides = array<i32>} : memref<80x72xf32, #tpu.memory_space<vmem>>, vector<16xf32>,
        %eq3A_214 = arith.constant 8 : i32
        %eq3A_215 = vector.broadcast %eq3A_214 : i32 to vector<16xi32>
        %eq3A_216 = arith.cmpi eq, %iota3A, %eq3A_215 : vector<16xi32>
        %select_n3A_217 = arith.select %eq3A_216, %exp3A_209, %broadcast_in_dim3A_1 : vector<16xi1>, vector<16xf32>
        %get3A_218 = arith.index_cast %add3A_191 : i32 to index
        %get3A_219 = arith.constant 16 : index
        %get3A_220 = tpu.vector_load %arg12[%get3A_218, %get3A_219] {strides = array<i32>} : memref<80x72xf32, #tpu.memory_space<vmem>>, vector<16xf32>,
        %get3A_221 = arith.index_cast %add3A_191 : i32 to index
        %get3A_222 = arith.constant 16 : index
        %get3A_223 = tpu.vector_load %arg13[%get3A_221, %get3A_222] {strides = array<i32>} : memref<80x64xf32, #tpu.memory_space<vmem>>, vector<16xf32>,
        %add3A_224 = arith.addf %get3A_220, %get3A_223 : vector<16xf32>
        %mul3A_225 = arith.constant 2.000000e-01 : f32
        %mul3A_226 = vector.broadcast %mul3A_225 : f32 to vector<16xf32>
        %mul3A_227 = arith.mulf %mul3A_226, %add3A_224 : vector<16xf32>
        %max3A_228 = arith.maximumf %add3A_224, %mul3A_227 : vector<16xf32>
        %mul3A_229 = arith.mulf %max3A_228, %get3A_21 : vector<16xf32>
        %reduce_sum3A_230 = arith.constant true
        %reduce_sum3A_231 = vector.broadcast %reduce_sum3A_230 : i1 to vector<16xi1>
        %reduce_sum3A_232 = tpu.scan <sum>, %mul3A_229 masked %reduce_sum3A_231 : vector<16xf32>, vector<16xi1> -> vector<16xf32>
        %reduce_sum3A_233 = vector.extract %reduce_sum3A_232[15] : f32 from vector<16xf32>
        %broadcast_in_dim3A_234 = vector.broadcast %reduce_sum3A_233 : f32 to vector<16xf32>
        %exp3A_235 = math.exp %broadcast_in_dim3A_234 : vector<16xf32>
        %mul3A_236 = arith.mulf %get3A_220, %exp3A_235 : vector<16xf32>
        %swap3A_237 = arith.index_cast %add3A_191 : i32 to index
        %swap3A_238 = arith.constant 16 : index
        %swap3A_239 = tpu.vector_load %arg14[%swap3A_237, %swap3A_238] {strides = array<i32>} : memref<80x72xf32, #tpu.memory_space<vmem>>, vector<16xf32>,
        tpu.vector_store %arg14[%swap3A_237, %swap3A_238], %mul3A_236 {strides = array<i32>} : memref<80x72xf32, #tpu.memory_space<vmem>>, vector<16xf32>,
        %eq3A_240 = arith.constant 9 : i32
        %eq3A_241 = vector.broadcast %eq3A_240 : i32 to vector<16xi32>
        %eq3A_242 = arith.cmpi eq, %iota3A, %eq3A_241 : vector<16xi32>
        %select_n3A_243 = arith.select %eq3A_242, %exp3A_235, %select_n3A_217 : vector<16xi1>, vector<16xf32>
        %get3A_244 = arith.index_cast %add3A_191 : i32 to index
        %get3A_245 = arith.constant 32 : index
        %get3A_246 = tpu.vector_load %arg12[%get3A_244, %get3A_245] {strides = array<i32>} : memref<80x72xf32, #tpu.memory_space<vmem>>, vector<16xf32>,
        %get3A_247 = arith.index_cast %add3A_191 : i32 to index
        %get3A_248 = arith.constant 32 : index
        %get3A_249 = tpu.vector_load %arg13[%get3A_247, %get3A_248] {strides = array<i32>} : memref<80x64xf32, #tpu.memory_space<vmem>>, vector<16xf32>,
        %add3A_250 = arith.addf %get3A_246, %get3A_249 : vector<16xf32>
        %mul3A_251 = arith.constant 2.000000e-01 : f32
        %mul3A_252 = vector.broadcast %mul3A_251 : f32 to vector<16xf32>
        %mul3A_253 = arith.mulf %mul3A_252, %add3A_250 : vector<16xf32>
        %max3A_254 = arith.maximumf %add3A_250, %mul3A_253 : vector<16xf32>
        %mul3A_255 = arith.mulf %max3A_254, %get3A_25 : vector<16xf32>
        %reduce_sum3A_256 = arith.constant true
        %reduce_sum3A_257 = vector.broadcast %reduce_sum3A_256 : i1 to vector<16xi1>
        %reduce_sum3A_258 = tpu.scan <sum>, %mul3A_255 masked %reduce_sum3A_257 : vector<16xf32>, vector<16xi1> -> vector<16xf32>
        %reduce_sum3A_259 = vector.extract %reduce_sum3A_258[15] : f32 from vector<16xf32>
        %broadcast_in_dim3A_260 = vector.broadcast %reduce_sum3A_259 : f32 to vector<16xf32>
        %exp3A_261 = math.exp %broadcast_in_dim3A_260 : vector<16xf32>
        %mul3A_262 = arith.mulf %get3A_246, %exp3A_261 : vector<16xf32>
        %swap3A_263 = arith.index_cast %add3A_191 : i32 to index
        %swap3A_264 = arith.constant 32 : index
        %swap3A_265 = tpu.vector_load %arg14[%swap3A_263, %swap3A_264] {strides = array<i32>} : memref<80x72xf32, #tpu.memory_space<vmem>>, vector<16xf32>,
        tpu.vector_store %arg14[%swap3A_263, %swap3A_264], %mul3A_262 {strides = array<i32>} : memref<80x72xf32, #tpu.memory_space<vmem>>, vector<16xf32>,
        %eq3A_266 = arith.constant 10 : i32
        %eq3A_267 = vector.broadcast %eq3A_266 : i32 to vector<16xi32>
        %eq3A_268 = arith.cmpi eq, %iota3A, %eq3A_267 : vector<16xi32>
        %select_n3A_269 = arith.select %eq3A_268, %exp3A_261, %select_n3A_243 : vector<16xi1>, vector<16xf32>
        %get3A_270 = arith.index_cast %add3A_191 : i32 to index
        %get3A_271 = arith.constant 48 : index
        %get3A_272 = tpu.vector_load %arg12[%get3A_270, %get3A_271] {strides = array<i32>} : memref<80x72xf32, #tpu.memory_space<vmem>>, vector<16xf32>,
        %get3A_273 = arith.index_cast %add3A_191 : i32 to index
        %get3A_274 = arith.constant 48 : index
        %get3A_275 = tpu.vector_load %arg13[%get3A_273, %get3A_274] {strides = array<i32>} : memref<80x64xf32, #tpu.memory_space<vmem>>, vector<16xf32>,
        %add3A_276 = arith.addf %get3A_272, %get3A_275 : vector<16xf32>
        %mul3A_277 = arith.constant 2.000000e-01 : f32
        %mul3A_278 = vector.broadcast %mul3A_277 : f32 to vector<16xf32>
        %mul3A_279 = arith.mulf %mul3A_278, %add3A_276 : vector<16xf32>
        %max3A_280 = arith.maximumf %add3A_276, %mul3A_279 : vector<16xf32>
        %mul3A_281 = arith.mulf %max3A_280, %get3A_29 : vector<16xf32>
        %reduce_sum3A_282 = arith.constant true
        %reduce_sum3A_283 = vector.broadcast %reduce_sum3A_282 : i1 to vector<16xi1>
        %reduce_sum3A_284 = tpu.scan <sum>, %mul3A_281 masked %reduce_sum3A_283 : vector<16xf32>, vector<16xi1> -> vector<16xf32>
        %reduce_sum3A_285 = vector.extract %reduce_sum3A_284[15] : f32 from vector<16xf32>
        %broadcast_in_dim3A_286 = vector.broadcast %reduce_sum3A_285 : f32 to vector<16xf32>
        %exp3A_287 = math.exp %broadcast_in_dim3A_286 : vector<16xf32>
        %mul3A_288 = arith.mulf %get3A_272, %exp3A_287 : vector<16xf32>
        %swap3A_289 = arith.index_cast %add3A_191 : i32 to index
        %swap3A_290 = arith.constant 48 : index
        %swap3A_291 = tpu.vector_load %arg14[%swap3A_289, %swap3A_290] {strides = array<i32>} : memref<80x72xf32, #tpu.memory_space<vmem>>, vector<16xf32>,
        tpu.vector_store %arg14[%swap3A_289, %swap3A_290], %mul3A_288 {strides = array<i32>} : memref<80x72xf32, #tpu.memory_space<vmem>>, vector<16xf32>,
        %eq3A_292 = arith.constant 11 : i32
        %eq3A_293 = vector.broadcast %eq3A_292 : i32 to vector<16xi32>
        %eq3A_294 = arith.cmpi eq, %iota3A, %eq3A_293 : vector<16xi32>
        %select_n3A_295 = arith.select %eq3A_294, %exp3A_287, %select_n3A_269 : vector<16xi1>, vector<16xf32>
        %get3A_296 = arith.index_cast %add3A_191 : i32 to index
        %get3A_297 = arith.constant 56 : index
        %get3A_298 = tpu.vector_load %arg12[%get3A_296, %get3A_297] {strides = array<i32>} : memref<80x72xf32, #tpu.memory_space<vmem>>, vector<16xf32>,
        %mul3A_299 = arith.mulf %get3A_298, %exp3A_287 : vector<16xf32>
        %lt3A_300 = arith.constant 8 : i32
        %lt3A_301 = vector.broadcast %lt3A_300 : i32 to vector<16xi32>
        %lt3A_302 = arith.cmpi slt, %iota3A, %lt3A_301 : vector<16xi32>
        %select_n3A_303 = arith.select %lt3A_302, %mul3A_299, %select_n3A_295 : vector<16xi1>, vector<16xf32>
        %swap3A_304 = arith.index_cast %add3A_191 : i32 to index
        %swap3A_305 = arith.constant 56 : index
        %swap3A_306 = tpu.vector_load %arg14[%swap3A_304, %swap3A_305] {strides = array<i32>} : memref<80x72xf32, #tpu.memory_space<vmem>>, vector<16xf32>,
        tpu.vector_store %arg14[%swap3A_304, %swap3A_305], %select_n3A_303 {strides = array<i32>} : memref<80x72xf32, #tpu.memory_space<vmem>>, vector<16xf32>,
        %scan3A_307 = arith.constant 2 : i32
        %scan3A_308 = arith.addi %scan3A_73, %scan3A_307 : i32
        %mul3A_309 = arith.constant 1 : i32
        %mul3A_310 = arith.muli %scan3A_308, %mul3A_309 : i32
        %add3A_311 = arith.constant 0 : i32
        %add3A_312 = arith.addi %add3A_311, %mul3A_310 : i32
        %get3A_313 = arith.index_cast %add3A_312 : i32 to index
        %get3A_314 = arith.constant 0 : index
        %get3A_315 = tpu.vector_load %arg12[%get3A_313, %get3A_314] {strides = array<i32>} : memref<80x72xf32, #tpu.memory_space<vmem>>, vector<16xf32>,
        %get3A_316 = arith.index_cast %add3A_312 : i32 to index
        %get3A_317 = arith.constant 0 : index
        %get3A_318 = tpu.vector_load %arg13[%get3A_316, %get3A_317] {strides = array<i32>} : memref<80x64xf32, #tpu.memory_space<vmem>>, vector<16xf32>,
        %add3A_319 = arith.addf %get3A_315, %get3A_318 : vector<16xf32>
        %mul3A_320 = arith.constant 2.000000e-01 : f32
        %mul3A_321 = vector.broadcast %mul3A_320 : f32 to vector<16xf32>
        %mul3A_322 = arith.mulf %mul3A_321, %add3A_319 : vector<16xf32>
        %max3A_323 = arith.maximumf %add3A_319, %mul3A_322 : vector<16xf32>
        %mul3A_324 = arith.mulf %max3A_323, %get3A_17 : vector<16xf32>
        %reduce_sum3A_325 = arith.constant true
        %reduce_sum3A_326 = vector.broadcast %reduce_sum3A_325 : i1 to vector<16xi1>
        %reduce_sum3A_327 = tpu.scan <sum>, %mul3A_324 masked %reduce_sum3A_326 : vector<16xf32>, vector<16xi1> -> vector<16xf32>
        %reduce_sum3A_328 = vector.extract %reduce_sum3A_327[15] : f32 from vector<16xf32>
        %broadcast_in_dim3A_329 = vector.broadcast %reduce_sum3A_328 : f32 to vector<16xf32>
        %exp3A_330 = math.exp %broadcast_in_dim3A_329 : vector<16xf32>
        %mul3A_331 = arith.mulf %get3A_315, %exp3A_330 : vector<16xf32>
        %swap3A_332 = arith.index_cast %add3A_312 : i32 to index
        %swap3A_333 = arith.constant 0 : index
        %swap3A_334 = tpu.vector_load %arg14[%swap3A_332, %swap3A_333] {strides = array<i32>} : memref<80x72xf32, #tpu.memory_space<vmem>>, vector<16xf32>,
        tpu.vector_store %arg14[%swap3A_332, %swap3A_333], %mul3A_331 {strides = array<i32>} : memref<80x72xf32, #tpu.memory_space<vmem>>, vector<16xf32>,
        %eq3A_335 = arith.constant 8 : i32
        %eq3A_336 = vector.broadcast %eq3A_335 : i32 to vector<16xi32>
        %eq3A_337 = arith.cmpi eq, %iota3A, %eq3A_336 : vector<16xi32>
        %select_n3A_338 = arith.select %eq3A_337, %exp3A_330, %broadcast_in_dim3A_1 : vector<16xi1>, vector<16xf32>
        %get3A_339 = arith.index_cast %add3A_312 : i32 to index
        %get3A_340 = arith.constant 16 : index
        %get3A_341 = tpu.vector_load %arg12[%get3A_339, %get3A_340] {strides = array<i32>} : memref<80x72xf32, #tpu.memory_space<vmem>>, vector<16xf32>,
        %get3A_342 = arith.index_cast %add3A_312 : i32 to index
        %get3A_343 = arith.constant 16 : index
        %get3A_344 = tpu.vector_load %arg13[%get3A_342, %get3A_343] {strides = array<i32>} : memref<80x64xf32, #tpu.memory_space<vmem>>, vector<16xf32>,
        %add3A_345 = arith.addf %get3A_341, %get3A_344 : vector<16xf32>
        %mul3A_346 = arith.constant 2.000000e-01 : f32
        %mul3A_347 = vector.broadcast %mul3A_346 : f32 to vector<16xf32>
        %mul3A_348 = arith.mulf %mul3A_347, %add3A_345 : vector<16xf32>
        %max3A_349 = arith.maximumf %add3A_345, %mul3A_348 : vector<16xf32>
        %mul3A_350 = arith.mulf %max3A_349, %get3A_21 : vector<16xf32>
        %reduce_sum3A_351 = arith.constant true
        %reduce_sum3A_352 = vector.broadcast %reduce_sum3A_351 : i1 to vector<16xi1>
        %reduce_sum3A_353 = tpu.scan <sum>, %mul3A_350 masked %reduce_sum3A_352 : vector<16xf32>, vector<16xi1> -> vector<16xf32>
        %reduce_sum3A_354 = vector.extract %reduce_sum3A_353[15] : f32 from vector<16xf32>
        %broadcast_in_dim3A_355 = vector.broadcast %reduce_sum3A_354 : f32 to vector<16xf32>
        %exp3A_356 = math.exp %broadcast_in_dim3A_355 : vector<16xf32>
        %mul3A_357 = arith.mulf %get3A_341, %exp3A_356 : vector<16xf32>
        %swap3A_358 = arith.index_cast %add3A_312 : i32 to index
        %swap3A_359 = arith.constant 16 : index
        %swap3A_360 = tpu.vector_load %arg14[%swap3A_358, %swap3A_359] {strides = array<i32>} : memref<80x72xf32, #tpu.memory_space<vmem>>, vector<16xf32>,
        tpu.vector_store %arg14[%swap3A_358, %swap3A_359], %mul3A_357 {strides = array<i32>} : memref<80x72xf32, #tpu.memory_space<vmem>>, vector<16xf32>,
        %eq3A_361 = arith.constant 9 : i32
        %eq3A_362 = vector.broadcast %eq3A_361 : i32 to vector<16xi32>
        %eq3A_363 = arith.cmpi eq, %iota3A, %eq3A_362 : vector<16xi32>
        %select_n3A_364 = arith.select %eq3A_363, %exp3A_356, %select_n3A_338 : vector<16xi1>, vector<16xf32>
        %get3A_365 = arith.index_cast %add3A_312 : i32 to index
        %get3A_366 = arith.constant 32 : index
        %get3A_367 = tpu.vector_load %arg12[%get3A_365, %get3A_366] {strides = array<i32>} : memref<80x72xf32, #tpu.memory_space<vmem>>, vector<16xf32>,
        %get3A_368 = arith.index_cast %add3A_312 : i32 to index
        %get3A_369 = arith.constant 32 : index
        %get3A_370 = tpu.vector_load %arg13[%get3A_368, %get3A_369] {strides = array<i32>} : memref<80x64xf32, #tpu.memory_space<vmem>>, vector<16xf32>,
        %add3A_371 = arith.addf %get3A_367, %get3A_370 : vector<16xf32>
        %mul3A_372 = arith.constant 2.000000e-01 : f32
        %mul3A_373 = vector.broadcast %mul3A_372 : f32 to vector<16xf32>
        %mul3A_374 = arith.mulf %mul3A_373, %add3A_371 : vector<16xf32>
        %max3A_375 = arith.maximumf %add3A_371, %mul3A_374 : vector<16xf32>
        %mul3A_376 = arith.mulf %max3A_375, %get3A_25 : vector<16xf32>
        %reduce_sum3A_377 = arith.constant true
        %reduce_sum3A_378 = vector.broadcast %reduce_sum3A_377 : i1 to vector<16xi1>
        %reduce_sum3A_379 = tpu.scan <sum>, %mul3A_376 masked %reduce_sum3A_378 : vector<16xf32>, vector<16xi1> -> vector<16xf32>
        %reduce_sum3A_380 = vector.extract %reduce_sum3A_379[15] : f32 from vector<16xf32>
        %broadcast_in_dim3A_381 = vector.broadcast %reduce_sum3A_380 : f32 to vector<16xf32>
        %exp3A_382 = math.exp %broadcast_in_dim3A_381 : vector<16xf32>
        %mul3A_383 = arith.mulf %get3A_367, %exp3A_382 : vector<16xf32>
        %swap3A_384 = arith.index_cast %add3A_312 : i32 to index
        %swap3A_385 = arith.constant 32 : index
        %swap3A_386 = tpu.vector_load %arg14[%swap3A_384, %swap3A_385] {strides = array<i32>} : memref<80x72xf32, #tpu.memory_space<vmem>>, vector<16xf32>,
        tpu.vector_store %arg14[%swap3A_384, %swap3A_385], %mul3A_383 {strides = array<i32>} : memref<80x72xf32, #tpu.memory_space<vmem>>, vector<16xf32>,
        %eq3A_387 = arith.constant 10 : i32
        %eq3A_388 = vector.broadcast %eq3A_387 : i32 to vector<16xi32>
        %eq3A_389 = arith.cmpi eq, %iota3A, %eq3A_388 : vector<16xi32>
        %select_n3A_390 = arith.select %eq3A_389, %exp3A_382, %select_n3A_364 : vector<16xi1>, vector<16xf32>
        %get3A_391 = arith.index_cast %add3A_312 : i32 to index
        %get3A_392 = arith.constant 48 : index
        %get3A_393 = tpu.vector_load %arg12[%get3A_391, %get3A_392] {strides = array<i32>} : memref<80x72xf32, #tpu.memory_space<vmem>>, vector<16xf32>,
        %get3A_394 = arith.index_cast %add3A_312 : i32 to index
        %get3A_395 = arith.constant 48 : index
        %get3A_396 = tpu.vector_load %arg13[%get3A_394, %get3A_395] {strides = array<i32>} : memref<80x64xf32, #tpu.memory_space<vmem>>, vector<16xf32>,
        %add3A_397 = arith.addf %get3A_393, %get3A_396 : vector<16xf32>
        %mul3A_398 = arith.constant 2.000000e-01 : f32
        %mul3A_399 = vector.broadcast %mul3A_398 : f32 to vector<16xf32>
        %mul3A_400 = arith.mulf %mul3A_399, %add3A_397 : vector<16xf32>
        %max3A_401 = arith.maximumf %add3A_397, %mul3A_400 : vector<16xf32>
        %mul3A_402 = arith.mulf %max3A_401, %get3A_29 : vector<16xf32>
        %reduce_sum3A_403 = arith.constant true
        %reduce_sum3A_404 = vector.broadcast %reduce_sum3A_403 : i1 to vector<16xi1>
        %reduce_sum3A_405 = tpu.scan <sum>, %mul3A_402 masked %reduce_sum3A_404 : vector<16xf32>, vector<16xi1> -> vector<16xf32>
        %reduce_sum3A_406 = vector.extract %reduce_sum3A_405[15] : f32 from vector<16xf32>
        %broadcast_in_dim3A_407 = vector.broadcast %reduce_sum3A_406 : f32 to vector<16xf32>
        %exp3A_408 = math.exp %broadcast_in_dim3A_407 : vector<16xf32>
        %mul3A_409 = arith.mulf %get3A_393, %exp3A_408 : vector<16xf32>
        %swap3A_410 = arith.index_cast %add3A_312 : i32 to index
        %swap3A_411 = arith.constant 48 : index
        %swap3A_412 = tpu.vector_load %arg14[%swap3A_410, %swap3A_411] {strides = array<i32>} : memref<80x72xf32, #tpu.memory_space<vmem>>, vector<16xf32>,
        tpu.vector_store %arg14[%swap3A_410, %swap3A_411], %mul3A_409 {strides = array<i32>} : memref<80x72xf32, #tpu.memory_space<vmem>>, vector<16xf32>,
        %eq3A_413 = arith.constant 11 : i32
        %eq3A_414 = vector.broadcast %eq3A_413 : i32 to vector<16xi32>
        %eq3A_415 = arith.cmpi eq, %iota3A, %eq3A_414 : vector<16xi32>
        %select_n3A_416 = arith.select %eq3A_415, %exp3A_408, %select_n3A_390 : vector<16xi1>, vector<16xf32>
        %get3A_417 = arith.index_cast %add3A_312 : i32 to index
        %get3A_418 = arith.constant 56 : index
        %get3A_419 = tpu.vector_load %arg12[%get3A_417, %get3A_418] {strides = array<i32>} : memref<80x72xf32, #tpu.memory_space<vmem>>, vector<16xf32>,
        %mul3A_420 = arith.mulf %get3A_419, %exp3A_408 : vector<16xf32>
        %lt3A_421 = arith.constant 8 : i32
        %lt3A_422 = vector.broadcast %lt3A_421 : i32 to vector<16xi32>
        %lt3A_423 = arith.cmpi slt, %iota3A, %lt3A_422 : vector<16xi32>
        %select_n3A_424 = arith.select %lt3A_423, %mul3A_420, %select_n3A_416 : vector<16xi1>, vector<16xf32>
        %swap3A_425 = arith.index_cast %add3A_312 : i32 to index
        %swap3A_426 = arith.constant 56 : index
        %swap3A_427 = tpu.vector_load %arg14[%swap3A_425, %swap3A_426] {strides = array<i32>} : memref<80x72xf32, #tpu.memory_space<vmem>>, vector<16xf32>,
        tpu.vector_store %arg14[%swap3A_425, %swap3A_426], %select_n3A_424 {strides = array<i32>} : memref<80x72xf32, #tpu.memory_space<vmem>>, vector<16xf32>,
        %scan3A_428 = arith.constant 3 : i32
        %scan3A_429 = arith.addi %scan3A_73, %scan3A_428 : i32
        %mul3A_430 = arith.constant 1 : i32
        %mul3A_431 = arith.muli %scan3A_429, %mul3A_430 : i32
        %add3A_432 = arith.constant 0 : i32
        %add3A_433 = arith.addi %add3A_432, %mul3A_431 : i32
        %get3A_434 = arith.index_cast %add3A_433 : i32 to index
        %get3A_435 = arith.constant 0 : index
        %get3A_436 = tpu.vector_load %arg12[%get3A_434, %get3A_435] {strides = array<i32>} : memref<80x72xf32, #tpu.memory_space<vmem>>, vector<16xf32>,
        %get3A_437 = arith.index_cast %add3A_433 : i32 to index
        %get3A_438 = arith.constant 0 : index
        %get3A_439 = tpu.vector_load %arg13[%get3A_437, %get3A_438] {strides = array<i32>} : memref<80x64xf32, #tpu.memory_space<vmem>>, vector<16xf32>,
        %add3A_440 = arith.addf %get3A_436, %get3A_439 : vector<16xf32>
        %mul3A_441 = arith.constant 2.000000e-01 : f32
        %mul3A_442 = vector.broadcast %mul3A_441 : f32 to vector<16xf32>
        %mul3A_443 = arith.mulf %mul3A_442, %add3A_440 : vector<16xf32>
        %max3A_444 = arith.maximumf %add3A_440, %mul3A_443 : vector<16xf32>
        %mul3A_445 = arith.mulf %max3A_444, %get3A_17 : vector<16xf32>
        %reduce_sum3A_446 = arith.constant true
        %reduce_sum3A_447 = vector.broadcast %reduce_sum3A_446 : i1 to vector<16xi1>
        %reduce_sum3A_448 = tpu.scan <sum>, %mul3A_445 masked %reduce_sum3A_447 : vector<16xf32>, vector<16xi1> -> vector<16xf32>
        %reduce_sum3A_449 = vector.extract %reduce_sum3A_448[15] : f32 from vector<16xf32>
        %broadcast_in_dim3A_450 = vector.broadcast %reduce_sum3A_449 : f32 to vector<16xf32>
        %exp3A_451 = math.exp %broadcast_in_dim3A_450 : vector<16xf32>
        %mul3A_452 = arith.mulf %get3A_436, %exp3A_451 : vector<16xf32>
        %swap3A_453 = arith.index_cast %add3A_433 : i32 to index
        %swap3A_454 = arith.constant 0 : index
        %swap3A_455 = tpu.vector_load %arg14[%swap3A_453, %swap3A_454] {strides = array<i32>} : memref<80x72xf32, #tpu.memory_space<vmem>>, vector<16xf32>,
        tpu.vector_store %arg14[%swap3A_453, %swap3A_454], %mul3A_452 {strides = array<i32>} : memref<80x72xf32, #tpu.memory_space<vmem>>, vector<16xf32>,
        %eq3A_456 = arith.constant 8 : i32
        %eq3A_457 = vector.broadcast %eq3A_456 : i32 to vector<16xi32>
        %eq3A_458 = arith.cmpi eq, %iota3A, %eq3A_457 : vector<16xi32>
        %select_n3A_459 = arith.select %eq3A_458, %exp3A_451, %broadcast_in_dim3A_1 : vector<16xi1>, vector<16xf32>
        %get3A_460 = arith.index_cast %add3A_433 : i32 to index
        %get3A_461 = arith.constant 16 : index
        %get3A_462 = tpu.vector_load %arg12[%get3A_460, %get3A_461] {strides = array<i32>} : memref<80x72xf32, #tpu.memory_space<vmem>>, vector<16xf32>,
        %get3A_463 = arith.index_cast %add3A_433 : i32 to index
        %get3A_464 = arith.constant 16 : index
        %get3A_465 = tpu.vector_load %arg13[%get3A_463, %get3A_464] {strides = array<i32>} : memref<80x64xf32, #tpu.memory_space<vmem>>, vector<16xf32>,
        %add3A_466 = arith.addf %get3A_462, %get3A_465 : vector<16xf32>
        %mul3A_467 = arith.constant 2.000000e-01 : f32
        %mul3A_468 = vector.broadcast %mul3A_467 : f32 to vector<16xf32>
        %mul3A_469 = arith.mulf %mul3A_468, %add3A_466 : vector<16xf32>
        %max3A_470 = arith.maximumf %add3A_466, %mul3A_469 : vector<16xf32>
        %mul3A_471 = arith.mulf %max3A_470, %get3A_21 : vector<16xf32>
        %reduce_sum3A_472 = arith.constant true
        %reduce_sum3A_473 = vector.broadcast %reduce_sum3A_472 : i1 to vector<16xi1>
        %reduce_sum3A_474 = tpu.scan <sum>, %mul3A_471 masked %reduce_sum3A_473 : vector<16xf32>, vector<16xi1> -> vector<16xf32>
        %reduce_sum3A_475 = vector.extract %reduce_sum3A_474[15] : f32 from vector<16xf32>
        %broadcast_in_dim3A_476 = vector.broadcast %reduce_sum3A_475 : f32 to vector<16xf32>
        %exp3A_477 = math.exp %broadcast_in_dim3A_476 : vector<16xf32>
        %mul3A_478 = arith.mulf %get3A_462, %exp3A_477 : vector<16xf32>
        %swap3A_479 = arith.index_cast %add3A_433 : i32 to index
        %swap3A_480 = arith.constant 16 : index
        %swap3A_481 = tpu.vector_load %arg14[%swap3A_479, %swap3A_480] {strides = array<i32>} : memref<80x72xf32, #tpu.memory_space<vmem>>, vector<16xf32>,
        tpu.vector_store %arg14[%swap3A_479, %swap3A_480], %mul3A_478 {strides = array<i32>} : memref<80x72xf32, #tpu.memory_space<vmem>>, vector<16xf32>,
        %eq3A_482 = arith.constant 9 : i32
        %eq3A_483 = vector.broadcast %eq3A_482 : i32 to vector<16xi32>
        %eq3A_484 = arith.cmpi eq, %iota3A, %eq3A_483 : vector<16xi32>
        %select_n3A_485 = arith.select %eq3A_484, %exp3A_477, %select_n3A_459 : vector<16xi1>, vector<16xf32>
        %get3A_486 = arith.index_cast %add3A_433 : i32 to index
        %get3A_487 = arith.constant 32 : index
        %get3A_488 = tpu.vector_load %arg12[%get3A_486, %get3A_487] {strides = array<i32>} : memref<80x72xf32, #tpu.memory_space<vmem>>, vector<16xf32>,
        %get3A_489 = arith.index_cast %add3A_433 : i32 to index
        %get3A_490 = arith.constant 32 : index
        %get3A_491 = tpu.vector_load %arg13[%get3A_489, %get3A_490] {strides = array<i32>} : memref<80x64xf32, #tpu.memory_space<vmem>>, vector<16xf32>,
        %add3A_492 = arith.addf %get3A_488, %get3A_491 : vector<16xf32>
        %mul3A_493 = arith.constant 2.000000e-01 : f32
        %mul3A_494 = vector.broadcast %mul3A_493 : f32 to vector<16xf32>
        %mul3A_495 = arith.mulf %mul3A_494, %add3A_492 : vector<16xf32>
        %max3A_496 = arith.maximumf %add3A_492, %mul3A_495 : vector<16xf32>
        %mul3A_497 = arith.mulf %max3A_496, %get3A_25 : vector<16xf32>
        %reduce_sum3A_498 = arith.constant true
        %reduce_sum3A_499 = vector.broadcast %reduce_sum3A_498 : i1 to vector<16xi1>
        %reduce_sum3A_500 = tpu.scan <sum>, %mul3A_497 masked %reduce_sum3A_499 : vector<16xf32>, vector<16xi1> -> vector<16xf32>
        %reduce_sum3A_501 = vector.extract %reduce_sum3A_500[15] : f32 from vector<16xf32>
        %broadcast_in_dim3A_502 = vector.broadcast %reduce_sum3A_501 : f32 to vector<16xf32>
        %exp3A_503 = math.exp %broadcast_in_dim3A_502 : vector<16xf32>
        %mul3A_504 = arith.mulf %get3A_488, %exp3A_503 : vector<16xf32>
        %swap3A_505 = arith.index_cast %add3A_433 : i32 to index
        %swap3A_506 = arith.constant 32 : index
        %swap3A_507 = tpu.vector_load %arg14[%swap3A_505, %swap3A_506] {strides = array<i32>} : memref<80x72xf32, #tpu.memory_space<vmem>>, vector<16xf32>,
        tpu.vector_store %arg14[%swap3A_505, %swap3A_506], %mul3A_504 {strides = array<i32>} : memref<80x72xf32, #tpu.memory_space<vmem>>, vector<16xf32>,
        %eq3A_508 = arith.constant 10 : i32
        %eq3A_509 = vector.broadcast %eq3A_508 : i32 to vector<16xi32>
        %eq3A_510 = arith.cmpi eq, %iota3A, %eq3A_509 : vector<16xi32>
        %select_n3A_511 = arith.select %eq3A_510, %exp3A_503, %select_n3A_485 : vector<16xi1>, vector<16xf32>
        %get3A_512 = arith.index_cast %add3A_433 : i32 to index
        %get3A_513 = arith.constant 48 : index
        %get3A_514 = tpu.vector_load %arg12[%get3A_512, %get3A_513] {strides = array<i32>} : memref<80x72xf32, #tpu.memory_space<vmem>>, vector<16xf32>,
        %get3A_515 = arith.index_cast %add3A_433 : i32 to index
        %get3A_516 = arith.constant 48 : index
        %get3A_517 = tpu.vector_load %arg13[%get3A_515, %get3A_516] {strides = array<i32>} : memref<80x64xf32, #tpu.memory_space<vmem>>, vector<16xf32>,
        %add3A_518 = arith.addf %get3A_514, %get3A_517 : vector<16xf32>
        %mul3A_519 = arith.constant 2.000000e-01 : f32
        %mul3A_520 = vector.broadcast %mul3A_519 : f32 to vector<16xf32>
        %mul3A_521 = arith.mulf %mul3A_520, %add3A_518 : vector<16xf32>
        %max3A_522 = arith.maximumf %add3A_518, %mul3A_521 : vector<16xf32>
        %mul3A_523 = arith.mulf %max3A_522, %get3A_29 : vector<16xf32>
        %reduce_sum3A_524 = arith.constant true
        %reduce_sum3A_525 = vector.broadcast %reduce_sum3A_524 : i1 to vector<16xi1>
        %reduce_sum3A_526 = tpu.scan <sum>, %mul3A_523 masked %reduce_sum3A_525 : vector<16xf32>, vector<16xi1> -> vector<16xf32>
        %reduce_sum3A_527 = vector.extract %reduce_sum3A_526[15] : f32 from vector<16xf32>
        %broadcast_in_dim3A_528 = vector.broadcast %reduce_sum3A_527 : f32 to vector<16xf32>
        %exp3A_529 = math.exp %broadcast_in_dim3A_528 : vector<16xf32>
        %mul3A_530 = arith.mulf %get3A_514, %exp3A_529 : vector<16xf32>
        %swap3A_531 = arith.index_cast %add3A_433 : i32 to index
        %swap3A_532 = arith.constant 48 : index
        %swap3A_533 = tpu.vector_load %arg14[%swap3A_531, %swap3A_532] {strides = array<i32>} : memref<80x72xf32, #tpu.memory_space<vmem>>, vector<16xf32>,
        tpu.vector_store %arg14[%swap3A_531, %swap3A_532], %mul3A_530 {strides = array<i32>} : memref<80x72xf32, #tpu.memory_space<vmem>>, vector<16xf32>,
        %eq3A_534 = arith.constant 11 : i32
        %eq3A_535 = vector.broadcast %eq3A_534 : i32 to vector<16xi32>
        %eq3A_536 = arith.cmpi eq, %iota3A, %eq3A_535 : vector<16xi32>
        %select_n3A_537 = arith.select %eq3A_536, %exp3A_529, %select_n3A_511 : vector<16xi1>, vector<16xf32>
        %get3A_538 = arith.index_cast %add3A_433 : i32 to index
        %get3A_539 = arith.constant 56 : index
        %get3A_540 = tpu.vector_load %arg12[%get3A_538, %get3A_539] {strides = array<i32>} : memref<80x72xf32, #tpu.memory_space<vmem>>, vector<16xf32>,
        %mul3A_541 = arith.mulf %get3A_540, %exp3A_529 : vector<16xf32>
        %lt3A_542 = arith.constant 8 : i32
        %lt3A_543 = vector.broadcast %lt3A_542 : i32 to vector<16xi32>
        %lt3A_544 = arith.cmpi slt, %iota3A, %lt3A_543 : vector<16xi32>
        %select_n3A_545 = arith.select %lt3A_544, %mul3A_541, %select_n3A_537 : vector<16xi1>, vector<16xf32>
        %swap3A_546 = arith.index_cast %add3A_433 : i32 to index
        %swap3A_547 = arith.constant 56 : index
        %swap3A_548 = tpu.vector_load %arg14[%swap3A_546, %swap3A_547] {strides = array<i32>} : memref<80x72xf32, #tpu.memory_space<vmem>>, vector<16xf32>,
        tpu.vector_store %arg14[%swap3A_546, %swap3A_547], %select_n3A_545 {strides = array<i32>} : memref<80x72xf32, #tpu.memory_space<vmem>>, vector<16xf32>,
        %scan3A_549 = arith.constant 4 : i32
        %scan3A_550 = arith.addi %scan3A_73, %scan3A_549 : i32
        %mul3A_551 = arith.constant 1 : i32
        %mul3A_552 = arith.muli %scan3A_550, %mul3A_551 : i32
        %add3A_553 = arith.constant 0 : i32
        %add3A_554 = arith.addi %add3A_553, %mul3A_552 : i32
        %get3A_555 = arith.index_cast %add3A_554 : i32 to index
        %get3A_556 = arith.constant 0 : index
        %get3A_557 = tpu.vector_load %arg12[%get3A_555, %get3A_556] {strides = array<i32>} : memref<80x72xf32, #tpu.memory_space<vmem>>, vector<16xf32>,
        %get3A_558 = arith.index_cast %add3A_554 : i32 to index
        %get3A_559 = arith.constant 0 : index
        %get3A_560 = tpu.vector_load %arg13[%get3A_558, %get3A_559] {strides = array<i32>} : memref<80x64xf32, #tpu.memory_space<vmem>>, vector<16xf32>,
        %add3A_561 = arith.addf %get3A_557, %get3A_560 : vector<16xf32>
        %mul3A_562 = arith.constant 2.000000e-01 : f32
        %mul3A_563 = vector.broadcast %mul3A_562 : f32 to vector<16xf32>
        %mul3A_564 = arith.mulf %mul3A_563, %add3A_561 : vector<16xf32>
        %max3A_565 = arith.maximumf %add3A_561, %mul3A_564 : vector<16xf32>
        %mul3A_566 = arith.mulf %max3A_565, %get3A_17 : vector<16xf32>
        %reduce_sum3A_567 = arith.constant true
        %reduce_sum3A_568 = vector.broadcast %reduce_sum3A_567 : i1 to vector<16xi1>
        %reduce_sum3A_569 = tpu.scan <sum>, %mul3A_566 masked %reduce_sum3A_568 : vector<16xf32>, vector<16xi1> -> vector<16xf32>
        %reduce_sum3A_570 = vector.extract %reduce_sum3A_569[15] : f32 from vector<16xf32>
        %broadcast_in_dim3A_571 = vector.broadcast %reduce_sum3A_570 : f32 to vector<16xf32>
        %exp3A_572 = math.exp %broadcast_in_dim3A_571 : vector<16xf32>
        %mul3A_573 = arith.mulf %get3A_557, %exp3A_572 : vector<16xf32>
        %swap3A_574 = arith.index_cast %add3A_554 : i32 to index
        %swap3A_575 = arith.constant 0 : index
        %swap3A_576 = tpu.vector_load %arg14[%swap3A_574, %swap3A_575] {strides = array<i32>} : memref<80x72xf32, #tpu.memory_space<vmem>>, vector<16xf32>,
        tpu.vector_store %arg14[%swap3A_574, %swap3A_575], %mul3A_573 {strides = array<i32>} : memref<80x72xf32, #tpu.memory_space<vmem>>, vector<16xf32>,
        %eq3A_577 = arith.constant 8 : i32
        %eq3A_578 = vector.broadcast %eq3A_577 : i32 to vector<16xi32>
        %eq3A_579 = arith.cmpi eq, %iota3A, %eq3A_578 : vector<16xi32>
        %select_n3A_580 = arith.select %eq3A_579, %exp3A_572, %broadcast_in_dim3A_1 : vector<16xi1>, vector<16xf32>
        %get3A_581 = arith.index_cast %add3A_554 : i32 to index
        %get3A_582 = arith.constant 16 : index
        %get3A_583 = tpu.vector_load %arg12[%get3A_581, %get3A_582] {strides = array<i32>} : memref<80x72xf32, #tpu.memory_space<vmem>>, vector<16xf32>,
        %get3A_584 = arith.index_cast %add3A_554 : i32 to index
        %get3A_585 = arith.constant 16 : index
        %get3A_586 = tpu.vector_load %arg13[%get3A_584, %get3A_585] {strides = array<i32>} : memref<80x64xf32, #tpu.memory_space<vmem>>, vector<16xf32>,
        %add3A_587 = arith.addf %get3A_583, %get3A_586 : vector<16xf32>
        %mul3A_588 = arith.constant 2.000000e-01 : f32
        %mul3A_589 = vector.broadcast %mul3A_588 : f32 to vector<16xf32>
        %mul3A_590 = arith.mulf %mul3A_589, %add3A_587 : vector<16xf32>
        %max3A_591 = arith.maximumf %add3A_587, %mul3A_590 : vector<16xf32>
        %mul3A_592 = arith.mulf %max3A_591, %get3A_21 : vector<16xf32>
        %reduce_sum3A_593 = arith.constant true
        %reduce_sum3A_594 = vector.broadcast %reduce_sum3A_593 : i1 to vector<16xi1>
        %reduce_sum3A_595 = tpu.scan <sum>, %mul3A_592 masked %reduce_sum3A_594 : vector<16xf32>, vector<16xi1> -> vector<16xf32>
        %reduce_sum3A_596 = vector.extract %reduce_sum3A_595[15] : f32 from vector<16xf32>
        %broadcast_in_dim3A_597 = vector.broadcast %reduce_sum3A_596 : f32 to vector<16xf32>
        %exp3A_598 = math.exp %broadcast_in_dim3A_597 : vector<16xf32>
        %mul3A_599 = arith.mulf %get3A_583, %exp3A_598 : vector<16xf32>
        %swap3A_600 = arith.index_cast %add3A_554 : i32 to index
        %swap3A_601 = arith.constant 16 : index
        %swap3A_602 = tpu.vector_load %arg14[%swap3A_600, %swap3A_601] {strides = array<i32>} : memref<80x72xf32, #tpu.memory_space<vmem>>, vector<16xf32>,
        tpu.vector_store %arg14[%swap3A_600, %swap3A_601], %mul3A_599 {strides = array<i32>} : memref<80x72xf32, #tpu.memory_space<vmem>>, vector<16xf32>,
        %eq3A_603 = arith.constant 9 : i32
        %eq3A_604 = vector.broadcast %eq3A_603 : i32 to vector<16xi32>
        %eq3A_605 = arith.cmpi eq, %iota3A, %eq3A_604 : vector<16xi32>
        %select_n3A_606 = arith.select %eq3A_605, %exp3A_598, %select_n3A_580 : vector<16xi1>, vector<16xf32>
        %get3A_607 = arith.index_cast %add3A_554 : i32 to index
        %get3A_608 = arith.constant 32 : index
        %get3A_609 = tpu.vector_load %arg12[%get3A_607, %get3A_608] {strides = array<i32>} : memref<80x72xf32, #tpu.memory_space<vmem>>, vector<16xf32>,
        %get3A_610 = arith.index_cast %add3A_554 : i32 to index
        %get3A_611 = arith.constant 32 : index
        %get3A_612 = tpu.vector_load %arg13[%get3A_610, %get3A_611] {strides = array<i32>} : memref<80x64xf32, #tpu.memory_space<vmem>>, vector<16xf32>,
        %add3A_613 = arith.addf %get3A_609, %get3A_612 : vector<16xf32>
        %mul3A_614 = arith.constant 2.000000e-01 : f32
        %mul3A_615 = vector.broadcast %mul3A_614 : f32 to vector<16xf32>
        %mul3A_616 = arith.mulf %mul3A_615, %add3A_613 : vector<16xf32>
        %max3A_617 = arith.maximumf %add3A_613, %mul3A_616 : vector<16xf32>
        %mul3A_618 = arith.mulf %max3A_617, %get3A_25 : vector<16xf32>
        %reduce_sum3A_619 = arith.constant true
        %reduce_sum3A_620 = vector.broadcast %reduce_sum3A_619 : i1 to vector<16xi1>
        %reduce_sum3A_621 = tpu.scan <sum>, %mul3A_618 masked %reduce_sum3A_620 : vector<16xf32>, vector<16xi1> -> vector<16xf32>
        %reduce_sum3A_622 = vector.extract %reduce_sum3A_621[15] : f32 from vector<16xf32>
        %broadcast_in_dim3A_623 = vector.broadcast %reduce_sum3A_622 : f32 to vector<16xf32>
        %exp3A_624 = math.exp %broadcast_in_dim3A_623 : vector<16xf32>
        %mul3A_625 = arith.mulf %get3A_609, %exp3A_624 : vector<16xf32>
        %swap3A_626 = arith.index_cast %add3A_554 : i32 to index
        %swap3A_627 = arith.constant 32 : index
        %swap3A_628 = tpu.vector_load %arg14[%swap3A_626, %swap3A_627] {strides = array<i32>} : memref<80x72xf32, #tpu.memory_space<vmem>>, vector<16xf32>,
        tpu.vector_store %arg14[%swap3A_626, %swap3A_627], %mul3A_625 {strides = array<i32>} : memref<80x72xf32, #tpu.memory_space<vmem>>, vector<16xf32>,
        %eq3A_629 = arith.constant 10 : i32
        %eq3A_630 = vector.broadcast %eq3A_629 : i32 to vector<16xi32>
        %eq3A_631 = arith.cmpi eq, %iota3A, %eq3A_630 : vector<16xi32>
        %select_n3A_632 = arith.select %eq3A_631, %exp3A_624, %select_n3A_606 : vector<16xi1>, vector<16xf32>
        %get3A_633 = arith.index_cast %add3A_554 : i32 to index
        %get3A_634 = arith.constant 48 : index
        %get3A_635 = tpu.vector_load %arg12[%get3A_633, %get3A_634] {strides = array<i32>} : memref<80x72xf32, #tpu.memory_space<vmem>>, vector<16xf32>,
        %get3A_636 = arith.index_cast %add3A_554 : i32 to index
        %get3A_637 = arith.constant 48 : index
        %get3A_638 = tpu.vector_load %arg13[%get3A_636, %get3A_637] {strides = array<i32>} : memref<80x64xf32, #tpu.memory_space<vmem>>, vector<16xf32>,
        %add3A_639 = arith.addf %get3A_635, %get3A_638 : vector<16xf32>
        %mul3A_640 = arith.constant 2.000000e-01 : f32
        %mul3A_641 = vector.broadcast %mul3A_640 : f32 to vector<16xf32>
        %mul3A_642 = arith.mulf %mul3A_641, %add3A_639 : vector<16xf32>
        %max3A_643 = arith.maximumf %add3A_639, %mul3A_642 : vector<16xf32>
        %mul3A_644 = arith.mulf %max3A_643, %get3A_29 : vector<16xf32>
        %reduce_sum3A_645 = arith.constant true
        %reduce_sum3A_646 = vector.broadcast %reduce_sum3A_645 : i1 to vector<16xi1>
        %reduce_sum3A_647 = tpu.scan <sum>, %mul3A_644 masked %reduce_sum3A_646 : vector<16xf32>, vector<16xi1> -> vector<16xf32>
        %reduce_sum3A_648 = vector.extract %reduce_sum3A_647[15] : f32 from vector<16xf32>
        %broadcast_in_dim3A_649 = vector.broadcast %reduce_sum3A_648 : f32 to vector<16xf32>
        %exp3A_650 = math.exp %broadcast_in_dim3A_649 : vector<16xf32>
        %mul3A_651 = arith.mulf %get3A_635, %exp3A_650 : vector<16xf32>
        %swap3A_652 = arith.index_cast %add3A_554 : i32 to index
        %swap3A_653 = arith.constant 48 : index
        %swap3A_654 = tpu.vector_load %arg14[%swap3A_652, %swap3A_653] {strides = array<i32>} : memref<80x72xf32, #tpu.memory_space<vmem>>, vector<16xf32>,
        tpu.vector_store %arg14[%swap3A_652, %swap3A_653], %mul3A_651 {strides = array<i32>} : memref<80x72xf32, #tpu.memory_space<vmem>>, vector<16xf32>,
        %eq3A_655 = arith.constant 11 : i32
        %eq3A_656 = vector.broadcast %eq3A_655 : i32 to vector<16xi32>
        %eq3A_657 = arith.cmpi eq, %iota3A, %eq3A_656 : vector<16xi32>
        %select_n3A_658 = arith.select %eq3A_657, %exp3A_650, %select_n3A_632 : vector<16xi1>, vector<16xf32>
        %get3A_659 = arith.index_cast %add3A_554 : i32 to index
        %get3A_660 = arith.constant 56 : index
        %get3A_661 = tpu.vector_load %arg12[%get3A_659, %get3A_660] {strides = array<i32>} : memref<80x72xf32, #tpu.memory_space<vmem>>, vector<16xf32>,
        %mul3A_662 = arith.mulf %get3A_661, %exp3A_650 : vector<16xf32>
        %lt3A_663 = arith.constant 8 : i32
        %lt3A_664 = vector.broadcast %lt3A_663 : i32 to vector<16xi32>
        %lt3A_665 = arith.cmpi slt, %iota3A, %lt3A_664 : vector<16xi32>
        %select_n3A_666 = arith.select %lt3A_665, %mul3A_662, %select_n3A_658 : vector<16xi1>, vector<16xf32>
        %swap3A_667 = arith.index_cast %add3A_554 : i32 to index
        %swap3A_668 = arith.constant 56 : index
        %swap3A_669 = tpu.vector_load %arg14[%swap3A_667, %swap3A_668] {strides = array<i32>} : memref<80x72xf32, #tpu.memory_space<vmem>>, vector<16xf32>,
        tpu.vector_store %arg14[%swap3A_667, %swap3A_668], %select_n3A_666 {strides = array<i32>} : memref<80x72xf32, #tpu.memory_space<vmem>>, vector<16xf32>,
        %scan3A_670 = arith.constant 5 : i32
        %scan3A_671 = arith.addi %scan3A_73, %scan3A_670 : i32
        %mul3A_672 = arith.constant 1 : i32
        %mul3A_673 = arith.muli %scan3A_671, %mul3A_672 : i32
        %add3A_674 = arith.constant 0 : i32
        %add3A_675 = arith.addi %add3A_674, %mul3A_673 : i32
        %get3A_676 = arith.index_cast %add3A_675 : i32 to index
        %get3A_677 = arith.constant 0 : index
        %get3A_678 = tpu.vector_load %arg12[%get3A_676, %get3A_677] {strides = array<i32>} : memref<80x72xf32, #tpu.memory_space<vmem>>, vector<16xf32>,
        %get3A_679 = arith.index_cast %add3A_675 : i32 to index
        %get3A_680 = arith.constant 0 : index
        %get3A_681 = tpu.vector_load %arg13[%get3A_679, %get3A_680] {strides = array<i32>} : memref<80x64xf32, #tpu.memory_space<vmem>>, vector<16xf32>,
        %add3A_682 = arith.addf %get3A_678, %get3A_681 : vector<16xf32>
        %mul3A_683 = arith.constant 2.000000e-01 : f32
        %mul3A_684 = vector.broadcast %mul3A_683 : f32 to vector<16xf32>
        %mul3A_685 = arith.mulf %mul3A_684, %add3A_682 : vector<16xf32>
        %max3A_686 = arith.maximumf %add3A_682, %mul3A_685 : vector<16xf32>
        %mul3A_687 = arith.mulf %max3A_686, %get3A_17 : vector<16xf32>
        %reduce_sum3A_688 = arith.constant true
        %reduce_sum3A_689 = vector.broadcast %reduce_sum3A_688 : i1 to vector<16xi1>
        %reduce_sum3A_690 = tpu.scan <sum>, %mul3A_687 masked %reduce_sum3A_689 : vector<16xf32>, vector<16xi1> -> vector<16xf32>
        %reduce_sum3A_691 = vector.extract %reduce_sum3A_690[15] : f32 from vector<16xf32>
        %broadcast_in_dim3A_692 = vector.broadcast %reduce_sum3A_691 : f32 to vector<16xf32>
        %exp3A_693 = math.exp %broadcast_in_dim3A_692 : vector<16xf32>
        %mul3A_694 = arith.mulf %get3A_678, %exp3A_693 : vector<16xf32>
        %swap3A_695 = arith.index_cast %add3A_675 : i32 to index
        %swap3A_696 = arith.constant 0 : index
        %swap3A_697 = tpu.vector_load %arg14[%swap3A_695, %swap3A_696] {strides = array<i32>} : memref<80x72xf32, #tpu.memory_space<vmem>>, vector<16xf32>,
        tpu.vector_store %arg14[%swap3A_695, %swap3A_696], %mul3A_694 {strides = array<i32>} : memref<80x72xf32, #tpu.memory_space<vmem>>, vector<16xf32>,
        %eq3A_698 = arith.constant 8 : i32
        %eq3A_699 = vector.broadcast %eq3A_698 : i32 to vector<16xi32>
        %eq3A_700 = arith.cmpi eq, %iota3A, %eq3A_699 : vector<16xi32>
        %select_n3A_701 = arith.select %eq3A_700, %exp3A_693, %broadcast_in_dim3A_1 : vector<16xi1>, vector<16xf32>
        %get3A_702 = arith.index_cast %add3A_675 : i32 to index
        %get3A_703 = arith.constant 16 : index
        %get3A_704 = tpu.vector_load %arg12[%get3A_702, %get3A_703] {strides = array<i32>} : memref<80x72xf32, #tpu.memory_space<vmem>>, vector<16xf32>,
        %get3A_705 = arith.index_cast %add3A_675 : i32 to index
        %get3A_706 = arith.constant 16 : index
        %get3A_707 = tpu.vector_load %arg13[%get3A_705, %get3A_706] {strides = array<i32>} : memref<80x64xf32, #tpu.memory_space<vmem>>, vector<16xf32>,
        %add3A_708 = arith.addf %get3A_704, %get3A_707 : vector<16xf32>
        %mul3A_709 = arith.constant 2.000000e-01 : f32
        %mul3A_710 = vector.broadcast %mul3A_709 : f32 to vector<16xf32>
        %mul3A_711 = arith.mulf %mul3A_710, %add3A_708 : vector<16xf32>
        %max3A_712 = arith.maximumf %add3A_708, %mul3A_711 : vector<16xf32>
        %mul3A_713 = arith.mulf %max3A_712, %get3A_21 : vector<16xf32>
        %reduce_sum3A_714 = arith.constant true
        %reduce_sum3A_715 = vector.broadcast %reduce_sum3A_714 : i1 to vector<16xi1>
        %reduce_sum3A_716 = tpu.scan <sum>, %mul3A_713 masked %reduce_sum3A_715 : vector<16xf32>, vector<16xi1> -> vector<16xf32>
        %reduce_sum3A_717 = vector.extract %reduce_sum3A_716[15] : f32 from vector<16xf32>
        %broadcast_in_dim3A_718 = vector.broadcast %reduce_sum3A_717 : f32 to vector<16xf32>
        %exp3A_719 = math.exp %broadcast_in_dim3A_718 : vector<16xf32>
        %mul3A_720 = arith.mulf %get3A_704, %exp3A_719 : vector<16xf32>
        %swap3A_721 = arith.index_cast %add3A_675 : i32 to index
        %swap3A_722 = arith.constant 16 : index
        %swap3A_723 = tpu.vector_load %arg14[%swap3A_721, %swap3A_722] {strides = array<i32>} : memref<80x72xf32, #tpu.memory_space<vmem>>, vector<16xf32>,
        tpu.vector_store %arg14[%swap3A_721, %swap3A_722], %mul3A_720 {strides = array<i32>} : memref<80x72xf32, #tpu.memory_space<vmem>>, vector<16xf32>,
        %eq3A_724 = arith.constant 9 : i32
        %eq3A_725 = vector.broadcast %eq3A_724 : i32 to vector<16xi32>
        %eq3A_726 = arith.cmpi eq, %iota3A, %eq3A_725 : vector<16xi32>
        %select_n3A_727 = arith.select %eq3A_726, %exp3A_719, %select_n3A_701 : vector<16xi1>, vector<16xf32>
        %get3A_728 = arith.index_cast %add3A_675 : i32 to index
        %get3A_729 = arith.constant 32 : index
        %get3A_730 = tpu.vector_load %arg12[%get3A_728, %get3A_729] {strides = array<i32>} : memref<80x72xf32, #tpu.memory_space<vmem>>, vector<16xf32>,
        %get3A_731 = arith.index_cast %add3A_675 : i32 to index
        %get3A_732 = arith.constant 32 : index
        %get3A_733 = tpu.vector_load %arg13[%get3A_731, %get3A_732] {strides = array<i32>} : memref<80x64xf32, #tpu.memory_space<vmem>>, vector<16xf32>,
        %add3A_734 = arith.addf %get3A_730, %get3A_733 : vector<16xf32>
        %mul3A_735 = arith.constant 2.000000e-01 : f32
        %mul3A_736 = vector.broadcast %mul3A_735 : f32 to vector<16xf32>
        %mul3A_737 = arith.mulf %mul3A_736, %add3A_734 : vector<16xf32>
        %max3A_738 = arith.maximumf %add3A_734, %mul3A_737 : vector<16xf32>
        %mul3A_739 = arith.mulf %max3A_738, %get3A_25 : vector<16xf32>
        %reduce_sum3A_740 = arith.constant true
        %reduce_sum3A_741 = vector.broadcast %reduce_sum3A_740 : i1 to vector<16xi1>
        %reduce_sum3A_742 = tpu.scan <sum>, %mul3A_739 masked %reduce_sum3A_741 : vector<16xf32>, vector<16xi1> -> vector<16xf32>
        %reduce_sum3A_743 = vector.extract %reduce_sum3A_742[15] : f32 from vector<16xf32>
        %broadcast_in_dim3A_744 = vector.broadcast %reduce_sum3A_743 : f32 to vector<16xf32>
        %exp3A_745 = math.exp %broadcast_in_dim3A_744 : vector<16xf32>
        %mul3A_746 = arith.mulf %get3A_730, %exp3A_745 : vector<16xf32>
        %swap3A_747 = arith.index_cast %add3A_675 : i32 to index
        %swap3A_748 = arith.constant 32 : index
        %swap3A_749 = tpu.vector_load %arg14[%swap3A_747, %swap3A_748] {strides = array<i32>} : memref<80x72xf32, #tpu.memory_space<vmem>>, vector<16xf32>,
        tpu.vector_store %arg14[%swap3A_747, %swap3A_748], %mul3A_746 {strides = array<i32>} : memref<80x72xf32, #tpu.memory_space<vmem>>, vector<16xf32>,
        %eq3A_750 = arith.constant 10 : i32
        %eq3A_751 = vector.broadcast %eq3A_750 : i32 to vector<16xi32>
        %eq3A_752 = arith.cmpi eq, %iota3A, %eq3A_751 : vector<16xi32>
        %select_n3A_753 = arith.select %eq3A_752, %exp3A_745, %select_n3A_727 : vector<16xi1>, vector<16xf32>
        %get3A_754 = arith.index_cast %add3A_675 : i32 to index
        %get3A_755 = arith.constant 48 : index
        %get3A_756 = tpu.vector_load %arg12[%get3A_754, %get3A_755] {strides = array<i32>} : memref<80x72xf32, #tpu.memory_space<vmem>>, vector<16xf32>,
        %get3A_757 = arith.index_cast %add3A_675 : i32 to index
        %get3A_758 = arith.constant 48 : index
        %get3A_759 = tpu.vector_load %arg13[%get3A_757, %get3A_758] {strides = array<i32>} : memref<80x64xf32, #tpu.memory_space<vmem>>, vector<16xf32>,
        %add3A_760 = arith.addf %get3A_756, %get3A_759 : vector<16xf32>
        %mul3A_761 = arith.constant 2.000000e-01 : f32
        %mul3A_762 = vector.broadcast %mul3A_761 : f32 to vector<16xf32>
        %mul3A_763 = arith.mulf %mul3A_762, %add3A_760 : vector<16xf32>
        %max3A_764 = arith.maximumf %add3A_760, %mul3A_763 : vector<16xf32>
        %mul3A_765 = arith.mulf %max3A_764, %get3A_29 : vector<16xf32>
        %reduce_sum3A_766 = arith.constant true
        %reduce_sum3A_767 = vector.broadcast %reduce_sum3A_766 : i1 to vector<16xi1>
        %reduce_sum3A_768 = tpu.scan <sum>, %mul3A_765 masked %reduce_sum3A_767 : vector<16xf32>, vector<16xi1> -> vector<16xf32>
        %reduce_sum3A_769 = vector.extract %reduce_sum3A_768[15] : f32 from vector<16xf32>
        %broadcast_in_dim3A_770 = vector.broadcast %reduce_sum3A_769 : f32 to vector<16xf32>
        %exp3A_771 = math.exp %broadcast_in_dim3A_770 : vector<16xf32>
        %mul3A_772 = arith.mulf %get3A_756, %exp3A_771 : vector<16xf32>
        %swap3A_773 = arith.index_cast %add3A_675 : i32 to index
        %swap3A_774 = arith.constant 48 : index
        %swap3A_775 = tpu.vector_load %arg14[%swap3A_773, %swap3A_774] {strides = array<i32>} : memref<80x72xf32, #tpu.memory_space<vmem>>, vector<16xf32>,
        tpu.vector_store %arg14[%swap3A_773, %swap3A_774], %mul3A_772 {strides = array<i32>} : memref<80x72xf32, #tpu.memory_space<vmem>>, vector<16xf32>,
        %eq3A_776 = arith.constant 11 : i32
        %eq3A_777 = vector.broadcast %eq3A_776 : i32 to vector<16xi32>
        %eq3A_778 = arith.cmpi eq, %iota3A, %eq3A_777 : vector<16xi32>
        %select_n3A_779 = arith.select %eq3A_778, %exp3A_771, %select_n3A_753 : vector<16xi1>, vector<16xf32>
        %get3A_780 = arith.index_cast %add3A_675 : i32 to index
        %get3A_781 = arith.constant 56 : index
        %get3A_782 = tpu.vector_load %arg12[%get3A_780, %get3A_781] {strides = array<i32>} : memref<80x72xf32, #tpu.memory_space<vmem>>, vector<16xf32>,
        %mul3A_783 = arith.mulf %get3A_782, %exp3A_771 : vector<16xf32>
        %lt3A_784 = arith.constant 8 : i32
        %lt3A_785 = vector.broadcast %lt3A_784 : i32 to vector<16xi32>
        %lt3A_786 = arith.cmpi slt, %iota3A, %lt3A_785 : vector<16xi32>
        %select_n3A_787 = arith.select %lt3A_786, %mul3A_783, %select_n3A_779 : vector<16xi1>, vector<16xf32>
        %swap3A_788 = arith.index_cast %add3A_675 : i32 to index
        %swap3A_789 = arith.constant 56 : index
        %swap3A_790 = tpu.vector_load %arg14[%swap3A_788, %swap3A_789] {strides = array<i32>} : memref<80x72xf32, #tpu.memory_space<vmem>>, vector<16xf32>,
        tpu.vector_store %arg14[%swap3A_788, %swap3A_789], %select_n3A_787 {strides = array<i32>} : memref<80x72xf32, #tpu.memory_space<vmem>>, vector<16xf32>,
        %scan3A_791 = arith.constant 6 : i32
        %scan3A_792 = arith.addi %scan3A_73, %scan3A_791 : i32
        %mul3A_793 = arith.constant 1 : i32
        %mul3A_794 = arith.muli %scan3A_792, %mul3A_793 : i32
        %add3A_795 = arith.constant 0 : i32
        %add3A_796 = arith.addi %add3A_795, %mul3A_794 : i32
        %get3A_797 = arith.index_cast %add3A_796 : i32 to index
        %get3A_798 = arith.constant 0 : index
        %get3A_799 = tpu.vector_load %arg12[%get3A_797, %get3A_798] {strides = array<i32>} : memref<80x72xf32, #tpu.memory_space<vmem>>, vector<16xf32>,
        %get3A_800 = arith.index_cast %add3A_796 : i32 to index
        %get3A_801 = arith.constant 0 : index
        %get3A_802 = tpu.vector_load %arg13[%get3A_800, %get3A_801] {strides = array<i32>} : memref<80x64xf32, #tpu.memory_space<vmem>>, vector<16xf32>,
        %add3A_803 = arith.addf %get3A_799, %get3A_802 : vector<16xf32>
        %mul3A_804 = arith.constant 2.000000e-01 : f32
        %mul3A_805 = vector.broadcast %mul3A_804 : f32 to vector<16xf32>
        %mul3A_806 = arith.mulf %mul3A_805, %add3A_803 : vector<16xf32>
        %max3A_807 = arith.maximumf %add3A_803, %mul3A_806 : vector<16xf32>
        %mul3A_808 = arith.mulf %max3A_807, %get3A_17 : vector<16xf32>
        %reduce_sum3A_809 = arith.constant true
        %reduce_sum3A_810 = vector.broadcast %reduce_sum3A_809 : i1 to vector<16xi1>
        %reduce_sum3A_811 = tpu.scan <sum>, %mul3A_808 masked %reduce_sum3A_810 : vector<16xf32>, vector<16xi1> -> vector<16xf32>
        %reduce_sum3A_812 = vector.extract %reduce_sum3A_811[15] : f32 from vector<16xf32>
        %broadcast_in_dim3A_813 = vector.broadcast %reduce_sum3A_812 : f32 to vector<16xf32>
        %exp3A_814 = math.exp %broadcast_in_dim3A_813 : vector<16xf32>
        %mul3A_815 = arith.mulf %get3A_799, %exp3A_814 : vector<16xf32>
        %swap3A_816 = arith.index_cast %add3A_796 : i32 to index
        %swap3A_817 = arith.constant 0 : index
        %swap3A_818 = tpu.vector_load %arg14[%swap3A_816, %swap3A_817] {strides = array<i32>} : memref<80x72xf32, #tpu.memory_space<vmem>>, vector<16xf32>,
        tpu.vector_store %arg14[%swap3A_816, %swap3A_817], %mul3A_815 {strides = array<i32>} : memref<80x72xf32, #tpu.memory_space<vmem>>, vector<16xf32>,
        %eq3A_819 = arith.constant 8 : i32
        %eq3A_820 = vector.broadcast %eq3A_819 : i32 to vector<16xi32>
        %eq3A_821 = arith.cmpi eq, %iota3A, %eq3A_820 : vector<16xi32>
        %select_n3A_822 = arith.select %eq3A_821, %exp3A_814, %broadcast_in_dim3A_1 : vector<16xi1>, vector<16xf32>
        %get3A_823 = arith.index_cast %add3A_796 : i32 to index
        %get3A_824 = arith.constant 16 : index
        %get3A_825 = tpu.vector_load %arg12[%get3A_823, %get3A_824] {strides = array<i32>} : memref<80x72xf32, #tpu.memory_space<vmem>>, vector<16xf32>,
        %get3A_826 = arith.index_cast %add3A_796 : i32 to index
        %get3A_827 = arith.constant 16 : index
        %get3A_828 = tpu.vector_load %arg13[%get3A_826, %get3A_827] {strides = array<i32>} : memref<80x64xf32, #tpu.memory_space<vmem>>, vector<16xf32>,
        %add3A_829 = arith.addf %get3A_825, %get3A_828 : vector<16xf32>
        %mul3A_830 = arith.constant 2.000000e-01 : f32
        %mul3A_831 = vector.broadcast %mul3A_830 : f32 to vector<16xf32>
        %mul3A_832 = arith.mulf %mul3A_831, %add3A_829 : vector<16xf32>
        %max3A_833 = arith.maximumf %add3A_829, %mul3A_832 : vector<16xf32>
        %mul3A_834 = arith.mulf %max3A_833, %get3A_21 : vector<16xf32>
        %reduce_sum3A_835 = arith.constant true
        %reduce_sum3A_836 = vector.broadcast %reduce_sum3A_835 : i1 to vector<16xi1>
        %reduce_sum3A_837 = tpu.scan <sum>, %mul3A_834 masked %reduce_sum3A_836 : vector<16xf32>, vector<16xi1> -> vector<16xf32>
        %reduce_sum3A_838 = vector.extract %reduce_sum3A_837[15] : f32 from vector<16xf32>
        %broadcast_in_dim3A_839 = vector.broadcast %reduce_sum3A_838 : f32 to vector<16xf32>
        %exp3A_840 = math.exp %broadcast_in_dim3A_839 : vector<16xf32>
        %mul3A_841 = arith.mulf %get3A_825, %exp3A_840 : vector<16xf32>
        %swap3A_842 = arith.index_cast %add3A_796 : i32 to index
        %swap3A_843 = arith.constant 16 : index
        %swap3A_844 = tpu.vector_load %arg14[%swap3A_842, %swap3A_843] {strides = array<i32>} : memref<80x72xf32, #tpu.memory_space<vmem>>, vector<16xf32>,
        tpu.vector_store %arg14[%swap3A_842, %swap3A_843], %mul3A_841 {strides = array<i32>} : memref<80x72xf32, #tpu.memory_space<vmem>>, vector<16xf32>,
        %eq3A_845 = arith.constant 9 : i32
        %eq3A_846 = vector.broadcast %eq3A_845 : i32 to vector<16xi32>
        %eq3A_847 = arith.cmpi eq, %iota3A, %eq3A_846 : vector<16xi32>
        %select_n3A_848 = arith.select %eq3A_847, %exp3A_840, %select_n3A_822 : vector<16xi1>, vector<16xf32>
        %get3A_849 = arith.index_cast %add3A_796 : i32 to index
        %get3A_850 = arith.constant 32 : index
        %get3A_851 = tpu.vector_load %arg12[%get3A_849, %get3A_850] {strides = array<i32>} : memref<80x72xf32, #tpu.memory_space<vmem>>, vector<16xf32>,
        %get3A_852 = arith.index_cast %add3A_796 : i32 to index
        %get3A_853 = arith.constant 32 : index
        %get3A_854 = tpu.vector_load %arg13[%get3A_852, %get3A_853] {strides = array<i32>} : memref<80x64xf32, #tpu.memory_space<vmem>>, vector<16xf32>,
        %add3A_855 = arith.addf %get3A_851, %get3A_854 : vector<16xf32>
        %mul3A_856 = arith.constant 2.000000e-01 : f32
        %mul3A_857 = vector.broadcast %mul3A_856 : f32 to vector<16xf32>
        %mul3A_858 = arith.mulf %mul3A_857, %add3A_855 : vector<16xf32>
        %max3A_859 = arith.maximumf %add3A_855, %mul3A_858 : vector<16xf32>
        %mul3A_860 = arith.mulf %max3A_859, %get3A_25 : vector<16xf32>
        %reduce_sum3A_861 = arith.constant true
        %reduce_sum3A_862 = vector.broadcast %reduce_sum3A_861 : i1 to vector<16xi1>
        %reduce_sum3A_863 = tpu.scan <sum>, %mul3A_860 masked %reduce_sum3A_862 : vector<16xf32>, vector<16xi1> -> vector<16xf32>
        %reduce_sum3A_864 = vector.extract %reduce_sum3A_863[15] : f32 from vector<16xf32>
        %broadcast_in_dim3A_865 = vector.broadcast %reduce_sum3A_864 : f32 to vector<16xf32>
        %exp3A_866 = math.exp %broadcast_in_dim3A_865 : vector<16xf32>
        %mul3A_867 = arith.mulf %get3A_851, %exp3A_866 : vector<16xf32>
        %swap3A_868 = arith.index_cast %add3A_796 : i32 to index
        %swap3A_869 = arith.constant 32 : index
        %swap3A_870 = tpu.vector_load %arg14[%swap3A_868, %swap3A_869] {strides = array<i32>} : memref<80x72xf32, #tpu.memory_space<vmem>>, vector<16xf32>,
        tpu.vector_store %arg14[%swap3A_868, %swap3A_869], %mul3A_867 {strides = array<i32>} : memref<80x72xf32, #tpu.memory_space<vmem>>, vector<16xf32>,
        %eq3A_871 = arith.constant 10 : i32
        %eq3A_872 = vector.broadcast %eq3A_871 : i32 to vector<16xi32>
        %eq3A_873 = arith.cmpi eq, %iota3A, %eq3A_872 : vector<16xi32>
        %select_n3A_874 = arith.select %eq3A_873, %exp3A_866, %select_n3A_848 : vector<16xi1>, vector<16xf32>
        %get3A_875 = arith.index_cast %add3A_796 : i32 to index
        %get3A_876 = arith.constant 48 : index
        %get3A_877 = tpu.vector_load %arg12[%get3A_875, %get3A_876] {strides = array<i32>} : memref<80x72xf32, #tpu.memory_space<vmem>>, vector<16xf32>,
        %get3A_878 = arith.index_cast %add3A_796 : i32 to index
        %get3A_879 = arith.constant 48 : index
        %get3A_880 = tpu.vector_load %arg13[%get3A_878, %get3A_879] {strides = array<i32>} : memref<80x64xf32, #tpu.memory_space<vmem>>, vector<16xf32>,
        %add3A_881 = arith.addf %get3A_877, %get3A_880 : vector<16xf32>
        %mul3A_882 = arith.constant 2.000000e-01 : f32
        %mul3A_883 = vector.broadcast %mul3A_882 : f32 to vector<16xf32>
        %mul3A_884 = arith.mulf %mul3A_883, %add3A_881 : vector<16xf32>
        %max3A_885 = arith.maximumf %add3A_881, %mul3A_884 : vector<16xf32>
        %mul3A_886 = arith.mulf %max3A_885, %get3A_29 : vector<16xf32>
        %reduce_sum3A_887 = arith.constant true
        %reduce_sum3A_888 = vector.broadcast %reduce_sum3A_887 : i1 to vector<16xi1>
        %reduce_sum3A_889 = tpu.scan <sum>, %mul3A_886 masked %reduce_sum3A_888 : vector<16xf32>, vector<16xi1> -> vector<16xf32>
        %reduce_sum3A_890 = vector.extract %reduce_sum3A_889[15] : f32 from vector<16xf32>
        %broadcast_in_dim3A_891 = vector.broadcast %reduce_sum3A_890 : f32 to vector<16xf32>
        %exp3A_892 = math.exp %broadcast_in_dim3A_891 : vector<16xf32>
        %mul3A_893 = arith.mulf %get3A_877, %exp3A_892 : vector<16xf32>
        %swap3A_894 = arith.index_cast %add3A_796 : i32 to index
        %swap3A_895 = arith.constant 48 : index
        %swap3A_896 = tpu.vector_load %arg14[%swap3A_894, %swap3A_895] {strides = array<i32>} : memref<80x72xf32, #tpu.memory_space<vmem>>, vector<16xf32>,
        tpu.vector_store %arg14[%swap3A_894, %swap3A_895], %mul3A_893 {strides = array<i32>} : memref<80x72xf32, #tpu.memory_space<vmem>>, vector<16xf32>,
        %eq3A_897 = arith.constant 11 : i32
        %eq3A_898 = vector.broadcast %eq3A_897 : i32 to vector<16xi32>
        %eq3A_899 = arith.cmpi eq, %iota3A, %eq3A_898 : vector<16xi32>
        %select_n3A_900 = arith.select %eq3A_899, %exp3A_892, %select_n3A_874 : vector<16xi1>, vector<16xf32>
        %get3A_901 = arith.index_cast %add3A_796 : i32 to index
        %get3A_902 = arith.constant 56 : index
        %get3A_903 = tpu.vector_load %arg12[%get3A_901, %get3A_902] {strides = array<i32>} : memref<80x72xf32, #tpu.memory_space<vmem>>, vector<16xf32>,
        %mul3A_904 = arith.mulf %get3A_903, %exp3A_892 : vector<16xf32>
        %lt3A_905 = arith.constant 8 : i32
        %lt3A_906 = vector.broadcast %lt3A_905 : i32 to vector<16xi32>
        %lt3A_907 = arith.cmpi slt, %iota3A, %lt3A_906 : vector<16xi32>
        %select_n3A_908 = arith.select %lt3A_907, %mul3A_904, %select_n3A_900 : vector<16xi1>, vector<16xf32>
        %swap3A_909 = arith.index_cast %add3A_796 : i32 to index
        %swap3A_910 = arith.constant 56 : index
        %swap3A_911 = tpu.vector_load %arg14[%swap3A_909, %swap3A_910] {strides = array<i32>} : memref<80x72xf32, #tpu.memory_space<vmem>>, vector<16xf32>,
        tpu.vector_store %arg14[%swap3A_909, %swap3A_910], %select_n3A_908 {strides = array<i32>} : memref<80x72xf32, #tpu.memory_space<vmem>>, vector<16xf32>,
        %scan3A_912 = arith.constant 7 : i32
        %scan3A_913 = arith.addi %scan3A_73, %scan3A_912 : i32
        %mul3A_914 = arith.constant 1 : i32
        %mul3A_915 = arith.muli %scan3A_913, %mul3A_914 : i32
        %add3A_916 = arith.constant 0 : i32
        %add3A_917 = arith.addi %add3A_916, %mul3A_915 : i32
        %get3A_918 = arith.index_cast %add3A_917 : i32 to index
        %get3A_919 = arith.constant 0 : index
        %get3A_920 = tpu.vector_load %arg12[%get3A_918, %get3A_919] {strides = array<i32>} : memref<80x72xf32, #tpu.memory_space<vmem>>, vector<16xf32>,
        %get3A_921 = arith.index_cast %add3A_917 : i32 to index
        %get3A_922 = arith.constant 0 : index
        %get3A_923 = tpu.vector_load %arg13[%get3A_921, %get3A_922] {strides = array<i32>} : memref<80x64xf32, #tpu.memory_space<vmem>>, vector<16xf32>,
        %add3A_924 = arith.addf %get3A_920, %get3A_923 : vector<16xf32>
        %mul3A_925 = arith.constant 2.000000e-01 : f32
        %mul3A_926 = vector.broadcast %mul3A_925 : f32 to vector<16xf32>
        %mul3A_927 = arith.mulf %mul3A_926, %add3A_924 : vector<16xf32>
        %max3A_928 = arith.maximumf %add3A_924, %mul3A_927 : vector<16xf32>
        %mul3A_929 = arith.mulf %max3A_928, %get3A_17 : vector<16xf32>
        %reduce_sum3A_930 = arith.constant true
        %reduce_sum3A_931 = vector.broadcast %reduce_sum3A_930 : i1 to vector<16xi1>
        %reduce_sum3A_932 = tpu.scan <sum>, %mul3A_929 masked %reduce_sum3A_931 : vector<16xf32>, vector<16xi1> -> vector<16xf32>
        %reduce_sum3A_933 = vector.extract %reduce_sum3A_932[15] : f32 from vector<16xf32>
        %broadcast_in_dim3A_934 = vector.broadcast %reduce_sum3A_933 : f32 to vector<16xf32>
        %exp3A_935 = math.exp %broadcast_in_dim3A_934 : vector<16xf32>
        %mul3A_936 = arith.mulf %get3A_920, %exp3A_935 : vector<16xf32>
        %swap3A_937 = arith.index_cast %add3A_917 : i32 to index
        %swap3A_938 = arith.constant 0 : index
        %swap3A_939 = tpu.vector_load %arg14[%swap3A_937, %swap3A_938] {strides = array<i32>} : memref<80x72xf32, #tpu.memory_space<vmem>>, vector<16xf32>,
        tpu.vector_store %arg14[%swap3A_937, %swap3A_938], %mul3A_936 {strides = array<i32>} : memref<80x72xf32, #tpu.memory_space<vmem>>, vector<16xf32>,
        %eq3A_940 = arith.constant 8 : i32
        %eq3A_941 = vector.broadcast %eq3A_940 : i32 to vector<16xi32>
        %eq3A_942 = arith.cmpi eq, %iota3A, %eq3A_941 : vector<16xi32>
        %select_n3A_943 = arith.select %eq3A_942, %exp3A_935, %broadcast_in_dim3A_1 : vector<16xi1>, vector<16xf32>
        %get3A_944 = arith.index_cast %add3A_917 : i32 to index
        %get3A_945 = arith.constant 16 : index
        %get3A_946 = tpu.vector_load %arg12[%get3A_944, %get3A_945] {strides = array<i32>} : memref<80x72xf32, #tpu.memory_space<vmem>>, vector<16xf32>,
        %get3A_947 = arith.index_cast %add3A_917 : i32 to index
        %get3A_948 = arith.constant 16 : index
        %get3A_949 = tpu.vector_load %arg13[%get3A_947, %get3A_948] {strides = array<i32>} : memref<80x64xf32, #tpu.memory_space<vmem>>, vector<16xf32>,
        %add3A_950 = arith.addf %get3A_946, %get3A_949 : vector<16xf32>
        %mul3A_951 = arith.constant 2.000000e-01 : f32
        %mul3A_952 = vector.broadcast %mul3A_951 : f32 to vector<16xf32>
        %mul3A_953 = arith.mulf %mul3A_952, %add3A_950 : vector<16xf32>
        %max3A_954 = arith.maximumf %add3A_950, %mul3A_953 : vector<16xf32>
        %mul3A_955 = arith.mulf %max3A_954, %get3A_21 : vector<16xf32>
        %reduce_sum3A_956 = arith.constant true
        %reduce_sum3A_957 = vector.broadcast %reduce_sum3A_956 : i1 to vector<16xi1>
        %reduce_sum3A_958 = tpu.scan <sum>, %mul3A_955 masked %reduce_sum3A_957 : vector<16xf32>, vector<16xi1> -> vector<16xf32>
        %reduce_sum3A_959 = vector.extract %reduce_sum3A_958[15] : f32 from vector<16xf32>
        %broadcast_in_dim3A_960 = vector.broadcast %reduce_sum3A_959 : f32 to vector<16xf32>
        %exp3A_961 = math.exp %broadcast_in_dim3A_960 : vector<16xf32>
        %mul3A_962 = arith.mulf %get3A_946, %exp3A_961 : vector<16xf32>
        %swap3A_963 = arith.index_cast %add3A_917 : i32 to index
        %swap3A_964 = arith.constant 16 : index
        %swap3A_965 = tpu.vector_load %arg14[%swap3A_963, %swap3A_964] {strides = array<i32>} : memref<80x72xf32, #tpu.memory_space<vmem>>, vector<16xf32>,
        tpu.vector_store %arg14[%swap3A_963, %swap3A_964], %mul3A_962 {strides = array<i32>} : memref<80x72xf32, #tpu.memory_space<vmem>>, vector<16xf32>,
        %eq3A_966 = arith.constant 9 : i32
        %eq3A_967 = vector.broadcast %eq3A_966 : i32 to vector<16xi32>
        %eq3A_968 = arith.cmpi eq, %iota3A, %eq3A_967 : vector<16xi32>
        %select_n3A_969 = arith.select %eq3A_968, %exp3A_961, %select_n3A_943 : vector<16xi1>, vector<16xf32>
        %get3A_970 = arith.index_cast %add3A_917 : i32 to index
        %get3A_971 = arith.constant 32 : index
        %get3A_972 = tpu.vector_load %arg12[%get3A_970, %get3A_971] {strides = array<i32>} : memref<80x72xf32, #tpu.memory_space<vmem>>, vector<16xf32>,
        %get3A_973 = arith.index_cast %add3A_917 : i32 to index
        %get3A_974 = arith.constant 32 : index
        %get3A_975 = tpu.vector_load %arg13[%get3A_973, %get3A_974] {strides = array<i32>} : memref<80x64xf32, #tpu.memory_space<vmem>>, vector<16xf32>,
        %add3A_976 = arith.addf %get3A_972, %get3A_975 : vector<16xf32>
        %mul3A_977 = arith.constant 2.000000e-01 : f32
        %mul3A_978 = vector.broadcast %mul3A_977 : f32 to vector<16xf32>
        %mul3A_979 = arith.mulf %mul3A_978, %add3A_976 : vector<16xf32>
        %max3A_980 = arith.maximumf %add3A_976, %mul3A_979 : vector<16xf32>
        %mul3A_981 = arith.mulf %max3A_980, %get3A_25 : vector<16xf32>
        %reduce_sum3A_982 = arith.constant true
        %reduce_sum3A_983 = vector.broadcast %reduce_sum3A_982 : i1 to vector<16xi1>
        %reduce_sum3A_984 = tpu.scan <sum>, %mul3A_981 masked %reduce_sum3A_983 : vector<16xf32>, vector<16xi1> -> vector<16xf32>
        %reduce_sum3A_985 = vector.extract %reduce_sum3A_984[15] : f32 from vector<16xf32>
        %broadcast_in_dim3A_986 = vector.broadcast %reduce_sum3A_985 : f32 to vector<16xf32>
        %exp3A_987 = math.exp %broadcast_in_dim3A_986 : vector<16xf32>
        %mul3A_988 = arith.mulf %get3A_972, %exp3A_987 : vector<16xf32>
        %swap3A_989 = arith.index_cast %add3A_917 : i32 to index
        %swap3A_990 = arith.constant 32 : index
        %swap3A_991 = tpu.vector_load %arg14[%swap3A_989, %swap3A_990] {strides = array<i32>} : memref<80x72xf32, #tpu.memory_space<vmem>>, vector<16xf32>,
        tpu.vector_store %arg14[%swap3A_989, %swap3A_990], %mul3A_988 {strides = array<i32>} : memref<80x72xf32, #tpu.memory_space<vmem>>, vector<16xf32>,
        %eq3A_992 = arith.constant 10 : i32
        %eq3A_993 = vector.broadcast %eq3A_992 : i32 to vector<16xi32>
        %eq3A_994 = arith.cmpi eq, %iota3A, %eq3A_993 : vector<16xi32>
        %select_n3A_995 = arith.select %eq3A_994, %exp3A_987, %select_n3A_969 : vector<16xi1>, vector<16xf32>
        %get3A_996 = arith.index_cast %add3A_917 : i32 to index
        %get3A_997 = arith.constant 48 : index
        %get3A_998 = tpu.vector_load %arg12[%get3A_996, %get3A_997] {strides = array<i32>} : memref<80x72xf32, #tpu.memory_space<vmem>>, vector<16xf32>,
        %get3A_999 = arith.index_cast %add3A_917 : i32 to index
        %get3A_1000 = arith.constant 48 : index
        %get3A_1001 = tpu.vector_load %arg13[%get3A_999, %get3A_1000] {strides = array<i32>} : memref<80x64xf32, #tpu.memory_space<vmem>>, vector<16xf32>,
        %add3A_1002 = arith.addf %get3A_998, %get3A_1001 : vector<16xf32>
        %mul3A_1003 = arith.constant 2.000000e-01 : f32
        %mul3A_1004 = vector.broadcast %mul3A_1003 : f32 to vector<16xf32>
        %mul3A_1005 = arith.mulf %mul3A_1004, %add3A_1002 : vector<16xf32>
        %max3A_1006 = arith.maximumf %add3A_1002, %mul3A_1005 : vector<16xf32>
        %mul3A_1007 = arith.mulf %max3A_1006, %get3A_29 : vector<16xf32>
        %reduce_sum3A_1008 = arith.constant true
        %reduce_sum3A_1009 = vector.broadcast %reduce_sum3A_1008 : i1 to vector<16xi1>
        %reduce_sum3A_1010 = tpu.scan <sum>, %mul3A_1007 masked %reduce_sum3A_1009 : vector<16xf32>, vector<16xi1> -> vector<16xf32>
        %reduce_sum3A_1011 = vector.extract %reduce_sum3A_1010[15] : f32 from vector<16xf32>
        %broadcast_in_dim3A_1012 = vector.broadcast %reduce_sum3A_1011 : f32 to vector<16xf32>
        %exp3A_1013 = math.exp %broadcast_in_dim3A_1012 : vector<16xf32>
        %mul3A_1014 = arith.mulf %get3A_998, %exp3A_1013 : vector<16xf32>
        %swap3A_1015 = arith.index_cast %add3A_917 : i32 to index
        %swap3A_1016 = arith.constant 48 : index
        %swap3A_1017 = tpu.vector_load %arg14[%swap3A_1015, %swap3A_1016] {strides = array<i32>} : memref<80x72xf32, #tpu.memory_space<vmem>>, vector<16xf32>,
        tpu.vector_store %arg14[%swap3A_1015, %swap3A_1016], %mul3A_1014 {strides = array<i32>} : memref<80x72xf32, #tpu.memory_space<vmem>>, vector<16xf32>,
        %eq3A_1018 = arith.constant 11 : i32
        %eq3A_1019 = vector.broadcast %eq3A_1018 : i32 to vector<16xi32>
        %eq3A_1020 = arith.cmpi eq, %iota3A, %eq3A_1019 : vector<16xi32>
        %select_n3A_1021 = arith.select %eq3A_1020, %exp3A_1013, %select_n3A_995 : vector<16xi1>, vector<16xf32>
        %get3A_1022 = arith.index_cast %add3A_917 : i32 to index
        %get3A_1023 = arith.constant 56 : index
        %get3A_1024 = tpu.vector_load %arg12[%get3A_1022, %get3A_1023] {strides = array<i32>} : memref<80x72xf32, #tpu.memory_space<vmem>>, vector<16xf32>,
        %mul3A_1025 = arith.mulf %get3A_1024, %exp3A_1013 : vector<16xf32>
        %lt3A_1026 = arith.constant 8 : i32
        %lt3A_1027 = vector.broadcast %lt3A_1026 : i32 to vector<16xi32>
        %lt3A_1028 = arith.cmpi slt, %iota3A, %lt3A_1027 : vector<16xi32>
        %select_n3A_1029 = arith.select %lt3A_1028, %mul3A_1025, %select_n3A_1021 : vector<16xi1>, vector<16xf32>
        %swap3A_1030 = arith.index_cast %add3A_917 : i32 to index
        %swap3A_1031 = arith.constant 56 : index
        %swap3A_1032 = tpu.vector_load %arg14[%swap3A_1030, %swap3A_1031] {strides = array<i32>} : memref<80x72xf32, #tpu.memory_space<vmem>>, vector<16xf32>,
        tpu.vector_store %arg14[%swap3A_1030, %swap3A_1031], %select_n3A_1029 {strides = array<i32>} : memref<80x72xf32, #tpu.memory_space<vmem>>, vector<16xf32>,
      }
      %scan3A_72 = arith.constant 80 : i32
      "tpu.region"() ({
        %run_scoped3A = tpu.sem_alloc : memref<!tpu.dma_semaphore, #tpu.memory_space<semaphore_mem>>
        %dma_start3A_73 = arith.constant 0 : i32
        %dma_start3A_74 = arith.constant 0 : i32
        %dma_start3A_75 = tpu.memref_slice %arg15[%dma_start3A_73, %dma_start3A_74] : memref<25088x72xf32, #tpu.memory_space<vmem_shared>> -> memref<25088x72xf32, #tpu.memory_space<vmem_shared>>
        tpu.enqueue_indirect_dma source(%arg14 : memref<80x72xf32, #tpu.memory_space<vmem>>) target(%dma_start3A_75 : memref<25088x72xf32, #tpu.memory_space<vmem_shared>>) offsets(%arg11 : memref<80xi32, #tpu.memory_space<vmem>>) semaphore(%run_scoped3A : memref<!tpu.dma_semaphore, #tpu.memory_space<semaphore_mem>>) {add = true}
        %dma_wait3A_76 = arith.constant 0 : i32
        %dma_wait3A_77 = arith.constant 0 : i32
        %dma_wait3A_78 = tpu.memref_slice %arg15[%dma_wait3A_76, %dma_wait3A_77] : memref<25088x72xf32, #tpu.memory_space<vmem_shared>> -> memref<25088x72xf32, #tpu.memory_space<vmem_shared>>
        tpu.wait_indirect_dma semaphore(%run_scoped3A : memref<!tpu.dma_semaphore, #tpu.memory_space<semaphore_mem>>) src(%arg14 : memref<80x72xf32, #tpu.memory_space<vmem>>) dst(%dma_wait3A_78 : memref<25088x72xf32, #tpu.memory_space<vmem_shared>>)
        tpu.yield
      }) : () -> ()
    }
    %scan3A_36 = arith.constant 625 : i32
    %barrier3A_37 = arith.constant 0 : index
    tpu.barrier barrier_id(%barrier3A_37)
    %mul3A_38 = arith.constant 1568 : i32
    %mul3A_39 = arith.muli %arg1, %mul3A_38 : i32
    %mul3A_40 = arith.constant 25088 : i32
    %mul3A_41 = arith.muli %arg0, %mul3A_40 : i32
    %mul3A_42 = arith.constant 1568 : i32
    %mul3A_43 = arith.muli %arg1, %mul3A_42 : i32
    %add3A_44 = arith.addi %mul3A_41, %mul3A_43 : i32
    "tpu.region"() ({
      %run_scoped3A = tpu.sem_alloc : memref<!tpu.dma_semaphore, #tpu.memory_space<semaphore_mem>>
      %dma_start3A = arith.constant 0 : i32
      %dma_start3A_45 = tpu.memref_slice %arg7[%add3A_44, %dma_start3A] : memref<50176x72xf32, #tpu.memory_space<hbm>> -> memref<1568x72xf32, #tpu.memory_space<hbm>>
      %dma_start3A_46 = arith.constant 0 : i32
      %dma_start3A_47 = tpu.memref_slice %arg15[%mul3A_39, %dma_start3A_46] : memref<25088x72xf32, #tpu.memory_space<vmem_shared>> -> memref<1568x72xf32, #tpu.memory_space<vmem_shared>>
      tpu.enqueue_dma source(%dma_start3A_47 : memref<1568x72xf32, #tpu.memory_space<vmem_shared>>) target(%dma_start3A_45 : memref<1568x72xf32, #tpu.memory_space<hbm>>) target_semaphore(%run_scoped3A : memref<!tpu.dma_semaphore, #tpu.memory_space<semaphore_mem>>)
      %dma_wait3A = arith.constant 0 : i32
      %dma_wait3A_48 = tpu.memref_slice %arg7[%add3A_44, %dma_wait3A] : memref<50176x72xf32, #tpu.memory_space<hbm>> -> memref<1568x72xf32, #tpu.memory_space<hbm>>
      %dma_wait3A_49 = arith.constant 0 : i32
      %dma_wait3A_50 = tpu.memref_slice %arg15[%mul3A_39, %dma_wait3A_49] : memref<25088x72xf32, #tpu.memory_space<vmem_shared>> -> memref<1568x72xf32, #tpu.memory_space<vmem_shared>>
      tpu.wait_dma2 semaphore(%run_scoped3A : memref<!tpu.dma_semaphore, #tpu.memory_space<semaphore_mem>>) src(%dma_wait3A_50 : memref<1568x72xf32, #tpu.memory_space<vmem_shared>>) dst(%dma_wait3A_48 : memref<1568x72xf32, #tpu.memory_space<hbm>>)
      tpu.yield
    }) : () -> ()
    return
  }
}

#map = affine_map<(d0, d1) -> (0, 0)>
#map1 = affine_map<(d0, d1) -> (0)>
module attributes {stable_mosaic.version = 14 : i64} {
  func.func @gat(%arg0: i32, %arg1: i32, %arg2: memref<50000x16xf32, #tpu.memory_space<hbm>>, %arg3: memref<50000x16xf32, #tpu.memory_space<hbm>>, %arg4: memref<800000xi32, #tpu.memory_space<hbm>>, %arg5: memref<800000xi32, #tpu.memory_space<hbm>>, %arg6: memref<1x16xf32, #tpu.memory_space<hbm>>, %arg7: memref<50176x32xf32, #tpu.memory_space<hbm>>, %arg8: memref<1x16xf32, #tpu.memory_space<vmem>>, %arg9: memref<80xi32, #tpu.memory_space<vmem>>, %arg10: memref<80xi32, #tpu.memory_space<vmem>>, %arg11: memref<80xi32, #tpu.memory_space<vmem>>, %arg12: memref<80x16xf32, #tpu.memory_space<vmem>>, %arg13: memref<80x16xf32, #tpu.memory_space<vmem>>, %arg14: memref<80x32xf32, #tpu.memory_space<vmem>>, %arg15: memref<25088x32xf32, #tpu.memory_space<vmem_shared>>, %arg16: memref<!tpu.dma_semaphore, #tpu.memory_space<semaphore_mem>>, %arg17: memref<!tpu.dma_semaphore, #tpu.memory_space<semaphore_mem>>) attributes {dimension_semantics = [#tpu.dimension_semantics<core_parallel>, #tpu.dimension_semantics<subcore_parallel>], iteration_bounds = array<i64: 2, 16>, scalar_prefetch = 0 : i64, scratch_operands = 10 : i64, tpu.core_type = #tpu.core_type<sc_vector_subcore>, window_params = [{transform_indices = #map}, {transform_indices = #map}, {transform_indices = #map1}, {transform_indices = #map1}, {transform_indices = #map}, {transform_indices = #map}]} {
    %mul3A = arith.constant 25000 : i32
    %mul3A_0 = arith.muli %arg0, %mul3A : i32
    %broadcast_in_dim3A = arith.constant 0.000000e+00 : f32
    %broadcast_in_dim3A_1 = vector.broadcast %broadcast_in_dim3A : f32 to vector<16xf32>
    %iota3A = tpu.iota {dimensions = array<i32: 0>} : vector<16xi32>
    %scan3A = arith.constant 0 : i32
    %scan3A_2 = arith.constant 80 : i32
    %scan3A_3 = arith.addi %scan3A, %scan3A_2 : i32
    %scan3A_4 = arith.constant 1 : i32
    scf.for %scan3A_33 = %scan3A to %scan3A_3 step %scan3A_4  : i32 {
      %mul3A_34 = arith.constant 1 : i32
      %mul3A_35 = arith.muli %scan3A_33, %mul3A_34 : i32
      %add3A_36 = arith.constant 0 : i32
      %add3A_37 = arith.addi %add3A_36, %mul3A_35 : i32
      %swap3A = arith.index_cast %add3A_37 : i32 to index
      %swap3A_38 = arith.constant 0 : index
      %swap3A_39 = tpu.vector_load %arg14[%swap3A, %swap3A_38] {strides = array<i32>} : memref<80x32xf32, #tpu.memory_space<vmem>>, vector<16xf32>,
      tpu.vector_store %arg14[%swap3A, %swap3A_38], %broadcast_in_dim3A_1 {strides = array<i32>} : memref<80x32xf32, #tpu.memory_space<vmem>>, vector<16xf32>,
      %swap3A_40 = arith.index_cast %add3A_37 : i32 to index
      %swap3A_41 = arith.constant 16 : index
      %swap3A_42 = tpu.vector_load %arg14[%swap3A_40, %swap3A_41] {strides = array<i32>} : memref<80x32xf32, #tpu.memory_space<vmem>>, vector<16xf32>,
      tpu.vector_store %arg14[%swap3A_40, %swap3A_41], %broadcast_in_dim3A_1 {strides = array<i32>} : memref<80x32xf32, #tpu.memory_space<vmem>>, vector<16xf32>,
    }
    %scan3A_5 = arith.constant 80 : i32
    %mul3A_6 = arith.constant 1568 : i32
    %mul3A_7 = arith.muli %arg1, %mul3A_6 : i32
    %scan3A_8 = arith.constant 0 : i32
    %scan3A_9 = arith.constant 19 : i32
    %scan3A_10 = arith.addi %scan3A_8, %scan3A_9 : i32
    %scan3A_11 = arith.constant 1 : i32
    scf.for %scan3A_33 = %scan3A_8 to %scan3A_10 step %scan3A_11  : i32 {
      %mul3A_34 = arith.constant 1 : i32
      %mul3A_35 = arith.muli %scan3A_33, %mul3A_34 : i32
      %add3A_36 = arith.constant 0 : i32
      %add3A_37 = arith.addi %add3A_36, %mul3A_35 : i32
      %mul3A_38 = arith.constant 80 : i32
      %mul3A_39 = arith.muli %add3A_37, %mul3A_38 : i32
      %add3A_40 = arith.addi %mul3A_7, %mul3A_39 : i32
      "tpu.region"() ({
        %run_scoped3A = tpu.sem_alloc : memref<!tpu.dma_semaphore, #tpu.memory_space<semaphore_mem>>
        %dma_start3A = arith.constant 0 : i32
        %dma_start3A_41 = tpu.memref_slice %arg15[%add3A_40, %dma_start3A] : memref<25088x32xf32, #tpu.memory_space<vmem_shared>> -> memref<80x32xf32, #tpu.memory_space<vmem_shared>>
        %dma_start3A_42 = arith.constant 0 : i32
        %dma_start3A_43 = tpu.memref_slice %arg15[%add3A_40, %dma_start3A_42] : memref<25088x32xf32, #tpu.memory_space<vmem_shared>> -> memref<80x32xf32, #tpu.memory_space<vmem_shared>>
        tpu.enqueue_dma source(%arg14 : memref<80x32xf32, #tpu.memory_space<vmem>>) target(%dma_start3A_43 : memref<80x32xf32, #tpu.memory_space<vmem_shared>>) target_semaphore(%run_scoped3A : memref<!tpu.dma_semaphore, #tpu.memory_space<semaphore_mem>>)
        %dma_wait3A = arith.constant 0 : i32
        %dma_wait3A_44 = tpu.memref_slice %arg15[%add3A_40, %dma_wait3A] : memref<25088x32xf32, #tpu.memory_space<vmem_shared>> -> memref<80x32xf32, #tpu.memory_space<vmem_shared>>
        %dma_wait3A_45 = arith.constant 0 : i32
        %dma_wait3A_46 = tpu.memref_slice %arg15[%add3A_40, %dma_wait3A_45] : memref<25088x32xf32, #tpu.memory_space<vmem_shared>> -> memref<80x32xf32, #tpu.memory_space<vmem_shared>>
        tpu.wait_dma2 semaphore(%run_scoped3A : memref<!tpu.dma_semaphore, #tpu.memory_space<semaphore_mem>>) src(%arg14 : memref<80x32xf32, #tpu.memory_space<vmem>>) dst(%dma_wait3A_46 : memref<80x32xf32, #tpu.memory_space<vmem_shared>>)
        tpu.yield
      }) : () -> ()
    }
    %scan3A_12 = arith.constant 19 : i32
    %add3A = arith.constant 1568 : i32
    %add3A_13 = arith.addi %mul3A_7, %add3A : i32
    %sub3A = arith.constant 80 : i32
    %sub3A_14 = arith.subi %add3A_13, %sub3A : i32
    "tpu.region"() ({
      %run_scoped3A = tpu.sem_alloc : memref<!tpu.dma_semaphore, #tpu.memory_space<semaphore_mem>>
      %dma_start3A = arith.constant 0 : i32
      %dma_start3A_33 = tpu.memref_slice %arg15[%sub3A_14, %dma_start3A] : memref<25088x32xf32, #tpu.memory_space<vmem_shared>> -> memref<80x32xf32, #tpu.memory_space<vmem_shared>>
      %dma_start3A_34 = arith.constant 0 : i32
      %dma_start3A_35 = tpu.memref_slice %arg15[%sub3A_14, %dma_start3A_34] : memref<25088x32xf32, #tpu.memory_space<vmem_shared>> -> memref<80x32xf32, #tpu.memory_space<vmem_shared>>
      tpu.enqueue_dma source(%arg14 : memref<80x32xf32, #tpu.memory_space<vmem>>) target(%dma_start3A_35 : memref<80x32xf32, #tpu.memory_space<vmem_shared>>) target_semaphore(%run_scoped3A : memref<!tpu.dma_semaphore, #tpu.memory_space<semaphore_mem>>)
      %dma_wait3A = arith.constant 0 : i32
      %dma_wait3A_36 = tpu.memref_slice %arg15[%sub3A_14, %dma_wait3A] : memref<25088x32xf32, #tpu.memory_space<vmem_shared>> -> memref<80x32xf32, #tpu.memory_space<vmem_shared>>
      %dma_wait3A_37 = arith.constant 0 : i32
      %dma_wait3A_38 = tpu.memref_slice %arg15[%sub3A_14, %dma_wait3A_37] : memref<25088x32xf32, #tpu.memory_space<vmem_shared>> -> memref<80x32xf32, #tpu.memory_space<vmem_shared>>
      tpu.wait_dma2 semaphore(%run_scoped3A : memref<!tpu.dma_semaphore, #tpu.memory_space<semaphore_mem>>) src(%arg14 : memref<80x32xf32, #tpu.memory_space<vmem>>) dst(%dma_wait3A_38 : memref<80x32xf32, #tpu.memory_space<vmem_shared>>)
      tpu.yield
    }) : () -> ()
    "tpu.region"() ({
      %run_scoped3A = tpu.sem_alloc : memref<!tpu.dma_semaphore, #tpu.memory_space<semaphore_mem>>
      tpu.enqueue_dma source(%arg6 : memref<1x16xf32, #tpu.memory_space<hbm>>) target(%arg8 : memref<1x16xf32, #tpu.memory_space<vmem>>) target_semaphore(%run_scoped3A : memref<!tpu.dma_semaphore, #tpu.memory_space<semaphore_mem>>)
      tpu.wait_dma2 semaphore(%run_scoped3A : memref<!tpu.dma_semaphore, #tpu.memory_space<semaphore_mem>>) src(%arg6 : memref<1x16xf32, #tpu.memory_space<hbm>>) dst(%arg8 : memref<1x16xf32, #tpu.memory_space<vmem>>)
      tpu.yield
    }) : () -> ()
    %get3A = arith.constant 0 : i32
    %get3A_15 = arith.index_cast %get3A : i32 to index
    %get3A_16 = arith.constant 0 : index
    %get3A_17 = tpu.vector_load %arg8[%get3A_15, %get3A_16] {strides = array<i32>} : memref<1x16xf32, #tpu.memory_space<vmem>>, vector<16xf32>,
    %barrier3A = arith.constant 0 : index
    tpu.barrier barrier_id(%barrier3A)
    %mul3A_18 = arith.constant 50000 : i32
    %mul3A_19 = arith.muli %arg1, %mul3A_18 : i32
    %scan3A_20 = arith.constant 0 : i32
    %scan3A_21 = arith.constant 625 : i32
    %scan3A_22 = arith.addi %scan3A_20, %scan3A_21 : i32
    %scan3A_23 = arith.constant 1 : i32
    scf.for %scan3A_33 = %scan3A_20 to %scan3A_22 step %scan3A_23  : i32 {
      %mul3A_34 = arith.constant 1 : i32
      %mul3A_35 = arith.muli %scan3A_33, %mul3A_34 : i32
      %add3A_36 = arith.constant 0 : i32
      %add3A_37 = arith.addi %add3A_36, %mul3A_35 : i32
      %mul3A_38 = arith.constant 80 : i32
      %mul3A_39 = arith.muli %add3A_37, %mul3A_38 : i32
      %add3A_40 = arith.addi %mul3A_19, %mul3A_39 : i32
      "tpu.region"() ({
        %run_scoped3A = tpu.sem_alloc : memref<!tpu.dma_semaphore, #tpu.memory_space<semaphore_mem>>
        %dma_start3A_61 = tpu.memref_slice %arg4[%add3A_40] : memref<800000xi32, #tpu.memory_space<hbm>> -> memref<80xi32, #tpu.memory_space<hbm>>
        %dma_start3A_62 = tpu.memref_slice %arg4[%add3A_40] : memref<800000xi32, #tpu.memory_space<hbm>> -> memref<80xi32, #tpu.memory_space<hbm>>
        tpu.enqueue_dma source(%dma_start3A_62 : memref<80xi32, #tpu.memory_space<hbm>>) target(%arg9 : memref<80xi32, #tpu.memory_space<vmem>>) target_semaphore(%run_scoped3A : memref<!tpu.dma_semaphore, #tpu.memory_space<semaphore_mem>>)
        %dma_wait3A_63 = tpu.memref_slice %arg4[%add3A_40] : memref<800000xi32, #tpu.memory_space<hbm>> -> memref<80xi32, #tpu.memory_space<hbm>>
        %dma_wait3A_64 = tpu.memref_slice %arg4[%add3A_40] : memref<800000xi32, #tpu.memory_space<hbm>> -> memref<80xi32, #tpu.memory_space<hbm>>
        tpu.wait_dma2 semaphore(%run_scoped3A : memref<!tpu.dma_semaphore, #tpu.memory_space<semaphore_mem>>) src(%dma_wait3A_64 : memref<80xi32, #tpu.memory_space<hbm>>) dst(%arg9 : memref<80xi32, #tpu.memory_space<vmem>>)
        tpu.yield
      }) : () -> ()
      "tpu.region"() ({
        %run_scoped3A = tpu.sem_alloc : memref<!tpu.dma_semaphore, #tpu.memory_space<semaphore_mem>>
        %dma_start3A_61 = tpu.memref_slice %arg5[%add3A_40] : memref<800000xi32, #tpu.memory_space<hbm>> -> memref<80xi32, #tpu.memory_space<hbm>>
        %dma_start3A_62 = tpu.memref_slice %arg5[%add3A_40] : memref<800000xi32, #tpu.memory_space<hbm>> -> memref<80xi32, #tpu.memory_space<hbm>>
        tpu.enqueue_dma source(%dma_start3A_62 : memref<80xi32, #tpu.memory_space<hbm>>) target(%arg10 : memref<80xi32, #tpu.memory_space<vmem>>) target_semaphore(%run_scoped3A : memref<!tpu.dma_semaphore, #tpu.memory_space<semaphore_mem>>)
        %dma_wait3A_63 = tpu.memref_slice %arg5[%add3A_40] : memref<800000xi32, #tpu.memory_space<hbm>> -> memref<80xi32, #tpu.memory_space<hbm>>
        %dma_wait3A_64 = tpu.memref_slice %arg5[%add3A_40] : memref<800000xi32, #tpu.memory_space<hbm>> -> memref<80xi32, #tpu.memory_space<hbm>>
        tpu.wait_dma2 semaphore(%run_scoped3A : memref<!tpu.dma_semaphore, #tpu.memory_space<semaphore_mem>>) src(%dma_wait3A_64 : memref<80xi32, #tpu.memory_space<hbm>>) dst(%arg10 : memref<80xi32, #tpu.memory_space<vmem>>)
        tpu.yield
      }) : () -> ()
      %dma_start3A = arith.constant 0 : i32
      %dma_start3A_41 = arith.constant 0 : i32
      %dma_start3A_42 = tpu.memref_slice %arg2[%dma_start3A, %dma_start3A_41] : memref<50000x16xf32, #tpu.memory_space<hbm>> -> memref<50000x16xf32, #tpu.memory_space<hbm>>
      tpu.enqueue_indirect_dma source(%dma_start3A_42 : memref<50000x16xf32, #tpu.memory_space<hbm>>) target(%arg12 : memref<80x16xf32, #tpu.memory_space<vmem>>) offsets(%arg9 : memref<80xi32, #tpu.memory_space<vmem>>) semaphore(%arg16 : memref<!tpu.dma_semaphore, #tpu.memory_space<semaphore_mem>>)
      %dma_start3A_43 = arith.constant 0 : i32
      %dma_start3A_44 = arith.constant 0 : i32
      %dma_start3A_45 = tpu.memref_slice %arg3[%dma_start3A_43, %dma_start3A_44] : memref<50000x16xf32, #tpu.memory_space<hbm>> -> memref<50000x16xf32, #tpu.memory_space<hbm>>
      tpu.enqueue_indirect_dma source(%dma_start3A_45 : memref<50000x16xf32, #tpu.memory_space<hbm>>) target(%arg13 : memref<80x16xf32, #tpu.memory_space<vmem>>) offsets(%arg10 : memref<80xi32, #tpu.memory_space<vmem>>) semaphore(%arg17 : memref<!tpu.dma_semaphore, #tpu.memory_space<semaphore_mem>>)
      %scan3A_46 = arith.constant 0 : i32
      %scan3A_47 = arith.constant 5 : i32
      %scan3A_48 = arith.addi %scan3A_46, %scan3A_47 : i32
      %scan3A_49 = arith.constant 1 : i32
      scf.for %scan3A_61 = %scan3A_46 to %scan3A_48 step %scan3A_49  : i32 {
        %mul3A_62 = arith.constant 1 : i32
        %mul3A_63 = arith.muli %scan3A_61, %mul3A_62 : i32
        %add3A_64 = arith.constant 0 : i32
        %add3A_65 = arith.addi %add3A_64, %mul3A_63 : i32
        %mul3A_66 = arith.constant 16 : i32
        %mul3A_67 = arith.muli %add3A_65, %mul3A_66 : i32
        %get3A_68 = arith.index_cast %mul3A_67 : i32 to index
        %get3A_69 = tpu.vector_load %arg10[%get3A_68] {strides = array<i32>} : memref<80xi32, #tpu.memory_space<vmem>>, vector<16xi32>,
        %sub3A_70 = vector.broadcast %mul3A_0 : i32 to vector<16xi32>
        %sub3A_71 = arith.subi %get3A_69, %sub3A_70 : vector<16xi32>
        %ge3A = arith.constant 0 : i32
        %ge3A_72 = vector.broadcast %ge3A : i32 to vector<16xi32>
        %ge3A_73 = arith.cmpi sge, %sub3A_71, %ge3A_72 : vector<16xi32>
        %lt3A = arith.constant 25000 : i32
        %lt3A_74 = vector.broadcast %lt3A : i32 to vector<16xi32>
        %lt3A_75 = arith.cmpi slt, %sub3A_71, %lt3A_74 : vector<16xi32>
        %and3A = arith.andi %ge3A_73, %lt3A_75 : vector<16xi1>
        %jit3A = arith.constant 25040 : i32
        %broadcast_in_dim3A_76 = vector.broadcast %jit3A : i32 to vector<16xi32>
        %select_n3A = arith.select %and3A, %sub3A_71, %broadcast_in_dim3A_76 : vector<16xi1>, vector<16xi32>
        %mul3A_77 = arith.constant 16 : i32
        %mul3A_78 = arith.muli %add3A_65, %mul3A_77 : i32
        %swap3A = arith.index_cast %mul3A_78 : i32 to index
        %swap3A_79 = tpu.vector_load %arg11[%swap3A] {strides = array<i32>} : memref<80xi32, #tpu.memory_space<vmem>>, vector<16xi32>,
        tpu.vector_store %arg11[%swap3A], %select_n3A {strides = array<i32>} : memref<80xi32, #tpu.memory_space<vmem>>, vector<16xi32>,
      }
      %scan3A_50 = arith.constant 5 : i32
      %dma_wait3A = arith.constant 0 : i32
      %dma_wait3A_51 = arith.constant 0 : i32
      %dma_wait3A_52 = tpu.memref_slice %arg2[%dma_wait3A, %dma_wait3A_51] : memref<50000x16xf32, #tpu.memory_space<hbm>> -> memref<50000x16xf32, #tpu.memory_space<hbm>>
      tpu.wait_indirect_dma semaphore(%arg16 : memref<!tpu.dma_semaphore, #tpu.memory_space<semaphore_mem>>) src(%dma_wait3A_52 : memref<50000x16xf32, #tpu.memory_space<hbm>>) dst(%arg12 : memref<80x16xf32, #tpu.memory_space<vmem>>)
      %dma_wait3A_53 = arith.constant 0 : i32
      %dma_wait3A_54 = arith.constant 0 : i32
      %dma_wait3A_55 = tpu.memref_slice %arg3[%dma_wait3A_53, %dma_wait3A_54] : memref<50000x16xf32, #tpu.memory_space<hbm>> -> memref<50000x16xf32, #tpu.memory_space<hbm>>
      tpu.wait_indirect_dma semaphore(%arg17 : memref<!tpu.dma_semaphore, #tpu.memory_space<semaphore_mem>>) src(%dma_wait3A_55 : memref<50000x16xf32, #tpu.memory_space<hbm>>) dst(%arg13 : memref<80x16xf32, #tpu.memory_space<vmem>>)
      %scan3A_56 = arith.constant 0 : i32
      %scan3A_57 = arith.constant 80 : i32
      %scan3A_58 = arith.addi %scan3A_56, %scan3A_57 : i32
      %scan3A_59 = arith.constant 8 : i32
      scf.for %scan3A_61 = %scan3A_56 to %scan3A_58 step %scan3A_59  : i32 {
        %mul3A_62 = arith.constant 1 : i32
        %mul3A_63 = arith.muli %scan3A_61, %mul3A_62 : i32
        %add3A_64 = arith.constant 0 : i32
        %add3A_65 = arith.addi %add3A_64, %mul3A_63 : i32
        %get3A_66 = arith.index_cast %add3A_65 : i32 to index
        %get3A_67 = arith.constant 0 : index
        %get3A_68 = tpu.vector_load %arg12[%get3A_66, %get3A_67] {strides = array<i32>} : memref<80x16xf32, #tpu.memory_space<vmem>>, vector<16xf32>,
        %get3A_69 = arith.index_cast %add3A_65 : i32 to index
        %get3A_70 = arith.constant 0 : index
        %get3A_71 = tpu.vector_load %arg13[%get3A_69, %get3A_70] {strides = array<i32>} : memref<80x16xf32, #tpu.memory_space<vmem>>, vector<16xf32>,
        %add3A_72 = arith.addf %get3A_68, %get3A_71 : vector<16xf32>
        %mul3A_73 = arith.constant 2.000000e-01 : f32
        %mul3A_74 = vector.broadcast %mul3A_73 : f32 to vector<16xf32>
        %mul3A_75 = arith.mulf %mul3A_74, %add3A_72 : vector<16xf32>
        %max3A = arith.maximumf %add3A_72, %mul3A_75 : vector<16xf32>
        %mul3A_76 = arith.mulf %max3A, %get3A_17 : vector<16xf32>
        %reduce_sum3A = arith.constant true
        %reduce_sum3A_77 = vector.broadcast %reduce_sum3A : i1 to vector<16xi1>
        %reduce_sum3A_78 = tpu.scan <sum>, %mul3A_76 masked %reduce_sum3A_77 : vector<16xf32>, vector<16xi1> -> vector<16xf32>
        %reduce_sum3A_79 = vector.extract %reduce_sum3A_78[15] : f32 from vector<16xf32>
        %broadcast_in_dim3A_80 = vector.broadcast %reduce_sum3A_79 : f32 to vector<16xf32>
        %exp3A = math.exp %broadcast_in_dim3A_80 : vector<16xf32>
        %mul3A_81 = arith.mulf %get3A_68, %exp3A : vector<16xf32>
        %swap3A = arith.index_cast %add3A_65 : i32 to index
        %swap3A_82 = arith.constant 0 : index
        %swap3A_83 = tpu.vector_load %arg14[%swap3A, %swap3A_82] {strides = array<i32>} : memref<80x32xf32, #tpu.memory_space<vmem>>, vector<16xf32>,
        tpu.vector_store %arg14[%swap3A, %swap3A_82], %mul3A_81 {strides = array<i32>} : memref<80x32xf32, #tpu.memory_space<vmem>>, vector<16xf32>,
        %eq3A = arith.constant 0 : i32
        %eq3A_84 = vector.broadcast %eq3A : i32 to vector<16xi32>
        %eq3A_85 = arith.cmpi eq, %iota3A, %eq3A_84 : vector<16xi32>
        %select_n3A = arith.select %eq3A_85, %exp3A, %broadcast_in_dim3A_1 : vector<16xi1>, vector<16xf32>
        %swap3A_86 = arith.index_cast %add3A_65 : i32 to index
        %swap3A_87 = arith.constant 16 : index
        %swap3A_88 = tpu.vector_load %arg14[%swap3A_86, %swap3A_87] {strides = array<i32>} : memref<80x32xf32, #tpu.memory_space<vmem>>, vector<16xf32>,
        tpu.vector_store %arg14[%swap3A_86, %swap3A_87], %select_n3A {strides = array<i32>} : memref<80x32xf32, #tpu.memory_space<vmem>>, vector<16xf32>,
        %scan3A_89 = arith.constant 1 : i32
        %scan3A_90 = arith.addi %scan3A_61, %scan3A_89 : i32
        %mul3A_91 = arith.constant 1 : i32
        %mul3A_92 = arith.muli %scan3A_90, %mul3A_91 : i32
        %add3A_93 = arith.constant 0 : i32
        %add3A_94 = arith.addi %add3A_93, %mul3A_92 : i32
        %get3A_95 = arith.index_cast %add3A_94 : i32 to index
        %get3A_96 = arith.constant 0 : index
        %get3A_97 = tpu.vector_load %arg12[%get3A_95, %get3A_96] {strides = array<i32>} : memref<80x16xf32, #tpu.memory_space<vmem>>, vector<16xf32>,
        %get3A_98 = arith.index_cast %add3A_94 : i32 to index
        %get3A_99 = arith.constant 0 : index
        %get3A_100 = tpu.vector_load %arg13[%get3A_98, %get3A_99] {strides = array<i32>} : memref<80x16xf32, #tpu.memory_space<vmem>>, vector<16xf32>,
        %add3A_101 = arith.addf %get3A_97, %get3A_100 : vector<16xf32>
        %mul3A_102 = arith.constant 2.000000e-01 : f32
        %mul3A_103 = vector.broadcast %mul3A_102 : f32 to vector<16xf32>
        %mul3A_104 = arith.mulf %mul3A_103, %add3A_101 : vector<16xf32>
        %max3A_105 = arith.maximumf %add3A_101, %mul3A_104 : vector<16xf32>
        %mul3A_106 = arith.mulf %max3A_105, %get3A_17 : vector<16xf32>
        %reduce_sum3A_107 = arith.constant true
        %reduce_sum3A_108 = vector.broadcast %reduce_sum3A_107 : i1 to vector<16xi1>
        %reduce_sum3A_109 = tpu.scan <sum>, %mul3A_106 masked %reduce_sum3A_108 : vector<16xf32>, vector<16xi1> -> vector<16xf32>
        %reduce_sum3A_110 = vector.extract %reduce_sum3A_109[15] : f32 from vector<16xf32>
        %broadcast_in_dim3A_111 = vector.broadcast %reduce_sum3A_110 : f32 to vector<16xf32>
        %exp3A_112 = math.exp %broadcast_in_dim3A_111 : vector<16xf32>
        %mul3A_113 = arith.mulf %get3A_97, %exp3A_112 : vector<16xf32>
        %swap3A_114 = arith.index_cast %add3A_94 : i32 to index
        %swap3A_115 = arith.constant 0 : index
        %swap3A_116 = tpu.vector_load %arg14[%swap3A_114, %swap3A_115] {strides = array<i32>} : memref<80x32xf32, #tpu.memory_space<vmem>>, vector<16xf32>,
        tpu.vector_store %arg14[%swap3A_114, %swap3A_115], %mul3A_113 {strides = array<i32>} : memref<80x32xf32, #tpu.memory_space<vmem>>, vector<16xf32>,
        %eq3A_117 = arith.constant 0 : i32
        %eq3A_118 = vector.broadcast %eq3A_117 : i32 to vector<16xi32>
        %eq3A_119 = arith.cmpi eq, %iota3A, %eq3A_118 : vector<16xi32>
        %select_n3A_120 = arith.select %eq3A_119, %exp3A_112, %broadcast_in_dim3A_1 : vector<16xi1>, vector<16xf32>
        %swap3A_121 = arith.index_cast %add3A_94 : i32 to index
        %swap3A_122 = arith.constant 16 : index
        %swap3A_123 = tpu.vector_load %arg14[%swap3A_121, %swap3A_122] {strides = array<i32>} : memref<80x32xf32, #tpu.memory_space<vmem>>, vector<16xf32>,
        tpu.vector_store %arg14[%swap3A_121, %swap3A_122], %select_n3A_120 {strides = array<i32>} : memref<80x32xf32, #tpu.memory_space<vmem>>, vector<16xf32>,
        %scan3A_124 = arith.constant 2 : i32
        %scan3A_125 = arith.addi %scan3A_61, %scan3A_124 : i32
        %mul3A_126 = arith.constant 1 : i32
        %mul3A_127 = arith.muli %scan3A_125, %mul3A_126 : i32
        %add3A_128 = arith.constant 0 : i32
        %add3A_129 = arith.addi %add3A_128, %mul3A_127 : i32
        %get3A_130 = arith.index_cast %add3A_129 : i32 to index
        %get3A_131 = arith.constant 0 : index
        %get3A_132 = tpu.vector_load %arg12[%get3A_130, %get3A_131] {strides = array<i32>} : memref<80x16xf32, #tpu.memory_space<vmem>>, vector<16xf32>,
        %get3A_133 = arith.index_cast %add3A_129 : i32 to index
        %get3A_134 = arith.constant 0 : index
        %get3A_135 = tpu.vector_load %arg13[%get3A_133, %get3A_134] {strides = array<i32>} : memref<80x16xf32, #tpu.memory_space<vmem>>, vector<16xf32>,
        %add3A_136 = arith.addf %get3A_132, %get3A_135 : vector<16xf32>
        %mul3A_137 = arith.constant 2.000000e-01 : f32
        %mul3A_138 = vector.broadcast %mul3A_137 : f32 to vector<16xf32>
        %mul3A_139 = arith.mulf %mul3A_138, %add3A_136 : vector<16xf32>
        %max3A_140 = arith.maximumf %add3A_136, %mul3A_139 : vector<16xf32>
        %mul3A_141 = arith.mulf %max3A_140, %get3A_17 : vector<16xf32>
        %reduce_sum3A_142 = arith.constant true
        %reduce_sum3A_143 = vector.broadcast %reduce_sum3A_142 : i1 to vector<16xi1>
        %reduce_sum3A_144 = tpu.scan <sum>, %mul3A_141 masked %reduce_sum3A_143 : vector<16xf32>, vector<16xi1> -> vector<16xf32>
        %reduce_sum3A_145 = vector.extract %reduce_sum3A_144[15] : f32 from vector<16xf32>
        %broadcast_in_dim3A_146 = vector.broadcast %reduce_sum3A_145 : f32 to vector<16xf32>
        %exp3A_147 = math.exp %broadcast_in_dim3A_146 : vector<16xf32>
        %mul3A_148 = arith.mulf %get3A_132, %exp3A_147 : vector<16xf32>
        %swap3A_149 = arith.index_cast %add3A_129 : i32 to index
        %swap3A_150 = arith.constant 0 : index
        %swap3A_151 = tpu.vector_load %arg14[%swap3A_149, %swap3A_150] {strides = array<i32>} : memref<80x32xf32, #tpu.memory_space<vmem>>, vector<16xf32>,
        tpu.vector_store %arg14[%swap3A_149, %swap3A_150], %mul3A_148 {strides = array<i32>} : memref<80x32xf32, #tpu.memory_space<vmem>>, vector<16xf32>,
        %eq3A_152 = arith.constant 0 : i32
        %eq3A_153 = vector.broadcast %eq3A_152 : i32 to vector<16xi32>
        %eq3A_154 = arith.cmpi eq, %iota3A, %eq3A_153 : vector<16xi32>
        %select_n3A_155 = arith.select %eq3A_154, %exp3A_147, %broadcast_in_dim3A_1 : vector<16xi1>, vector<16xf32>
        %swap3A_156 = arith.index_cast %add3A_129 : i32 to index
        %swap3A_157 = arith.constant 16 : index
        %swap3A_158 = tpu.vector_load %arg14[%swap3A_156, %swap3A_157] {strides = array<i32>} : memref<80x32xf32, #tpu.memory_space<vmem>>, vector<16xf32>,
        tpu.vector_store %arg14[%swap3A_156, %swap3A_157], %select_n3A_155 {strides = array<i32>} : memref<80x32xf32, #tpu.memory_space<vmem>>, vector<16xf32>,
        %scan3A_159 = arith.constant 3 : i32
        %scan3A_160 = arith.addi %scan3A_61, %scan3A_159 : i32
        %mul3A_161 = arith.constant 1 : i32
        %mul3A_162 = arith.muli %scan3A_160, %mul3A_161 : i32
        %add3A_163 = arith.constant 0 : i32
        %add3A_164 = arith.addi %add3A_163, %mul3A_162 : i32
        %get3A_165 = arith.index_cast %add3A_164 : i32 to index
        %get3A_166 = arith.constant 0 : index
        %get3A_167 = tpu.vector_load %arg12[%get3A_165, %get3A_166] {strides = array<i32>} : memref<80x16xf32, #tpu.memory_space<vmem>>, vector<16xf32>,
        %get3A_168 = arith.index_cast %add3A_164 : i32 to index
        %get3A_169 = arith.constant 0 : index
        %get3A_170 = tpu.vector_load %arg13[%get3A_168, %get3A_169] {strides = array<i32>} : memref<80x16xf32, #tpu.memory_space<vmem>>, vector<16xf32>,
        %add3A_171 = arith.addf %get3A_167, %get3A_170 : vector<16xf32>
        %mul3A_172 = arith.constant 2.000000e-01 : f32
        %mul3A_173 = vector.broadcast %mul3A_172 : f32 to vector<16xf32>
        %mul3A_174 = arith.mulf %mul3A_173, %add3A_171 : vector<16xf32>
        %max3A_175 = arith.maximumf %add3A_171, %mul3A_174 : vector<16xf32>
        %mul3A_176 = arith.mulf %max3A_175, %get3A_17 : vector<16xf32>
        %reduce_sum3A_177 = arith.constant true
        %reduce_sum3A_178 = vector.broadcast %reduce_sum3A_177 : i1 to vector<16xi1>
        %reduce_sum3A_179 = tpu.scan <sum>, %mul3A_176 masked %reduce_sum3A_178 : vector<16xf32>, vector<16xi1> -> vector<16xf32>
        %reduce_sum3A_180 = vector.extract %reduce_sum3A_179[15] : f32 from vector<16xf32>
        %broadcast_in_dim3A_181 = vector.broadcast %reduce_sum3A_180 : f32 to vector<16xf32>
        %exp3A_182 = math.exp %broadcast_in_dim3A_181 : vector<16xf32>
        %mul3A_183 = arith.mulf %get3A_167, %exp3A_182 : vector<16xf32>
        %swap3A_184 = arith.index_cast %add3A_164 : i32 to index
        %swap3A_185 = arith.constant 0 : index
        %swap3A_186 = tpu.vector_load %arg14[%swap3A_184, %swap3A_185] {strides = array<i32>} : memref<80x32xf32, #tpu.memory_space<vmem>>, vector<16xf32>,
        tpu.vector_store %arg14[%swap3A_184, %swap3A_185], %mul3A_183 {strides = array<i32>} : memref<80x32xf32, #tpu.memory_space<vmem>>, vector<16xf32>,
        %eq3A_187 = arith.constant 0 : i32
        %eq3A_188 = vector.broadcast %eq3A_187 : i32 to vector<16xi32>
        %eq3A_189 = arith.cmpi eq, %iota3A, %eq3A_188 : vector<16xi32>
        %select_n3A_190 = arith.select %eq3A_189, %exp3A_182, %broadcast_in_dim3A_1 : vector<16xi1>, vector<16xf32>
        %swap3A_191 = arith.index_cast %add3A_164 : i32 to index
        %swap3A_192 = arith.constant 16 : index
        %swap3A_193 = tpu.vector_load %arg14[%swap3A_191, %swap3A_192] {strides = array<i32>} : memref<80x32xf32, #tpu.memory_space<vmem>>, vector<16xf32>,
        tpu.vector_store %arg14[%swap3A_191, %swap3A_192], %select_n3A_190 {strides = array<i32>} : memref<80x32xf32, #tpu.memory_space<vmem>>, vector<16xf32>,
        %scan3A_194 = arith.constant 4 : i32
        %scan3A_195 = arith.addi %scan3A_61, %scan3A_194 : i32
        %mul3A_196 = arith.constant 1 : i32
        %mul3A_197 = arith.muli %scan3A_195, %mul3A_196 : i32
        %add3A_198 = arith.constant 0 : i32
        %add3A_199 = arith.addi %add3A_198, %mul3A_197 : i32
        %get3A_200 = arith.index_cast %add3A_199 : i32 to index
        %get3A_201 = arith.constant 0 : index
        %get3A_202 = tpu.vector_load %arg12[%get3A_200, %get3A_201] {strides = array<i32>} : memref<80x16xf32, #tpu.memory_space<vmem>>, vector<16xf32>,
        %get3A_203 = arith.index_cast %add3A_199 : i32 to index
        %get3A_204 = arith.constant 0 : index
        %get3A_205 = tpu.vector_load %arg13[%get3A_203, %get3A_204] {strides = array<i32>} : memref<80x16xf32, #tpu.memory_space<vmem>>, vector<16xf32>,
        %add3A_206 = arith.addf %get3A_202, %get3A_205 : vector<16xf32>
        %mul3A_207 = arith.constant 2.000000e-01 : f32
        %mul3A_208 = vector.broadcast %mul3A_207 : f32 to vector<16xf32>
        %mul3A_209 = arith.mulf %mul3A_208, %add3A_206 : vector<16xf32>
        %max3A_210 = arith.maximumf %add3A_206, %mul3A_209 : vector<16xf32>
        %mul3A_211 = arith.mulf %max3A_210, %get3A_17 : vector<16xf32>
        %reduce_sum3A_212 = arith.constant true
        %reduce_sum3A_213 = vector.broadcast %reduce_sum3A_212 : i1 to vector<16xi1>
        %reduce_sum3A_214 = tpu.scan <sum>, %mul3A_211 masked %reduce_sum3A_213 : vector<16xf32>, vector<16xi1> -> vector<16xf32>
        %reduce_sum3A_215 = vector.extract %reduce_sum3A_214[15] : f32 from vector<16xf32>
        %broadcast_in_dim3A_216 = vector.broadcast %reduce_sum3A_215 : f32 to vector<16xf32>
        %exp3A_217 = math.exp %broadcast_in_dim3A_216 : vector<16xf32>
        %mul3A_218 = arith.mulf %get3A_202, %exp3A_217 : vector<16xf32>
        %swap3A_219 = arith.index_cast %add3A_199 : i32 to index
        %swap3A_220 = arith.constant 0 : index
        %swap3A_221 = tpu.vector_load %arg14[%swap3A_219, %swap3A_220] {strides = array<i32>} : memref<80x32xf32, #tpu.memory_space<vmem>>, vector<16xf32>,
        tpu.vector_store %arg14[%swap3A_219, %swap3A_220], %mul3A_218 {strides = array<i32>} : memref<80x32xf32, #tpu.memory_space<vmem>>, vector<16xf32>,
        %eq3A_222 = arith.constant 0 : i32
        %eq3A_223 = vector.broadcast %eq3A_222 : i32 to vector<16xi32>
        %eq3A_224 = arith.cmpi eq, %iota3A, %eq3A_223 : vector<16xi32>
        %select_n3A_225 = arith.select %eq3A_224, %exp3A_217, %broadcast_in_dim3A_1 : vector<16xi1>, vector<16xf32>
        %swap3A_226 = arith.index_cast %add3A_199 : i32 to index
        %swap3A_227 = arith.constant 16 : index
        %swap3A_228 = tpu.vector_load %arg14[%swap3A_226, %swap3A_227] {strides = array<i32>} : memref<80x32xf32, #tpu.memory_space<vmem>>, vector<16xf32>,
        tpu.vector_store %arg14[%swap3A_226, %swap3A_227], %select_n3A_225 {strides = array<i32>} : memref<80x32xf32, #tpu.memory_space<vmem>>, vector<16xf32>,
        %scan3A_229 = arith.constant 5 : i32
        %scan3A_230 = arith.addi %scan3A_61, %scan3A_229 : i32
        %mul3A_231 = arith.constant 1 : i32
        %mul3A_232 = arith.muli %scan3A_230, %mul3A_231 : i32
        %add3A_233 = arith.constant 0 : i32
        %add3A_234 = arith.addi %add3A_233, %mul3A_232 : i32
        %get3A_235 = arith.index_cast %add3A_234 : i32 to index
        %get3A_236 = arith.constant 0 : index
        %get3A_237 = tpu.vector_load %arg12[%get3A_235, %get3A_236] {strides = array<i32>} : memref<80x16xf32, #tpu.memory_space<vmem>>, vector<16xf32>,
        %get3A_238 = arith.index_cast %add3A_234 : i32 to index
        %get3A_239 = arith.constant 0 : index
        %get3A_240 = tpu.vector_load %arg13[%get3A_238, %get3A_239] {strides = array<i32>} : memref<80x16xf32, #tpu.memory_space<vmem>>, vector<16xf32>,
        %add3A_241 = arith.addf %get3A_237, %get3A_240 : vector<16xf32>
        %mul3A_242 = arith.constant 2.000000e-01 : f32
        %mul3A_243 = vector.broadcast %mul3A_242 : f32 to vector<16xf32>
        %mul3A_244 = arith.mulf %mul3A_243, %add3A_241 : vector<16xf32>
        %max3A_245 = arith.maximumf %add3A_241, %mul3A_244 : vector<16xf32>
        %mul3A_246 = arith.mulf %max3A_245, %get3A_17 : vector<16xf32>
        %reduce_sum3A_247 = arith.constant true
        %reduce_sum3A_248 = vector.broadcast %reduce_sum3A_247 : i1 to vector<16xi1>
        %reduce_sum3A_249 = tpu.scan <sum>, %mul3A_246 masked %reduce_sum3A_248 : vector<16xf32>, vector<16xi1> -> vector<16xf32>
        %reduce_sum3A_250 = vector.extract %reduce_sum3A_249[15] : f32 from vector<16xf32>
        %broadcast_in_dim3A_251 = vector.broadcast %reduce_sum3A_250 : f32 to vector<16xf32>
        %exp3A_252 = math.exp %broadcast_in_dim3A_251 : vector<16xf32>
        %mul3A_253 = arith.mulf %get3A_237, %exp3A_252 : vector<16xf32>
        %swap3A_254 = arith.index_cast %add3A_234 : i32 to index
        %swap3A_255 = arith.constant 0 : index
        %swap3A_256 = tpu.vector_load %arg14[%swap3A_254, %swap3A_255] {strides = array<i32>} : memref<80x32xf32, #tpu.memory_space<vmem>>, vector<16xf32>,
        tpu.vector_store %arg14[%swap3A_254, %swap3A_255], %mul3A_253 {strides = array<i32>} : memref<80x32xf32, #tpu.memory_space<vmem>>, vector<16xf32>,
        %eq3A_257 = arith.constant 0 : i32
        %eq3A_258 = vector.broadcast %eq3A_257 : i32 to vector<16xi32>
        %eq3A_259 = arith.cmpi eq, %iota3A, %eq3A_258 : vector<16xi32>
        %select_n3A_260 = arith.select %eq3A_259, %exp3A_252, %broadcast_in_dim3A_1 : vector<16xi1>, vector<16xf32>
        %swap3A_261 = arith.index_cast %add3A_234 : i32 to index
        %swap3A_262 = arith.constant 16 : index
        %swap3A_263 = tpu.vector_load %arg14[%swap3A_261, %swap3A_262] {strides = array<i32>} : memref<80x32xf32, #tpu.memory_space<vmem>>, vector<16xf32>,
        tpu.vector_store %arg14[%swap3A_261, %swap3A_262], %select_n3A_260 {strides = array<i32>} : memref<80x32xf32, #tpu.memory_space<vmem>>, vector<16xf32>,
        %scan3A_264 = arith.constant 6 : i32
        %scan3A_265 = arith.addi %scan3A_61, %scan3A_264 : i32
        %mul3A_266 = arith.constant 1 : i32
        %mul3A_267 = arith.muli %scan3A_265, %mul3A_266 : i32
        %add3A_268 = arith.constant 0 : i32
        %add3A_269 = arith.addi %add3A_268, %mul3A_267 : i32
        %get3A_270 = arith.index_cast %add3A_269 : i32 to index
        %get3A_271 = arith.constant 0 : index
        %get3A_272 = tpu.vector_load %arg12[%get3A_270, %get3A_271] {strides = array<i32>} : memref<80x16xf32, #tpu.memory_space<vmem>>, vector<16xf32>,
        %get3A_273 = arith.index_cast %add3A_269 : i32 to index
        %get3A_274 = arith.constant 0 : index
        %get3A_275 = tpu.vector_load %arg13[%get3A_273, %get3A_274] {strides = array<i32>} : memref<80x16xf32, #tpu.memory_space<vmem>>, vector<16xf32>,
        %add3A_276 = arith.addf %get3A_272, %get3A_275 : vector<16xf32>
        %mul3A_277 = arith.constant 2.000000e-01 : f32
        %mul3A_278 = vector.broadcast %mul3A_277 : f32 to vector<16xf32>
        %mul3A_279 = arith.mulf %mul3A_278, %add3A_276 : vector<16xf32>
        %max3A_280 = arith.maximumf %add3A_276, %mul3A_279 : vector<16xf32>
        %mul3A_281 = arith.mulf %max3A_280, %get3A_17 : vector<16xf32>
        %reduce_sum3A_282 = arith.constant true
        %reduce_sum3A_283 = vector.broadcast %reduce_sum3A_282 : i1 to vector<16xi1>
        %reduce_sum3A_284 = tpu.scan <sum>, %mul3A_281 masked %reduce_sum3A_283 : vector<16xf32>, vector<16xi1> -> vector<16xf32>
        %reduce_sum3A_285 = vector.extract %reduce_sum3A_284[15] : f32 from vector<16xf32>
        %broadcast_in_dim3A_286 = vector.broadcast %reduce_sum3A_285 : f32 to vector<16xf32>
        %exp3A_287 = math.exp %broadcast_in_dim3A_286 : vector<16xf32>
        %mul3A_288 = arith.mulf %get3A_272, %exp3A_287 : vector<16xf32>
        %swap3A_289 = arith.index_cast %add3A_269 : i32 to index
        %swap3A_290 = arith.constant 0 : index
        %swap3A_291 = tpu.vector_load %arg14[%swap3A_289, %swap3A_290] {strides = array<i32>} : memref<80x32xf32, #tpu.memory_space<vmem>>, vector<16xf32>,
        tpu.vector_store %arg14[%swap3A_289, %swap3A_290], %mul3A_288 {strides = array<i32>} : memref<80x32xf32, #tpu.memory_space<vmem>>, vector<16xf32>,
        %eq3A_292 = arith.constant 0 : i32
        %eq3A_293 = vector.broadcast %eq3A_292 : i32 to vector<16xi32>
        %eq3A_294 = arith.cmpi eq, %iota3A, %eq3A_293 : vector<16xi32>
        %select_n3A_295 = arith.select %eq3A_294, %exp3A_287, %broadcast_in_dim3A_1 : vector<16xi1>, vector<16xf32>
        %swap3A_296 = arith.index_cast %add3A_269 : i32 to index
        %swap3A_297 = arith.constant 16 : index
        %swap3A_298 = tpu.vector_load %arg14[%swap3A_296, %swap3A_297] {strides = array<i32>} : memref<80x32xf32, #tpu.memory_space<vmem>>, vector<16xf32>,
        tpu.vector_store %arg14[%swap3A_296, %swap3A_297], %select_n3A_295 {strides = array<i32>} : memref<80x32xf32, #tpu.memory_space<vmem>>, vector<16xf32>,
        %scan3A_299 = arith.constant 7 : i32
        %scan3A_300 = arith.addi %scan3A_61, %scan3A_299 : i32
        %mul3A_301 = arith.constant 1 : i32
        %mul3A_302 = arith.muli %scan3A_300, %mul3A_301 : i32
        %add3A_303 = arith.constant 0 : i32
        %add3A_304 = arith.addi %add3A_303, %mul3A_302 : i32
        %get3A_305 = arith.index_cast %add3A_304 : i32 to index
        %get3A_306 = arith.constant 0 : index
        %get3A_307 = tpu.vector_load %arg12[%get3A_305, %get3A_306] {strides = array<i32>} : memref<80x16xf32, #tpu.memory_space<vmem>>, vector<16xf32>,
        %get3A_308 = arith.index_cast %add3A_304 : i32 to index
        %get3A_309 = arith.constant 0 : index
        %get3A_310 = tpu.vector_load %arg13[%get3A_308, %get3A_309] {strides = array<i32>} : memref<80x16xf32, #tpu.memory_space<vmem>>, vector<16xf32>,
        %add3A_311 = arith.addf %get3A_307, %get3A_310 : vector<16xf32>
        %mul3A_312 = arith.constant 2.000000e-01 : f32
        %mul3A_313 = vector.broadcast %mul3A_312 : f32 to vector<16xf32>
        %mul3A_314 = arith.mulf %mul3A_313, %add3A_311 : vector<16xf32>
        %max3A_315 = arith.maximumf %add3A_311, %mul3A_314 : vector<16xf32>
        %mul3A_316 = arith.mulf %max3A_315, %get3A_17 : vector<16xf32>
        %reduce_sum3A_317 = arith.constant true
        %reduce_sum3A_318 = vector.broadcast %reduce_sum3A_317 : i1 to vector<16xi1>
        %reduce_sum3A_319 = tpu.scan <sum>, %mul3A_316 masked %reduce_sum3A_318 : vector<16xf32>, vector<16xi1> -> vector<16xf32>
        %reduce_sum3A_320 = vector.extract %reduce_sum3A_319[15] : f32 from vector<16xf32>
        %broadcast_in_dim3A_321 = vector.broadcast %reduce_sum3A_320 : f32 to vector<16xf32>
        %exp3A_322 = math.exp %broadcast_in_dim3A_321 : vector<16xf32>
        %mul3A_323 = arith.mulf %get3A_307, %exp3A_322 : vector<16xf32>
        %swap3A_324 = arith.index_cast %add3A_304 : i32 to index
        %swap3A_325 = arith.constant 0 : index
        %swap3A_326 = tpu.vector_load %arg14[%swap3A_324, %swap3A_325] {strides = array<i32>} : memref<80x32xf32, #tpu.memory_space<vmem>>, vector<16xf32>,
        tpu.vector_store %arg14[%swap3A_324, %swap3A_325], %mul3A_323 {strides = array<i32>} : memref<80x32xf32, #tpu.memory_space<vmem>>, vector<16xf32>,
        %eq3A_327 = arith.constant 0 : i32
        %eq3A_328 = vector.broadcast %eq3A_327 : i32 to vector<16xi32>
        %eq3A_329 = arith.cmpi eq, %iota3A, %eq3A_328 : vector<16xi32>
        %select_n3A_330 = arith.select %eq3A_329, %exp3A_322, %broadcast_in_dim3A_1 : vector<16xi1>, vector<16xf32>
        %swap3A_331 = arith.index_cast %add3A_304 : i32 to index
        %swap3A_332 = arith.constant 16 : index
        %swap3A_333 = tpu.vector_load %arg14[%swap3A_331, %swap3A_332] {strides = array<i32>} : memref<80x32xf32, #tpu.memory_space<vmem>>, vector<16xf32>,
        tpu.vector_store %arg14[%swap3A_331, %swap3A_332], %select_n3A_330 {strides = array<i32>} : memref<80x32xf32, #tpu.memory_space<vmem>>, vector<16xf32>,
      }
      %scan3A_60 = arith.constant 80 : i32
      "tpu.region"() ({
        %run_scoped3A = tpu.sem_alloc : memref<!tpu.dma_semaphore, #tpu.memory_space<semaphore_mem>>
        %dma_start3A_61 = arith.constant 0 : i32
        %dma_start3A_62 = arith.constant 0 : i32
        %dma_start3A_63 = tpu.memref_slice %arg15[%dma_start3A_61, %dma_start3A_62] : memref<25088x32xf32, #tpu.memory_space<vmem_shared>> -> memref<25088x32xf32, #tpu.memory_space<vmem_shared>>
        tpu.enqueue_indirect_dma source(%arg14 : memref<80x32xf32, #tpu.memory_space<vmem>>) target(%dma_start3A_63 : memref<25088x32xf32, #tpu.memory_space<vmem_shared>>) offsets(%arg11 : memref<80xi32, #tpu.memory_space<vmem>>) semaphore(%run_scoped3A : memref<!tpu.dma_semaphore, #tpu.memory_space<semaphore_mem>>) {add = true}
        %dma_wait3A_64 = arith.constant 0 : i32
        %dma_wait3A_65 = arith.constant 0 : i32
        %dma_wait3A_66 = tpu.memref_slice %arg15[%dma_wait3A_64, %dma_wait3A_65] : memref<25088x32xf32, #tpu.memory_space<vmem_shared>> -> memref<25088x32xf32, #tpu.memory_space<vmem_shared>>
        tpu.wait_indirect_dma semaphore(%run_scoped3A : memref<!tpu.dma_semaphore, #tpu.memory_space<semaphore_mem>>) src(%arg14 : memref<80x32xf32, #tpu.memory_space<vmem>>) dst(%dma_wait3A_66 : memref<25088x32xf32, #tpu.memory_space<vmem_shared>>)
        tpu.yield
      }) : () -> ()
    }
    %scan3A_24 = arith.constant 625 : i32
    %barrier3A_25 = arith.constant 0 : index
    tpu.barrier barrier_id(%barrier3A_25)
    %mul3A_26 = arith.constant 1568 : i32
    %mul3A_27 = arith.muli %arg1, %mul3A_26 : i32
    %mul3A_28 = arith.constant 25088 : i32
    %mul3A_29 = arith.muli %arg0, %mul3A_28 : i32
    %mul3A_30 = arith.constant 1568 : i32
    %mul3A_31 = arith.muli %arg1, %mul3A_30 : i32
    %add3A_32 = arith.addi %mul3A_29, %mul3A_31 : i32
    "tpu.region"() ({
      %run_scoped3A = tpu.sem_alloc : memref<!tpu.dma_semaphore, #tpu.memory_space<semaphore_mem>>
      %dma_start3A = arith.constant 0 : i32
      %dma_start3A_33 = tpu.memref_slice %arg7[%add3A_32, %dma_start3A] : memref<50176x32xf32, #tpu.memory_space<hbm>> -> memref<1568x32xf32, #tpu.memory_space<hbm>>
      %dma_start3A_34 = arith.constant 0 : i32
      %dma_start3A_35 = tpu.memref_slice %arg15[%mul3A_27, %dma_start3A_34] : memref<25088x32xf32, #tpu.memory_space<vmem_shared>> -> memref<1568x32xf32, #tpu.memory_space<vmem_shared>>
      tpu.enqueue_dma source(%dma_start3A_35 : memref<1568x32xf32, #tpu.memory_space<vmem_shared>>) target(%dma_start3A_33 : memref<1568x32xf32, #tpu.memory_space<hbm>>) target_semaphore(%run_scoped3A : memref<!tpu.dma_semaphore, #tpu.memory_space<semaphore_mem>>)
      %dma_wait3A = arith.constant 0 : i32
      %dma_wait3A_36 = tpu.memref_slice %arg7[%add3A_32, %dma_wait3A] : memref<50176x32xf32, #tpu.memory_space<hbm>> -> memref<1568x32xf32, #tpu.memory_space<hbm>>
      %dma_wait3A_37 = arith.constant 0 : i32
      %dma_wait3A_38 = tpu.memref_slice %arg15[%mul3A_27, %dma_wait3A_37] : memref<25088x32xf32, #tpu.memory_space<vmem_shared>> -> memref<1568x32xf32, #tpu.memory_space<vmem_shared>>
      tpu.wait_dma2 semaphore(%run_scoped3A : memref<!tpu.dma_semaphore, #tpu.memory_space<semaphore_mem>>) src(%dma_wait3A_38 : memref<1568x32xf32, #tpu.memory_space<vmem_shared>>) dst(%dma_wait3A_36 : memref<1568x32xf32, #tpu.memory_space<hbm>>)
      tpu.yield
    }) : () -> ()
    return
  }
}

module attributes {stable_mosaic.version = 14 : i64} {
  func.func @_t2_body(%arg0: i32, %arg1: memref<2000x16xf32, #tpu.memory_space<vmem>>, %arg2: memref<2x16xf32, #tpu.memory_space<vmem>>, %arg3: memref<1x16xf32, #tpu.memory_space<vmem>>, %arg4: memref<1x16xf32, #tpu.memory_space<vmem>>, %arg5: memref<16x16xf32, #tpu.memory_space<vmem>>, %arg6: memref<1x16xf32, #tpu.memory_space<vmem>>, %arg7: memref<2000x50xf32, #tpu.memory_space<vmem>>, %arg8: memref<66x72xf32, #tpu.memory_space<vmem>>, %arg9: memref<66x64xf32, #tpu.memory_space<vmem>>, %arg10: memref<2000x72xf32, #tpu.memory_space<vmem>>, %arg11: memref<2000x64xf32, #tpu.memory_space<vmem>>) attributes {dimension_semantics = [#tpu.dimension_semantics<arbitrary>], iteration_bounds = array<i64: 25>, scalar_prefetch = 0 : i64, scratch_operands = 0 : i64, tpu.core_type = #tpu.core_type<tc>, window_params = [{transform_indices = @transform_0, window_bounds = array<i64: 2000, 16>}, {pipeline_mode = #tpu.pipeline_mode<synchronous>, transform_indices = @transform_1, window_bounds = array<i64: 2, 16>}, {pipeline_mode = #tpu.pipeline_mode<synchronous>, transform_indices = @transform_2, window_bounds = array<i64: 1, 16>}, {pipeline_mode = #tpu.pipeline_mode<synchronous>, transform_indices = @transform_3, window_bounds = array<i64: 1, 16>}, {pipeline_mode = #tpu.pipeline_mode<synchronous>, transform_indices = @transform_4, window_bounds = array<i64: 16, 16>}, {pipeline_mode = #tpu.pipeline_mode<synchronous>, transform_indices = @transform_5, window_bounds = array<i64: 1, 16>}, {transform_indices = @transform_6, window_bounds = array<i64: 2000, 50>}, {pipeline_mode = #tpu.pipeline_mode<synchronous>, transform_indices = @transform_7, window_bounds = array<i64: 66, 72>}, {pipeline_mode = #tpu.pipeline_mode<synchronous>, transform_indices = @transform_8, window_bounds = array<i64: 66, 64>}, {transform_indices = @transform_9, window_bounds = array<i64: 2000, 72>}, {transform_indices = @transform_10, window_bounds = array<i64: 2000, 64>}]} {
    %get3A = arith.constant 0 : index
    %get3A_0 = arith.constant 0 : index
    %get3A_1 = vector.load %arg1[%get3A, %get3A_0] : memref<2000x16xf32, #tpu.memory_space<vmem>>, vector<2000x16xf32>
    %get3A_2 = arith.constant 0 : index
    %get3A_3 = arith.constant 0 : index
    %get3A_4 = vector.load %arg2[%get3A_2, %get3A_3] : memref<2x16xf32, #tpu.memory_space<vmem>>, vector<2x16xf32>
    %get3A_5 = arith.constant 0 : index
    %get3A_6 = arith.constant 0 : index
    %get3A_7 = vector.load %arg3[%get3A_5, %get3A_6] : memref<1x16xf32, #tpu.memory_space<vmem>>, vector<1x16xf32>
    %get3A_8 = arith.constant 0 : index
    %get3A_9 = arith.constant 0 : index
    %get3A_10 = vector.load %arg4[%get3A_8, %get3A_9] : memref<1x16xf32, #tpu.memory_space<vmem>>, vector<1x16xf32>
    %slice3A = vector.extract_strided_slice %get3A_4 {offsets = [0, 0], sizes = [1, 16], strides = [1, 1]} : vector<2x16xf32> to vector<1x16xf32>
    %mul3A = arith.constant 2.000000e-05 : f32
    %mul3A_11 = vector.broadcast %mul3A : f32 to vector<1x16xf32>
    %mul3A_12 = arith.mulf %slice3A, %mul3A_11 : vector<1x16xf32>
    %slice3A_13 = vector.extract_strided_slice %get3A_4 {offsets = [1, 0], sizes = [1, 16], strides = [1, 1]} : vector<2x16xf32> to vector<1x16xf32>
    %mul3A_14 = arith.constant 2.000000e-05 : f32
    %mul3A_15 = vector.broadcast %mul3A_14 : f32 to vector<1x16xf32>
    %mul3A_16 = arith.mulf %slice3A_13, %mul3A_15 : vector<1x16xf32>
    %mul3A_17 = arith.mulf %mul3A_12, %mul3A_12 : vector<1x16xf32>
    %sub3A = arith.subf %mul3A_16, %mul3A_17 : vector<1x16xf32>
    %sub3A_18 = vector.broadcast %mul3A_12 : vector<1x16xf32> to vector<2000x16xf32>
    %sub3A_19 = arith.subf %get3A_1, %sub3A_18 : vector<2000x16xf32>
    %add3A = arith.constant 9.99999974E-6 : f32
    %add3A_20 = vector.broadcast %add3A : f32 to vector<1x16xf32>
    %add3A_21 = arith.addf %sub3A, %add3A_20 : vector<1x16xf32>
    %rsqrt3A = math.rsqrt %add3A_21 : vector<1x16xf32>
    %mul3A_22 = vector.broadcast %rsqrt3A : vector<1x16xf32> to vector<2000x16xf32>
    %mul3A_23 = arith.mulf %sub3A_19, %mul3A_22 : vector<2000x16xf32>
    %mul3A_24 = vector.broadcast %get3A_7 : vector<1x16xf32> to vector<2000x16xf32>
    %mul3A_25 = arith.mulf %mul3A_23, %mul3A_24 : vector<2000x16xf32>
    %add3A_26 = vector.broadcast %get3A_10 : vector<1x16xf32> to vector<2000x16xf32>
    %add3A_27 = arith.addf %mul3A_25, %add3A_26 : vector<2000x16xf32>
    %gt3A = arith.constant 0.000000e+00 : f32
    %gt3A_28 = vector.broadcast %gt3A : f32 to vector<2000x16xf32>
    %gt3A_29 = arith.cmpf ogt, %add3A_27, %gt3A_28 : vector<2000x16xf32>
    %min3A = arith.constant 0.000000e+00 : f32
    %min3A_30 = vector.broadcast %min3A : f32 to vector<2000x16xf32>
    %min3A_31 = arith.minimumf %add3A_27, %min3A_30 : vector<2000x16xf32>
    %exp3A = math.exp %min3A_31 : vector<2000x16xf32>
    %sub3A_32 = arith.constant 1.000000e+00 : f32
    %sub3A_33 = vector.broadcast %sub3A_32 : f32 to vector<2000x16xf32>
    %sub3A_34 = arith.subf %exp3A, %sub3A_33 : vector<2000x16xf32>
    %select_n3A = arith.select %gt3A_29, %add3A_27, %sub3A_34 : vector<2000x16xi1>, vector<2000x16xf32>
    %get3A_35 = arith.constant 0 : index
    %get3A_36 = arith.constant 0 : index
    %get3A_37 = vector.load %arg5[%get3A_35, %get3A_36] : memref<16x16xf32, #tpu.memory_space<vmem>>, vector<16x16xf32>
    %dot_general3A = arith.constant dense<0.000000e+00> : vector<2000x16xf32>
    %dot_general3A_38 = tpu.matmul %select_n3A, %get3A_37, %dot_general3A {dimension_numbers = #tpu.dot_dimension_numbers<[1], [0], [0], [1], [0, 0, 1, 1], [], []>, transpose_lhs_hint = false} : vector<2000x16xf32>, vector<16x16xf32>, vector<2000x16xf32> -> vector<2000x16xf32>
    %get3A_39 = arith.constant 0 : index
    %get3A_40 = arith.constant 0 : index
    %get3A_41 = vector.load %arg6[%get3A_39, %get3A_40] : memref<1x16xf32, #tpu.memory_space<vmem>>, vector<1x16xf32>
    %add3A_42 = vector.broadcast %get3A_41 : vector<1x16xf32> to vector<2000x16xf32>
    %add3A_43 = arith.addf %dot_general3A_38, %add3A_42 : vector<2000x16xf32>
    %gt3A_44 = arith.constant 0.000000e+00 : f32
    %gt3A_45 = vector.broadcast %gt3A_44 : f32 to vector<2000x16xf32>
    %gt3A_46 = arith.cmpf ogt, %add3A_43, %gt3A_45 : vector<2000x16xf32>
    %min3A_47 = arith.constant 0.000000e+00 : f32
    %min3A_48 = vector.broadcast %min3A_47 : f32 to vector<2000x16xf32>
    %min3A_49 = arith.minimumf %add3A_43, %min3A_48 : vector<2000x16xf32>
    %exp3A_50 = math.exp %min3A_49 : vector<2000x16xf32>
    %sub3A_51 = arith.constant 1.000000e+00 : f32
    %sub3A_52 = vector.broadcast %sub3A_51 : f32 to vector<2000x16xf32>
    %sub3A_53 = arith.subf %exp3A_50, %sub3A_52 : vector<2000x16xf32>
    %select_n3A_54 = arith.select %gt3A_46, %add3A_43, %sub3A_53 : vector<2000x16xi1>, vector<2000x16xf32>
    %get3A_55 = arith.constant 0 : index
    %get3A_56 = arith.constant 0 : index
    %get3A_57 = vector.load %arg7[%get3A_55, %get3A_56] : memref<2000x50xf32, #tpu.memory_space<vmem>>, vector<2000x50xf32>
    %get3A_58 = arith.constant 0 : index
    %get3A_59 = arith.constant 0 : index
    %get3A_60 = vector.load %arg8[%get3A_58, %get3A_59] : memref<66x72xf32, #tpu.memory_space<vmem>>, vector<66x72xf32>
    %get3A_61 = arith.constant 0 : index
    %get3A_62 = arith.constant 0 : index
    %get3A_63 = vector.load %arg9[%get3A_61, %get3A_62] : memref<66x64xf32, #tpu.memory_space<vmem>>, vector<66x64xf32>
    %slice3A_64 = vector.extract_strided_slice %get3A_60 {offsets = [0, 0], sizes = [50, 72], strides = [1, 1]} : vector<66x72xf32> to vector<50x72xf32>
    %dot_general3A_65 = arith.constant dense<0.000000e+00> : vector<2000x72xf32>
    %dot_general3A_66 = tpu.matmul %get3A_57, %slice3A_64, %dot_general3A_65 {dimension_numbers = #tpu.dot_dimension_numbers<[1], [0], [0], [1], [0, 0, 1, 1], [], []>, transpose_lhs_hint = false} : vector<2000x50xf32>, vector<50x72xf32>, vector<2000x72xf32> -> vector<2000x72xf32>
    %slice3A_67 = vector.extract_strided_slice %get3A_60 {offsets = [50, 0], sizes = [16, 72], strides = [1, 1]} : vector<66x72xf32> to vector<16x72xf32>
    %dot_general3A_68 = arith.constant dense<0.000000e+00> : vector<2000x72xf32>
    %dot_general3A_69 = tpu.matmul %select_n3A_54, %slice3A_67, %dot_general3A_68 {dimension_numbers = #tpu.dot_dimension_numbers<[1], [0], [0], [1], [0, 0, 1, 1], [], []>, transpose_lhs_hint = false} : vector<2000x16xf32>, vector<16x72xf32>, vector<2000x72xf32> -> vector<2000x72xf32>
    %add3A_70 = arith.addf %dot_general3A_66, %dot_general3A_69 : vector<2000x72xf32>
    %swap3A = arith.constant 0 : index
    %swap3A_71 = arith.constant 0 : index
    %swap3A_72 = vector.load %arg10[%swap3A, %swap3A_71] : memref<2000x72xf32, #tpu.memory_space<vmem>>, vector<2000x72xf32>
    tpu.vector_store %arg10[%swap3A, %swap3A_71], %add3A_70 {strides = array<i32>} : memref<2000x72xf32, #tpu.memory_space<vmem>>, vector<2000x72xf32>,
    %slice3A_73 = vector.extract_strided_slice %get3A_63 {offsets = [0, 0], sizes = [50, 64], strides = [1, 1]} : vector<66x64xf32> to vector<50x64xf32>
    %dot_general3A_74 = arith.constant dense<0.000000e+00> : vector<2000x64xf32>
    %dot_general3A_75 = tpu.matmul %get3A_57, %slice3A_73, %dot_general3A_74 {dimension_numbers = #tpu.dot_dimension_numbers<[1], [0], [0], [1], [0, 0, 1, 1], [], []>, transpose_lhs_hint = false} : vector<2000x50xf32>, vector<50x64xf32>, vector<2000x64xf32> -> vector<2000x64xf32>
    %slice3A_76 = vector.extract_strided_slice %get3A_63 {offsets = [50, 0], sizes = [16, 64], strides = [1, 1]} : vector<66x64xf32> to vector<16x64xf32>
    %dot_general3A_77 = arith.constant dense<0.000000e+00> : vector<2000x64xf32>
    %dot_general3A_78 = tpu.matmul %select_n3A_54, %slice3A_76, %dot_general3A_77 {dimension_numbers = #tpu.dot_dimension_numbers<[1], [0], [0], [1], [0, 0, 1, 1], [], []>, transpose_lhs_hint = false} : vector<2000x16xf32>, vector<16x64xf32>, vector<2000x64xf32> -> vector<2000x64xf32>
    %add3A_79 = arith.addf %dot_general3A_75, %dot_general3A_78 : vector<2000x64xf32>
    %swap3A_80 = arith.constant 0 : index
    %swap3A_81 = arith.constant 0 : index
    %swap3A_82 = vector.load %arg11[%swap3A_80, %swap3A_81] : memref<2000x64xf32, #tpu.memory_space<vmem>>, vector<2000x64xf32>
    tpu.vector_store %arg11[%swap3A_80, %swap3A_81], %add3A_79 {strides = array<i32>} : memref<2000x64xf32, #tpu.memory_space<vmem>>, vector<2000x64xf32>,
    return
  }
  func.func @transform_0(%arg0: i32) -> (i32, i32) {
    %c0_i32 = arith.constant 0 : i32
    %c0_i32_0 = arith.constant 0 : i32
    return %arg0, %c0_i32 : i32, i32
  }
  func.func @transform_1(%arg0: i32) -> (i32, i32) {
    %c0_i32 = arith.constant 0 : i32
    %c0_i32_0 = arith.constant 0 : i32
    %c0_i32_1 = arith.constant 0 : i32
    return %c0_i32, %c0_i32_0 : i32, i32
  }
  func.func @transform_2(%arg0: i32) -> (i32, i32) {
    %c0_i32 = arith.constant 0 : i32
    %c0_i32_0 = arith.constant 0 : i32
    %c0_i32_1 = arith.constant 0 : i32
    return %c0_i32, %c0_i32_0 : i32, i32
  }
  func.func @transform_3(%arg0: i32) -> (i32, i32) {
    %c0_i32 = arith.constant 0 : i32
    %c0_i32_0 = arith.constant 0 : i32
    %c0_i32_1 = arith.constant 0 : i32
    return %c0_i32, %c0_i32_0 : i32, i32
  }
  func.func @transform_4(%arg0: i32) -> (i32, i32) {
    %c0_i32 = arith.constant 0 : i32
    %c0_i32_0 = arith.constant 0 : i32
    %c0_i32_1 = arith.constant 0 : i32
    return %c0_i32, %c0_i32_0 : i32, i32
  }
  func.func @transform_5(%arg0: i32) -> (i32, i32) {
    %c0_i32 = arith.constant 0 : i32
    %c0_i32_0 = arith.constant 0 : i32
    %c0_i32_1 = arith.constant 0 : i32
    return %c0_i32, %c0_i32_0 : i32, i32
  }
  func.func @transform_6(%arg0: i32) -> (i32, i32) {
    %c0_i32 = arith.constant 0 : i32
    %c0_i32_0 = arith.constant 0 : i32
    return %arg0, %c0_i32 : i32, i32
  }
  func.func @transform_7(%arg0: i32) -> (i32, i32) {
    %c0_i32 = arith.constant 0 : i32
    %c0_i32_0 = arith.constant 0 : i32
    %c0_i32_1 = arith.constant 0 : i32
    return %c0_i32, %c0_i32_0 : i32, i32
  }
  func.func @transform_8(%arg0: i32) -> (i32, i32) {
    %c0_i32 = arith.constant 0 : i32
    %c0_i32_0 = arith.constant 0 : i32
    %c0_i32_1 = arith.constant 0 : i32
    return %c0_i32, %c0_i32_0 : i32, i32
  }
  func.func @transform_9(%arg0: i32) -> (i32, i32) {
    %c0_i32 = arith.constant 0 : i32
    %c0_i32_0 = arith.constant 0 : i32
    return %arg0, %c0_i32 : i32, i32
  }
  func.func @transform_10(%arg0: i32) -> (i32, i32) {
    %c0_i32 = arith.constant 0 : i32
    %c0_i32_0 = arith.constant 0 : i32
    return %arg0, %c0_i32 : i32, i32
  }
}

module attributes {stable_mosaic.version = 14 : i64} {
  func.func @_t1_body(%arg0: i32, %arg1: memref<2000x8xf32, #tpu.memory_space<vmem>>, %arg2: memref<8x16xf32, #tpu.memory_space<vmem>>, %arg3: memref<1x16xf32, #tpu.memory_space<vmem>>, %arg4: memref<2000x16xf32, #tpu.memory_space<vmem>>, %arg5: memref<2x16xf32, #tpu.memory_space<vmem>>) attributes {dimension_semantics = [#tpu.dimension_semantics<arbitrary>], iteration_bounds = array<i64: 25>, scalar_prefetch = 0 : i64, scratch_operands = 0 : i64, tpu.core_type = #tpu.core_type<tc>, window_params = [{transform_indices = @transform_0, window_bounds = array<i64: 2000, 8>}, {pipeline_mode = #tpu.pipeline_mode<synchronous>, transform_indices = @transform_1, window_bounds = array<i64: 8, 16>}, {pipeline_mode = #tpu.pipeline_mode<synchronous>, transform_indices = @transform_2, window_bounds = array<i64: 1, 16>}, {transform_indices = @transform_3, window_bounds = array<i64: 2000, 16>}, {pipeline_mode = #tpu.pipeline_mode<synchronous>, transform_indices = @transform_4, window_bounds = array<i64: 2, 16>}]} {
    %get3A = arith.constant 0 : index
    %get3A_0 = arith.constant 0 : index
    %get3A_1 = vector.load %arg1[%get3A, %get3A_0] : memref<2000x8xf32, #tpu.memory_space<vmem>>, vector<2000x8xf32>
    %get3A_2 = arith.constant 0 : index
    %get3A_3 = arith.constant 0 : index
    %get3A_4 = vector.load %arg2[%get3A_2, %get3A_3] : memref<8x16xf32, #tpu.memory_space<vmem>>, vector<8x16xf32>
    %dot_general3A = arith.constant dense<0.000000e+00> : vector<2000x16xf32>
    %dot_general3A_5 = tpu.matmul %get3A_1, %get3A_4, %dot_general3A {dimension_numbers = #tpu.dot_dimension_numbers<[1], [0], [0], [1], [0, 0, 1, 1], [], []>, transpose_lhs_hint = false} : vector<2000x8xf32>, vector<8x16xf32>, vector<2000x16xf32> -> vector<2000x16xf32>
    %get3A_6 = arith.constant 0 : index
    %get3A_7 = arith.constant 0 : index
    %get3A_8 = vector.load %arg3[%get3A_6, %get3A_7] : memref<1x16xf32, #tpu.memory_space<vmem>>, vector<1x16xf32>
    %add3A = vector.broadcast %get3A_8 : vector<1x16xf32> to vector<2000x16xf32>
    %add3A_9 = arith.addf %dot_general3A_5, %add3A : vector<2000x16xf32>
    %swap3A = arith.constant 0 : index
    %swap3A_10 = arith.constant 0 : index
    %swap3A_11 = vector.load %arg4[%swap3A, %swap3A_10] : memref<2000x16xf32, #tpu.memory_space<vmem>>, vector<2000x16xf32>
    tpu.vector_store %arg4[%swap3A, %swap3A_10], %add3A_9 {strides = array<i32>} : memref<2000x16xf32, #tpu.memory_space<vmem>>, vector<2000x16xf32>,
    %eq3A = arith.constant 0 : i32
    %eq3A_12 = arith.cmpi eq, %arg0, %eq3A : i32
    %convert_element_type3A = arith.extui %eq3A_12 : i1 to i32
    %cond3A = arith.constant 0 : i32
    %cond3A_13 = arith.cmpi ne, %convert_element_type3A, %cond3A : i32
    scf.if %cond3A_13 {
      %broadcast_in_dim3A_25 = arith.constant 0.000000e+00 : f32
      %broadcast_in_dim3A_26 = vector.broadcast %broadcast_in_dim3A_25 : f32 to vector<2x16xf32>
      %swap3A_27 = arith.constant 0 : index
      %swap3A_28 = arith.constant 0 : index
      %swap3A_29 = vector.load %arg5[%swap3A_27, %swap3A_28] : memref<2x16xf32, #tpu.memory_space<vmem>>, vector<2x16xf32>
      tpu.vector_store %arg5[%swap3A_27, %swap3A_28], %broadcast_in_dim3A_26 {strides = array<i32>} : memref<2x16xf32, #tpu.memory_space<vmem>>, vector<2x16xf32>,
    } else {
    }
    %get3A_14 = arith.constant 0 : index
    %get3A_15 = arith.constant 0 : index
    %get3A_16 = vector.load %arg5[%get3A_14, %get3A_15] : memref<2x16xf32, #tpu.memory_space<vmem>>, vector<2x16xf32>
    %reduce_sum3A = arith.constant dense<0.000000e+00> : vector<16xf32>
    %reduce_sum3A_17 = vector.multi_reduction <add>, %add3A_9, %reduce_sum3A [0] : vector<2000x16xf32> to vector<16xf32>
    %broadcast_in_dim3A = vector.shape_cast %reduce_sum3A_17 : vector<16xf32> to vector<1x16xf32>
    %mul3A = arith.mulf %add3A_9, %add3A_9 : vector<2000x16xf32>
    %reduce_sum3A_18 = arith.constant dense<0.000000e+00> : vector<16xf32>
    %reduce_sum3A_19 = vector.multi_reduction <add>, %mul3A, %reduce_sum3A_18 [0] : vector<2000x16xf32> to vector<16xf32>
    %broadcast_in_dim3A_20 = vector.shape_cast %reduce_sum3A_19 : vector<16xf32> to vector<1x16xf32>
    %concatenate3A = tpu.concatenate %broadcast_in_dim3A, %broadcast_in_dim3A_20 in 0 : vector<1x16xf32>, vector<1x16xf32> -> vector<2x16xf32>
    %add3A_21 = arith.addf %get3A_16, %concatenate3A : vector<2x16xf32>
    %swap3A_22 = arith.constant 0 : index
    %swap3A_23 = arith.constant 0 : index
    %swap3A_24 = vector.load %arg5[%swap3A_22, %swap3A_23] : memref<2x16xf32, #tpu.memory_space<vmem>>, vector<2x16xf32>
    tpu.vector_store %arg5[%swap3A_22, %swap3A_23], %add3A_21 {strides = array<i32>} : memref<2x16xf32, #tpu.memory_space<vmem>>, vector<2x16xf32>,
    return
  }
  func.func @transform_0(%arg0: i32) -> (i32, i32) {
    %c0_i32 = arith.constant 0 : i32
    %c0_i32_0 = arith.constant 0 : i32
    return %arg0, %c0_i32 : i32, i32
  }
  func.func @transform_1(%arg0: i32) -> (i32, i32) {
    %c0_i32 = arith.constant 0 : i32
    %c0_i32_0 = arith.constant 0 : i32
    %c0_i32_1 = arith.constant 0 : i32
    return %c0_i32, %c0_i32_0 : i32, i32
  }
  func.func @transform_2(%arg0: i32) -> (i32, i32) {
    %c0_i32 = arith.constant 0 : i32
    %c0_i32_0 = arith.constant 0 : i32
    %c0_i32_1 = arith.constant 0 : i32
    return %c0_i32, %c0_i32_0 : i32, i32
  }
  func.func @transform_3(%arg0: i32) -> (i32, i32) {
    %c0_i32 = arith.constant 0 : i32
    %c0_i32_0 = arith.constant 0 : i32
    return %arg0, %c0_i32 : i32, i32
  }
  func.func @transform_4(%arg0: i32) -> (i32, i32) {
    %c0_i32 = arith.constant 0 : i32
    %c0_i32_0 = arith.constant 0 : i32
    %c0_i32_1 = arith.constant 0 : i32
    return %c0_i32, %c0_i32_0 : i32, i32
  }
}

module attributes {stable_mosaic.version = 14 : i64} {
  func.func @_t3_body(%arg0: i32, %arg1: memref<2000x72xf32, #tpu.memory_space<vmem>>, %arg2: memref<1x64xf32, #tpu.memory_space<vmem>>, %arg3: memref<2000x64xf32, #tpu.memory_space<vmem>>, %arg4: memref<2x64xf32, #tpu.memory_space<vmem>>) attributes {dimension_semantics = [#tpu.dimension_semantics<arbitrary>], iteration_bounds = array<i64: 25>, scalar_prefetch = 0 : i64, scratch_operands = 0 : i64, tpu.core_type = #tpu.core_type<tc>, window_params = [{transform_indices = @transform_0, window_bounds = array<i64: 2000, 72>}, {pipeline_mode = #tpu.pipeline_mode<synchronous>, transform_indices = @transform_1, window_bounds = array<i64: 1, 64>}, {transform_indices = @transform_2, window_bounds = array<i64: 2000, 64>}, {pipeline_mode = #tpu.pipeline_mode<synchronous>, transform_indices = @transform_3, window_bounds = array<i64: 2, 64>}]} {
    %get3A = arith.constant 0 : index
    %get3A_0 = arith.constant 0 : index
    %get3A_1 = vector.load %arg1[%get3A, %get3A_0] : memref<2000x72xf32, #tpu.memory_space<vmem>>, vector<2000x72xf32>
    %slice3A = vector.extract_strided_slice %get3A_1 {offsets = [0, 64], sizes = [2000, 1], strides = [1, 1]} : vector<2000x72xf32> to vector<2000x1xf32>
    %slice3A_2 = vector.extract_strided_slice %get3A_1 {offsets = [0, 0], sizes = [2000, 16], strides = [1, 1]} : vector<2000x72xf32> to vector<2000x16xf32>
    %add3A = arith.constant 1.000000e-16 : f32
    %add3A_3 = vector.broadcast %add3A : f32 to vector<2000x1xf32>
    %add3A_4 = arith.addf %slice3A, %add3A_3 : vector<2000x1xf32>
    %div3A = vector.broadcast %add3A_4 : vector<2000x1xf32> to vector<2000x16xf32>
    %div3A_5 = arith.divf %slice3A_2, %div3A : vector<2000x16xf32>
    %slice3A_6 = vector.extract_strided_slice %get3A_1 {offsets = [0, 65], sizes = [2000, 1], strides = [1, 1]} : vector<2000x72xf32> to vector<2000x1xf32>
    %slice3A_7 = vector.extract_strided_slice %get3A_1 {offsets = [0, 16], sizes = [2000, 16], strides = [1, 1]} : vector<2000x72xf32> to vector<2000x16xf32>
    %add3A_8 = arith.constant 1.000000e-16 : f32
    %add3A_9 = vector.broadcast %add3A_8 : f32 to vector<2000x1xf32>
    %add3A_10 = arith.addf %slice3A_6, %add3A_9 : vector<2000x1xf32>
    %div3A_11 = vector.broadcast %add3A_10 : vector<2000x1xf32> to vector<2000x16xf32>
    %div3A_12 = arith.divf %slice3A_7, %div3A_11 : vector<2000x16xf32>
    %slice3A_13 = vector.extract_strided_slice %get3A_1 {offsets = [0, 66], sizes = [2000, 1], strides = [1, 1]} : vector<2000x72xf32> to vector<2000x1xf32>
    %slice3A_14 = vector.extract_strided_slice %get3A_1 {offsets = [0, 32], sizes = [2000, 16], strides = [1, 1]} : vector<2000x72xf32> to vector<2000x16xf32>
    %add3A_15 = arith.constant 1.000000e-16 : f32
    %add3A_16 = vector.broadcast %add3A_15 : f32 to vector<2000x1xf32>
    %add3A_17 = arith.addf %slice3A_13, %add3A_16 : vector<2000x1xf32>
    %div3A_18 = vector.broadcast %add3A_17 : vector<2000x1xf32> to vector<2000x16xf32>
    %div3A_19 = arith.divf %slice3A_14, %div3A_18 : vector<2000x16xf32>
    %slice3A_20 = vector.extract_strided_slice %get3A_1 {offsets = [0, 67], sizes = [2000, 1], strides = [1, 1]} : vector<2000x72xf32> to vector<2000x1xf32>
    %slice3A_21 = vector.extract_strided_slice %get3A_1 {offsets = [0, 48], sizes = [2000, 16], strides = [1, 1]} : vector<2000x72xf32> to vector<2000x16xf32>
    %add3A_22 = arith.constant 1.000000e-16 : f32
    %add3A_23 = vector.broadcast %add3A_22 : f32 to vector<2000x1xf32>
    %add3A_24 = arith.addf %slice3A_20, %add3A_23 : vector<2000x1xf32>
    %div3A_25 = vector.broadcast %add3A_24 : vector<2000x1xf32> to vector<2000x16xf32>
    %div3A_26 = arith.divf %slice3A_21, %div3A_25 : vector<2000x16xf32>
    %concatenate3A = tpu.concatenate %div3A_5, %div3A_12, %div3A_19, %div3A_26 in 1 : vector<2000x16xf32>, vector<2000x16xf32>, vector<2000x16xf32>, vector<2000x16xf32> -> vector<2000x64xf32>
    %get3A_27 = arith.constant 0 : index
    %get3A_28 = arith.constant 0 : index
    %get3A_29 = vector.load %arg2[%get3A_27, %get3A_28] : memref<1x64xf32, #tpu.memory_space<vmem>>, vector<1x64xf32>
    %add3A_30 = vector.broadcast %get3A_29 : vector<1x64xf32> to vector<2000x64xf32>
    %add3A_31 = arith.addf %concatenate3A, %add3A_30 : vector<2000x64xf32>
    %swap3A = arith.constant 0 : index
    %swap3A_32 = arith.constant 0 : index
    %swap3A_33 = vector.load %arg3[%swap3A, %swap3A_32] : memref<2000x64xf32, #tpu.memory_space<vmem>>, vector<2000x64xf32>
    tpu.vector_store %arg3[%swap3A, %swap3A_32], %add3A_31 {strides = array<i32>} : memref<2000x64xf32, #tpu.memory_space<vmem>>, vector<2000x64xf32>,
    %eq3A = arith.constant 0 : i32
    %eq3A_34 = arith.cmpi eq, %arg0, %eq3A : i32
    %convert_element_type3A = arith.extui %eq3A_34 : i1 to i32
    %cond3A = arith.constant 0 : i32
    %cond3A_35 = arith.cmpi ne, %convert_element_type3A, %cond3A : i32
    scf.if %cond3A_35 {
      %broadcast_in_dim3A_48 = arith.constant 0.000000e+00 : f32
      %broadcast_in_dim3A_49 = vector.broadcast %broadcast_in_dim3A_48 : f32 to vector<2x64xf32>
      %swap3A_50 = arith.constant 0 : index
      %swap3A_51 = arith.constant 0 : index
      %swap3A_52 = vector.load %arg4[%swap3A_50, %swap3A_51] : memref<2x64xf32, #tpu.memory_space<vmem>>, vector<2x64xf32>
      tpu.vector_store %arg4[%swap3A_50, %swap3A_51], %broadcast_in_dim3A_49 {strides = array<i32>} : memref<2x64xf32, #tpu.memory_space<vmem>>, vector<2x64xf32>,
    } else {
    }
    %get3A_36 = arith.constant 0 : index
    %get3A_37 = arith.constant 0 : index
    %get3A_38 = vector.load %arg4[%get3A_36, %get3A_37] : memref<2x64xf32, #tpu.memory_space<vmem>>, vector<2x64xf32>
    %reduce_sum3A = arith.constant dense<0.000000e+00> : vector<64xf32>
    %reduce_sum3A_39 = vector.multi_reduction <add>, %add3A_31, %reduce_sum3A [0] : vector<2000x64xf32> to vector<64xf32>
    %broadcast_in_dim3A = vector.shape_cast %reduce_sum3A_39 : vector<64xf32> to vector<1x64xf32>
    %mul3A = arith.mulf %add3A_31, %add3A_31 : vector<2000x64xf32>
    %reduce_sum3A_40 = arith.constant dense<0.000000e+00> : vector<64xf32>
    %reduce_sum3A_41 = vector.multi_reduction <add>, %mul3A, %reduce_sum3A_40 [0] : vector<2000x64xf32> to vector<64xf32>
    %broadcast_in_dim3A_42 = vector.shape_cast %reduce_sum3A_41 : vector<64xf32> to vector<1x64xf32>
    %concatenate3A_43 = tpu.concatenate %broadcast_in_dim3A, %broadcast_in_dim3A_42 in 0 : vector<1x64xf32>, vector<1x64xf32> -> vector<2x64xf32>
    %add3A_44 = arith.addf %get3A_38, %concatenate3A_43 : vector<2x64xf32>
    %swap3A_45 = arith.constant 0 : index
    %swap3A_46 = arith.constant 0 : index
    %swap3A_47 = vector.load %arg4[%swap3A_45, %swap3A_46] : memref<2x64xf32, #tpu.memory_space<vmem>>, vector<2x64xf32>
    tpu.vector_store %arg4[%swap3A_45, %swap3A_46], %add3A_44 {strides = array<i32>} : memref<2x64xf32, #tpu.memory_space<vmem>>, vector<2x64xf32>,
    return
  }
  func.func @transform_0(%arg0: i32) -> (i32, i32) {
    %c0_i32 = arith.constant 0 : i32
    %c0_i32_0 = arith.constant 0 : i32
    return %arg0, %c0_i32 : i32, i32
  }
  func.func @transform_1(%arg0: i32) -> (i32, i32) {
    %c0_i32 = arith.constant 0 : i32
    %c0_i32_0 = arith.constant 0 : i32
    %c0_i32_1 = arith.constant 0 : i32
    return %c0_i32, %c0_i32_0 : i32, i32
  }
  func.func @transform_2(%arg0: i32) -> (i32, i32) {
    %c0_i32 = arith.constant 0 : i32
    %c0_i32_0 = arith.constant 0 : i32
    return %arg0, %c0_i32 : i32, i32
  }
  func.func @transform_3(%arg0: i32) -> (i32, i32) {
    %c0_i32 = arith.constant 0 : i32
    %c0_i32_0 = arith.constant 0 : i32
    %c0_i32_1 = arith.constant 0 : i32
    return %c0_i32, %c0_i32_0 : i32, i32
  }
}

module attributes {stable_mosaic.version = 14 : i64} {
  func.func @_t4_body(%arg0: i32, %arg1: memref<2000x64xf32, #tpu.memory_space<vmem>>, %arg2: memref<2x64xf32, #tpu.memory_space<vmem>>, %arg3: memref<1x64xf32, #tpu.memory_space<vmem>>, %arg4: memref<1x64xf32, #tpu.memory_space<vmem>>, %arg5: memref<64x16xf32, #tpu.memory_space<vmem>>, %arg6: memref<64x16xf32, #tpu.memory_space<vmem>>, %arg7: memref<2000x16xf32, #tpu.memory_space<vmem>>, %arg8: memref<2000x16xf32, #tpu.memory_space<vmem>>) attributes {dimension_semantics = [#tpu.dimension_semantics<arbitrary>], iteration_bounds = array<i64: 25>, scalar_prefetch = 0 : i64, scratch_operands = 0 : i64, tpu.core_type = #tpu.core_type<tc>, window_params = [{transform_indices = @transform_0, window_bounds = array<i64: 2000, 64>}, {pipeline_mode = #tpu.pipeline_mode<synchronous>, transform_indices = @transform_1, window_bounds = array<i64: 2, 64>}, {pipeline_mode = #tpu.pipeline_mode<synchronous>, transform_indices = @transform_2, window_bounds = array<i64: 1, 64>}, {pipeline_mode = #tpu.pipeline_mode<synchronous>, transform_indices = @transform_3, window_bounds = array<i64: 1, 64>}, {pipeline_mode = #tpu.pipeline_mode<synchronous>, transform_indices = @transform_4, window_bounds = array<i64: 64, 16>}, {pipeline_mode = #tpu.pipeline_mode<synchronous>, transform_indices = @transform_5, window_bounds = array<i64: 64, 16>}, {transform_indices = @transform_6, window_bounds = array<i64: 2000, 16>}, {transform_indices = @transform_7, window_bounds = array<i64: 2000, 16>}]} {
    %get3A = arith.constant 0 : index
    %get3A_0 = arith.constant 0 : index
    %get3A_1 = vector.load %arg1[%get3A, %get3A_0] : memref<2000x64xf32, #tpu.memory_space<vmem>>, vector<2000x64xf32>
    %get3A_2 = arith.constant 0 : index
    %get3A_3 = arith.constant 0 : index
    %get3A_4 = vector.load %arg2[%get3A_2, %get3A_3] : memref<2x64xf32, #tpu.memory_space<vmem>>, vector<2x64xf32>
    %get3A_5 = arith.constant 0 : index
    %get3A_6 = arith.constant 0 : index
    %get3A_7 = vector.load %arg3[%get3A_5, %get3A_6] : memref<1x64xf32, #tpu.memory_space<vmem>>, vector<1x64xf32>
    %get3A_8 = arith.constant 0 : index
    %get3A_9 = arith.constant 0 : index
    %get3A_10 = vector.load %arg4[%get3A_8, %get3A_9] : memref<1x64xf32, #tpu.memory_space<vmem>>, vector<1x64xf32>
    %slice3A = vector.extract_strided_slice %get3A_4 {offsets = [0, 0], sizes = [1, 64], strides = [1, 1]} : vector<2x64xf32> to vector<1x64xf32>
    %mul3A = arith.constant 2.000000e-05 : f32
    %mul3A_11 = vector.broadcast %mul3A : f32 to vector<1x64xf32>
    %mul3A_12 = arith.mulf %slice3A, %mul3A_11 : vector<1x64xf32>
    %slice3A_13 = vector.extract_strided_slice %get3A_4 {offsets = [1, 0], sizes = [1, 64], strides = [1, 1]} : vector<2x64xf32> to vector<1x64xf32>
    %mul3A_14 = arith.constant 2.000000e-05 : f32
    %mul3A_15 = vector.broadcast %mul3A_14 : f32 to vector<1x64xf32>
    %mul3A_16 = arith.mulf %slice3A_13, %mul3A_15 : vector<1x64xf32>
    %mul3A_17 = arith.mulf %mul3A_12, %mul3A_12 : vector<1x64xf32>
    %sub3A = arith.subf %mul3A_16, %mul3A_17 : vector<1x64xf32>
    %sub3A_18 = vector.broadcast %mul3A_12 : vector<1x64xf32> to vector<2000x64xf32>
    %sub3A_19 = arith.subf %get3A_1, %sub3A_18 : vector<2000x64xf32>
    %add3A = arith.constant 9.99999974E-6 : f32
    %add3A_20 = vector.broadcast %add3A : f32 to vector<1x64xf32>
    %add3A_21 = arith.addf %sub3A, %add3A_20 : vector<1x64xf32>
    %rsqrt3A = math.rsqrt %add3A_21 : vector<1x64xf32>
    %mul3A_22 = vector.broadcast %rsqrt3A : vector<1x64xf32> to vector<2000x64xf32>
    %mul3A_23 = arith.mulf %sub3A_19, %mul3A_22 : vector<2000x64xf32>
    %mul3A_24 = vector.broadcast %get3A_7 : vector<1x64xf32> to vector<2000x64xf32>
    %mul3A_25 = arith.mulf %mul3A_23, %mul3A_24 : vector<2000x64xf32>
    %add3A_26 = vector.broadcast %get3A_10 : vector<1x64xf32> to vector<2000x64xf32>
    %add3A_27 = arith.addf %mul3A_25, %add3A_26 : vector<2000x64xf32>
    %gt3A = arith.constant 0.000000e+00 : f32
    %gt3A_28 = vector.broadcast %gt3A : f32 to vector<2000x64xf32>
    %gt3A_29 = arith.cmpf ogt, %add3A_27, %gt3A_28 : vector<2000x64xf32>
    %min3A = arith.constant 0.000000e+00 : f32
    %min3A_30 = vector.broadcast %min3A : f32 to vector<2000x64xf32>
    %min3A_31 = arith.minimumf %add3A_27, %min3A_30 : vector<2000x64xf32>
    %exp3A = math.exp %min3A_31 : vector<2000x64xf32>
    %sub3A_32 = arith.constant 1.000000e+00 : f32
    %sub3A_33 = vector.broadcast %sub3A_32 : f32 to vector<2000x64xf32>
    %sub3A_34 = arith.subf %exp3A, %sub3A_33 : vector<2000x64xf32>
    %select_n3A = arith.select %gt3A_29, %add3A_27, %sub3A_34 : vector<2000x64xi1>, vector<2000x64xf32>
    %get3A_35 = arith.constant 0 : index
    %get3A_36 = arith.constant 0 : index
    %get3A_37 = vector.load %arg5[%get3A_35, %get3A_36] : memref<64x16xf32, #tpu.memory_space<vmem>>, vector<64x16xf32>
    %dot_general3A = arith.constant dense<0.000000e+00> : vector<2000x16xf32>
    %dot_general3A_38 = tpu.matmul %select_n3A, %get3A_37, %dot_general3A {dimension_numbers = #tpu.dot_dimension_numbers<[1], [0], [0], [1], [0, 0, 1, 1], [], []>, transpose_lhs_hint = false} : vector<2000x64xf32>, vector<64x16xf32>, vector<2000x16xf32> -> vector<2000x16xf32>
    %swap3A = arith.constant 0 : index
    %swap3A_39 = arith.constant 0 : index
    %swap3A_40 = vector.load %arg7[%swap3A, %swap3A_39] : memref<2000x16xf32, #tpu.memory_space<vmem>>, vector<2000x16xf32>
    tpu.vector_store %arg7[%swap3A, %swap3A_39], %dot_general3A_38 {strides = array<i32>} : memref<2000x16xf32, #tpu.memory_space<vmem>>, vector<2000x16xf32>,
    %get3A_41 = arith.constant 0 : index
    %get3A_42 = arith.constant 0 : index
    %get3A_43 = vector.load %arg6[%get3A_41, %get3A_42] : memref<64x16xf32, #tpu.memory_space<vmem>>, vector<64x16xf32>
    %dot_general3A_44 = arith.constant dense<0.000000e+00> : vector<2000x16xf32>
    %dot_general3A_45 = tpu.matmul %select_n3A, %get3A_43, %dot_general3A_44 {dimension_numbers = #tpu.dot_dimension_numbers<[1], [0], [0], [1], [0, 0, 1, 1], [], []>, transpose_lhs_hint = false} : vector<2000x64xf32>, vector<64x16xf32>, vector<2000x16xf32> -> vector<2000x16xf32>
    %swap3A_46 = arith.constant 0 : index
    %swap3A_47 = arith.constant 0 : index
    %swap3A_48 = vector.load %arg8[%swap3A_46, %swap3A_47] : memref<2000x16xf32, #tpu.memory_space<vmem>>, vector<2000x16xf32>
    tpu.vector_store %arg8[%swap3A_46, %swap3A_47], %dot_general3A_45 {strides = array<i32>} : memref<2000x16xf32, #tpu.memory_space<vmem>>, vector<2000x16xf32>,
    return
  }
  func.func @transform_0(%arg0: i32) -> (i32, i32) {
    %c0_i32 = arith.constant 0 : i32
    %c0_i32_0 = arith.constant 0 : i32
    return %arg0, %c0_i32 : i32, i32
  }
  func.func @transform_1(%arg0: i32) -> (i32, i32) {
    %c0_i32 = arith.constant 0 : i32
    %c0_i32_0 = arith.constant 0 : i32
    %c0_i32_1 = arith.constant 0 : i32
    return %c0_i32, %c0_i32_0 : i32, i32
  }
  func.func @transform_2(%arg0: i32) -> (i32, i32) {
    %c0_i32 = arith.constant 0 : i32
    %c0_i32_0 = arith.constant 0 : i32
    %c0_i32_1 = arith.constant 0 : i32
    return %c0_i32, %c0_i32_0 : i32, i32
  }
  func.func @transform_3(%arg0: i32) -> (i32, i32) {
    %c0_i32 = arith.constant 0 : i32
    %c0_i32_0 = arith.constant 0 : i32
    %c0_i32_1 = arith.constant 0 : i32
    return %c0_i32, %c0_i32_0 : i32, i32
  }
  func.func @transform_4(%arg0: i32) -> (i32, i32) {
    %c0_i32 = arith.constant 0 : i32
    %c0_i32_0 = arith.constant 0 : i32
    %c0_i32_1 = arith.constant 0 : i32
    return %c0_i32, %c0_i32_0 : i32, i32
  }
  func.func @transform_5(%arg0: i32) -> (i32, i32) {
    %c0_i32 = arith.constant 0 : i32
    %c0_i32_0 = arith.constant 0 : i32
    %c0_i32_1 = arith.constant 0 : i32
    return %c0_i32, %c0_i32_0 : i32, i32
  }
  func.func @transform_6(%arg0: i32) -> (i32, i32) {
    %c0_i32 = arith.constant 0 : i32
    %c0_i32_0 = arith.constant 0 : i32
    return %arg0, %c0_i32 : i32, i32
  }
  func.func @transform_7(%arg0: i32) -> (i32, i32) {
    %c0_i32 = arith.constant 0 : i32
    %c0_i32_0 = arith.constant 0 : i32
    return %arg0, %c0_i32 : i32, i32
  }
}

module attributes {stable_mosaic.version = 14 : i64} {
  func.func @_t3_body(%arg0: i32, %arg1: memref<2000x32xf32, #tpu.memory_space<vmem>>, %arg2: memref<1x16xf32, #tpu.memory_space<vmem>>, %arg3: memref<2000x16xf32, #tpu.memory_space<vmem>>, %arg4: memref<2x16xf32, #tpu.memory_space<vmem>>) attributes {dimension_semantics = [#tpu.dimension_semantics<arbitrary>], iteration_bounds = array<i64: 25>, scalar_prefetch = 0 : i64, scratch_operands = 0 : i64, tpu.core_type = #tpu.core_type<tc>, window_params = [{transform_indices = @transform_0, window_bounds = array<i64: 2000, 32>}, {pipeline_mode = #tpu.pipeline_mode<synchronous>, transform_indices = @transform_1, window_bounds = array<i64: 1, 16>}, {transform_indices = @transform_2, window_bounds = array<i64: 2000, 16>}, {pipeline_mode = #tpu.pipeline_mode<synchronous>, transform_indices = @transform_3, window_bounds = array<i64: 2, 16>}]} {
    %get3A = arith.constant 0 : index
    %get3A_0 = arith.constant 0 : index
    %get3A_1 = vector.load %arg1[%get3A, %get3A_0] : memref<2000x32xf32, #tpu.memory_space<vmem>>, vector<2000x32xf32>
    %slice3A = vector.extract_strided_slice %get3A_1 {offsets = [0, 16], sizes = [2000, 1], strides = [1, 1]} : vector<2000x32xf32> to vector<2000x1xf32>
    %slice3A_2 = vector.extract_strided_slice %get3A_1 {offsets = [0, 0], sizes = [2000, 16], strides = [1, 1]} : vector<2000x32xf32> to vector<2000x16xf32>
    %add3A = arith.constant 1.000000e-16 : f32
    %add3A_3 = vector.broadcast %add3A : f32 to vector<2000x1xf32>
    %add3A_4 = arith.addf %slice3A, %add3A_3 : vector<2000x1xf32>
    %div3A = vector.broadcast %add3A_4 : vector<2000x1xf32> to vector<2000x16xf32>
    %div3A_5 = arith.divf %slice3A_2, %div3A : vector<2000x16xf32>
    %get3A_6 = arith.constant 0 : index
    %get3A_7 = arith.constant 0 : index
    %get3A_8 = vector.load %arg2[%get3A_6, %get3A_7] : memref<1x16xf32, #tpu.memory_space<vmem>>, vector<1x16xf32>
    %add3A_9 = vector.broadcast %get3A_8 : vector<1x16xf32> to vector<2000x16xf32>
    %add3A_10 = arith.addf %div3A_5, %add3A_9 : vector<2000x16xf32>
    %swap3A = arith.constant 0 : index
    %swap3A_11 = arith.constant 0 : index
    %swap3A_12 = vector.load %arg3[%swap3A, %swap3A_11] : memref<2000x16xf32, #tpu.memory_space<vmem>>, vector<2000x16xf32>
    tpu.vector_store %arg3[%swap3A, %swap3A_11], %add3A_10 {strides = array<i32>} : memref<2000x16xf32, #tpu.memory_space<vmem>>, vector<2000x16xf32>,
    %eq3A = arith.constant 0 : i32
    %eq3A_13 = arith.cmpi eq, %arg0, %eq3A : i32
    %convert_element_type3A = arith.extui %eq3A_13 : i1 to i32
    %cond3A = arith.constant 0 : i32
    %cond3A_14 = arith.cmpi ne, %convert_element_type3A, %cond3A : i32
    scf.if %cond3A_14 {
      %broadcast_in_dim3A_26 = arith.constant 0.000000e+00 : f32
      %broadcast_in_dim3A_27 = vector.broadcast %broadcast_in_dim3A_26 : f32 to vector<2x16xf32>
      %swap3A_28 = arith.constant 0 : index
      %swap3A_29 = arith.constant 0 : index
      %swap3A_30 = vector.load %arg4[%swap3A_28, %swap3A_29] : memref<2x16xf32, #tpu.memory_space<vmem>>, vector<2x16xf32>
      tpu.vector_store %arg4[%swap3A_28, %swap3A_29], %broadcast_in_dim3A_27 {strides = array<i32>} : memref<2x16xf32, #tpu.memory_space<vmem>>, vector<2x16xf32>,
    } else {
    }
    %get3A_15 = arith.constant 0 : index
    %get3A_16 = arith.constant 0 : index
    %get3A_17 = vector.load %arg4[%get3A_15, %get3A_16] : memref<2x16xf32, #tpu.memory_space<vmem>>, vector<2x16xf32>
    %reduce_sum3A = arith.constant dense<0.000000e+00> : vector<16xf32>
    %reduce_sum3A_18 = vector.multi_reduction <add>, %add3A_10, %reduce_sum3A [0] : vector<2000x16xf32> to vector<16xf32>
    %broadcast_in_dim3A = vector.shape_cast %reduce_sum3A_18 : vector<16xf32> to vector<1x16xf32>
    %mul3A = arith.mulf %add3A_10, %add3A_10 : vector<2000x16xf32>
    %reduce_sum3A_19 = arith.constant dense<0.000000e+00> : vector<16xf32>
    %reduce_sum3A_20 = vector.multi_reduction <add>, %mul3A, %reduce_sum3A_19 [0] : vector<2000x16xf32> to vector<16xf32>
    %broadcast_in_dim3A_21 = vector.shape_cast %reduce_sum3A_20 : vector<16xf32> to vector<1x16xf32>
    %concatenate3A = tpu.concatenate %broadcast_in_dim3A, %broadcast_in_dim3A_21 in 0 : vector<1x16xf32>, vector<1x16xf32> -> vector<2x16xf32>
    %add3A_22 = arith.addf %get3A_17, %concatenate3A : vector<2x16xf32>
    %swap3A_23 = arith.constant 0 : index
    %swap3A_24 = arith.constant 0 : index
    %swap3A_25 = vector.load %arg4[%swap3A_23, %swap3A_24] : memref<2x16xf32, #tpu.memory_space<vmem>>, vector<2x16xf32>
    tpu.vector_store %arg4[%swap3A_23, %swap3A_24], %add3A_22 {strides = array<i32>} : memref<2x16xf32, #tpu.memory_space<vmem>>, vector<2x16xf32>,
    return
  }
  func.func @transform_0(%arg0: i32) -> (i32, i32) {
    %c0_i32 = arith.constant 0 : i32
    %c0_i32_0 = arith.constant 0 : i32
    return %arg0, %c0_i32 : i32, i32
  }
  func.func @transform_1(%arg0: i32) -> (i32, i32) {
    %c0_i32 = arith.constant 0 : i32
    %c0_i32_0 = arith.constant 0 : i32
    %c0_i32_1 = arith.constant 0 : i32
    return %c0_i32, %c0_i32_0 : i32, i32
  }
  func.func @transform_2(%arg0: i32) -> (i32, i32) {
    %c0_i32 = arith.constant 0 : i32
    %c0_i32_0 = arith.constant 0 : i32
    return %arg0, %c0_i32 : i32, i32
  }
  func.func @transform_3(%arg0: i32) -> (i32, i32) {
    %c0_i32 = arith.constant 0 : i32
    %c0_i32_0 = arith.constant 0 : i32
    %c0_i32_1 = arith.constant 0 : i32
    return %c0_i32, %c0_i32_0 : i32, i32
  }
}

module attributes {stable_mosaic.version = 14 : i64} {
  func.func @_t6_body(%arg0: i32, %arg1: memref<2000x16xf32, #tpu.memory_space<vmem>>, %arg2: memref<2x16xf32, #tpu.memory_space<vmem>>, %arg3: memref<1x16xf32, #tpu.memory_space<vmem>>, %arg4: memref<1x16xf32, #tpu.memory_space<vmem>>, %arg5: memref<16x50xf32, #tpu.memory_space<vmem>>, %arg6: memref<1x50xf32, #tpu.memory_space<vmem>>, %arg7: memref<2000x50xf32, #tpu.memory_space<vmem>>) attributes {dimension_semantics = [#tpu.dimension_semantics<arbitrary>], iteration_bounds = array<i64: 25>, scalar_prefetch = 0 : i64, scratch_operands = 0 : i64, tpu.core_type = #tpu.core_type<tc>, window_params = [{transform_indices = @transform_0, window_bounds = array<i64: 2000, 16>}, {pipeline_mode = #tpu.pipeline_mode<synchronous>, transform_indices = @transform_1, window_bounds = array<i64: 2, 16>}, {pipeline_mode = #tpu.pipeline_mode<synchronous>, transform_indices = @transform_2, window_bounds = array<i64: 1, 16>}, {pipeline_mode = #tpu.pipeline_mode<synchronous>, transform_indices = @transform_3, window_bounds = array<i64: 1, 16>}, {pipeline_mode = #tpu.pipeline_mode<synchronous>, transform_indices = @transform_4, window_bounds = array<i64: 16, 50>}, {pipeline_mode = #tpu.pipeline_mode<synchronous>, transform_indices = @transform_5, window_bounds = array<i64: 1, 50>}, {transform_indices = @transform_6, window_bounds = array<i64: 2000, 50>}]} {
    %get3A = arith.constant 0 : index
    %get3A_0 = arith.constant 0 : index
    %get3A_1 = vector.load %arg1[%get3A, %get3A_0] : memref<2000x16xf32, #tpu.memory_space<vmem>>, vector<2000x16xf32>
    %get3A_2 = arith.constant 0 : index
    %get3A_3 = arith.constant 0 : index
    %get3A_4 = vector.load %arg2[%get3A_2, %get3A_3] : memref<2x16xf32, #tpu.memory_space<vmem>>, vector<2x16xf32>
    %get3A_5 = arith.constant 0 : index
    %get3A_6 = arith.constant 0 : index
    %get3A_7 = vector.load %arg3[%get3A_5, %get3A_6] : memref<1x16xf32, #tpu.memory_space<vmem>>, vector<1x16xf32>
    %get3A_8 = arith.constant 0 : index
    %get3A_9 = arith.constant 0 : index
    %get3A_10 = vector.load %arg4[%get3A_8, %get3A_9] : memref<1x16xf32, #tpu.memory_space<vmem>>, vector<1x16xf32>
    %slice3A = vector.extract_strided_slice %get3A_4 {offsets = [0, 0], sizes = [1, 16], strides = [1, 1]} : vector<2x16xf32> to vector<1x16xf32>
    %mul3A = arith.constant 2.000000e-05 : f32
    %mul3A_11 = vector.broadcast %mul3A : f32 to vector<1x16xf32>
    %mul3A_12 = arith.mulf %slice3A, %mul3A_11 : vector<1x16xf32>
    %slice3A_13 = vector.extract_strided_slice %get3A_4 {offsets = [1, 0], sizes = [1, 16], strides = [1, 1]} : vector<2x16xf32> to vector<1x16xf32>
    %mul3A_14 = arith.constant 2.000000e-05 : f32
    %mul3A_15 = vector.broadcast %mul3A_14 : f32 to vector<1x16xf32>
    %mul3A_16 = arith.mulf %slice3A_13, %mul3A_15 : vector<1x16xf32>
    %mul3A_17 = arith.mulf %mul3A_12, %mul3A_12 : vector<1x16xf32>
    %sub3A = arith.subf %mul3A_16, %mul3A_17 : vector<1x16xf32>
    %sub3A_18 = vector.broadcast %mul3A_12 : vector<1x16xf32> to vector<2000x16xf32>
    %sub3A_19 = arith.subf %get3A_1, %sub3A_18 : vector<2000x16xf32>
    %add3A = arith.constant 9.99999974E-6 : f32
    %add3A_20 = vector.broadcast %add3A : f32 to vector<1x16xf32>
    %add3A_21 = arith.addf %sub3A, %add3A_20 : vector<1x16xf32>
    %rsqrt3A = math.rsqrt %add3A_21 : vector<1x16xf32>
    %mul3A_22 = vector.broadcast %rsqrt3A : vector<1x16xf32> to vector<2000x16xf32>
    %mul3A_23 = arith.mulf %sub3A_19, %mul3A_22 : vector<2000x16xf32>
    %mul3A_24 = vector.broadcast %get3A_7 : vector<1x16xf32> to vector<2000x16xf32>
    %mul3A_25 = arith.mulf %mul3A_23, %mul3A_24 : vector<2000x16xf32>
    %add3A_26 = vector.broadcast %get3A_10 : vector<1x16xf32> to vector<2000x16xf32>
    %add3A_27 = arith.addf %mul3A_25, %add3A_26 : vector<2000x16xf32>
    %gt3A = arith.constant 0.000000e+00 : f32
    %gt3A_28 = vector.broadcast %gt3A : f32 to vector<2000x16xf32>
    %gt3A_29 = arith.cmpf ogt, %add3A_27, %gt3A_28 : vector<2000x16xf32>
    %min3A = arith.constant 0.000000e+00 : f32
    %min3A_30 = vector.broadcast %min3A : f32 to vector<2000x16xf32>
    %min3A_31 = arith.minimumf %add3A_27, %min3A_30 : vector<2000x16xf32>
    %exp3A = math.exp %min3A_31 : vector<2000x16xf32>
    %sub3A_32 = arith.constant 1.000000e+00 : f32
    %sub3A_33 = vector.broadcast %sub3A_32 : f32 to vector<2000x16xf32>
    %sub3A_34 = arith.subf %exp3A, %sub3A_33 : vector<2000x16xf32>
    %select_n3A = arith.select %gt3A_29, %add3A_27, %sub3A_34 : vector<2000x16xi1>, vector<2000x16xf32>
    %get3A_35 = arith.constant 0 : index
    %get3A_36 = arith.constant 0 : index
    %get3A_37 = vector.load %arg5[%get3A_35, %get3A_36] : memref<16x50xf32, #tpu.memory_space<vmem>>, vector<16x50xf32>
    %dot_general3A = arith.constant dense<0.000000e+00> : vector<2000x50xf32>
    %dot_general3A_38 = tpu.matmul %select_n3A, %get3A_37, %dot_general3A {dimension_numbers = #tpu.dot_dimension_numbers<[1], [0], [0], [1], [0, 0, 1, 1], [], []>, transpose_lhs_hint = false} : vector<2000x16xf32>, vector<16x50xf32>, vector<2000x50xf32> -> vector<2000x50xf32>
    %get3A_39 = arith.constant 0 : index
    %get3A_40 = arith.constant 0 : index
    %get3A_41 = vector.load %arg6[%get3A_39, %get3A_40] : memref<1x50xf32, #tpu.memory_space<vmem>>, vector<1x50xf32>
    %add3A_42 = vector.broadcast %get3A_41 : vector<1x50xf32> to vector<2000x50xf32>
    %add3A_43 = arith.addf %dot_general3A_38, %add3A_42 : vector<2000x50xf32>
    %swap3A = arith.constant 0 : index
    %swap3A_44 = arith.constant 0 : index
    %swap3A_45 = vector.load %arg7[%swap3A, %swap3A_44] : memref<2000x50xf32, #tpu.memory_space<vmem>>, vector<2000x50xf32>
    tpu.vector_store %arg7[%swap3A, %swap3A_44], %add3A_43 {strides = array<i32>} : memref<2000x50xf32, #tpu.memory_space<vmem>>, vector<2000x50xf32>,
    return
  }
  func.func @transform_0(%arg0: i32) -> (i32, i32) {
    %c0_i32 = arith.constant 0 : i32
    %c0_i32_0 = arith.constant 0 : i32
    return %arg0, %c0_i32 : i32, i32
  }
  func.func @transform_1(%arg0: i32) -> (i32, i32) {
    %c0_i32 = arith.constant 0 : i32
    %c0_i32_0 = arith.constant 0 : i32
    %c0_i32_1 = arith.constant 0 : i32
    return %c0_i32, %c0_i32_0 : i32, i32
  }
  func.func @transform_2(%arg0: i32) -> (i32, i32) {
    %c0_i32 = arith.constant 0 : i32
    %c0_i32_0 = arith.constant 0 : i32
    %c0_i32_1 = arith.constant 0 : i32
    return %c0_i32, %c0_i32_0 : i32, i32
  }
  func.func @transform_3(%arg0: i32) -> (i32, i32) {
    %c0_i32 = arith.constant 0 : i32
    %c0_i32_0 = arith.constant 0 : i32
    %c0_i32_1 = arith.constant 0 : i32
    return %c0_i32, %c0_i32_0 : i32, i32
  }
  func.func @transform_4(%arg0: i32) -> (i32, i32) {
    %c0_i32 = arith.constant 0 : i32
    %c0_i32_0 = arith.constant 0 : i32
    %c0_i32_1 = arith.constant 0 : i32
    return %c0_i32, %c0_i32_0 : i32, i32
  }
  func.func @transform_5(%arg0: i32) -> (i32, i32) {
    %c0_i32 = arith.constant 0 : i32
    %c0_i32_0 = arith.constant 0 : i32
    %c0_i32_1 = arith.constant 0 : i32
    return %c0_i32, %c0_i32_0 : i32, i32
  }
  func.func @transform_6(%arg0: i32) -> (i32, i32) {
    %c0_i32 = arith.constant 0 : i32
    %c0_i32_0 = arith.constant 0 : i32
    return %arg0, %c0_i32 : i32, i32
  }
}

</mosaic_0001>

<sc_bundles>
// kernel: kernel.10.cloned.1.call-start
scs
__scs_entry_jumppad:
0x0: {  	(pc) =	sbr.rel $0x88, $3  }
0x1: {  	(tag) =	ssettag $0x0;
	lr =	simm.s32 $0x1  }
0x2: {  	[smem:$0x3F8A] =	sst lr;
	_ =	strace $0xD0000000  }
0x3: {  	_ = 	snop  }
0x4: {  	_ = 	snop  }
0x5: {  	_ = 	snop  }
0x6: {  	_ = 	snop  }
0x7: {  	_ = 	snop  }
__scs_overlays_trampoline_lowered:
0x8: {  	[smem:$0x3F99] =	sst s0  }
0x9: {  	[smem:$0x3F9A] =	sst s1  }
0xa: {  	[smem:$0x3F9B] =	sst s2  }
0xb: {  	[smem:$0x3F9C] =	sst s3  }
0xc: {  	[smem:$0x3F9D] =	sst s4  }
0xd: {  	[smem:$0x3F9E] =	sst s5  }
0xe: {  	[smem:$0x3F9F] =	sst s6  }
0xf: {  	[smem:$0x3FA0] =	sst s7  }
0x10: {  	[smem:$0x3FA1] =	sst s8  }
0x11: {  	[smem:$0x3FA2] =	sst s9;
	s0 =	simm.s32 @!p0 $0x0  }
0x12: {  	s1 =	sld [smem:$0x3F88];
	s0 =	simm.s32 @p0 $0x1  }
0x13: {  	[smem:$0x3FA3] =	sst s0;
	s0 =	simm.s32 @!p1 $0x0  }
0x14: {  	s2 =	sld [smem:$0x3F87];
	s0 =	simm.s32 @p1 $0x1  }
0x15: {  	[smem:$0x3FA4] =	sst s0;
	s0 =	simm.s32 @!p2 $0x0  }
0x16: {  	s3 =	sld [smem:$0x3FDB];
	s0 =	simm.s32 @p2 $0x1  }
0x17: {  	s4 =	simm.s32 $0x1BF5;
	[smem:$0x3FA6] =	sst s0  }
0x18: {  	s0 =	sld [smem:$0x3F89];
	_ =	swait.ge [sflag:s4], $0x0  }
0x19: {  	s7 =	sld [smem:$0x3F8A]  }
0x1a: {  	s8 =	sadd.s32 $0xFFFFE003, lr  }
0x1b: {  	s9 =	sadd.s32 $0xFFFFFEF7, lr;
	s5 =	simm.s32 $0xFFFFFFFF;
	p2 =	slt.u32 s8, $0xFFFFF086  }
0x1c: {  	p1 =	slt.u32 s9, $0xF7A;
	s5 =	simm.s32 @!p2 $0x0  }
0x1d: {  	s5 =	simm.s32 @p1 $0x1;
	p0 =	seq.s32 s7, s2  }
0x1e: {  	s7 =	smul.u32 @!p0 $0xF7A, s2;
	p2 =	seq.s32 @!p0 s5, $0x0  }
0x1f: {  	s9 =	smul.u32 $0xF7A, s1;
	s8 =	simm.s32 @!p0 $0x1BF5;
	p2 =	por !p2, p0  }
0x20: {  	[sflag:s8] =	ssyncset.s32 @!p0 $0xFFFFF086;
	s6 =	sadd.s32 @!p0 s3, s7;
	s7 =	simm.s32 @!p0 $0x108  }
0x21: {  	s3 =	sadd.s32 s3, s9;
	s6 =	sadd.s32 @!p0 $0x88, s6;
	s7 =	simm.s32 @p2 $0x1082  }
0x22: {  	[simem:s7], [sflag:s8] =	dma.local @!p0 [hbm:s6], $0xF7A  }
0x23: {  	s9 =	sor.u32 $0xD0000000, s2;
	s6 =	simm.s32 $0x108;
	_ =	swait.ge @!p0 [sflag:s8], $0x0  }
0x24: {  	s3 =	sadd.s32 $0x88, s3;
	s6 =	simm.s32 @!p1 $0x1082;
	[sflag:s4] =	ssyncset.s32 $0xFFFFF086  }
0x25: {  	[simem:s6], [sflag:s4] =	dma.local [hbm:s3], $0xF7A  }
0x26: {  	[smem:$0x3F8A] =	sst s1;
	(tag) =	ssettag s2;
	_ =	strace s9  }
0x27: {  	s1 =	sld [smem:$0x3F9A]  }
0x28: {  	s2 =	sld [smem:$0x3F9B]  }
0x29: {  	s4 =	sld [smem:$0x3F9D]  }
0x2a: {  	p0 =	seq.s32 s5, $0x0;
	s5 =	sld [smem:$0x3F9E]  }
0x2b: {  	s6 =	sld [smem:$0x3F9F]  }
0x2c: {  	s7 =	sld [smem:$0x3FA0]  }
0x2d: {  	s3 =	simm.s32 $0x108;
	s8 =	sld [smem:$0x3FA1]  }
0x2e: {  	s3 =	simm.s32 @!p0 $0x1082;
	s9 =	sld [smem:$0x3FA2]  }
0x2f: {  	lr =	sadd.s32 s0, s3;
	s0 =	sld [smem:$0x3F99]  }
0x30: {  	s3 =	sld [smem:$0x3F9C]  }
0x31: {  	[smem:$0x3FA5] =	sst s10  }
0x32: {  	s10 =	sld [smem:$0x3FA3];
	_ =	sdelay $0x3  }
0x33: {  	p0 =	seq.s32 s10, $0x1;
	s10 =	sld [smem:$0x3FA5];
	_ =	sdelay $0x3  }
0x34: {  	[smem:$0x3FA5] =	sst s10  }
0x35: {  	s10 =	sld [smem:$0x3FA4];
	_ =	sdelay $0x3  }
0x36: {  	p1 =	seq.s32 s10, $0x1;
	s10 =	sld [smem:$0x3FA5];
	_ =	sdelay $0x3  }
0x37: {  	[smem:$0x3FA5] =	sst s10  }
0x38: {  	s10 =	sld [smem:$0x3FA6]  }
0x39: {  	_ = 	snop;
	(pc) =	sbr.ind lr, $3  }
0x3a: {  	_ = 	snop  }
0x3b: {  	_ = 	snop  }
0x3c: {  	p2 =	seq.s32 s10, $0x1;
	s10 =	sld [smem:$0x3FA5]  }
0x3d: {  	_ =	shalt  }
0x3e: {  	_ =	shalt  }
0x3f: {  	_ =	shalt  }
0x40: {  	_ =	shalt  }
0x41: {  	_ =	shalt  }
0x42: {  	_ =	shalt  }
0x43: {  	_ =	shalt  }
0x44: {  	_ =	shalt  }
0x45: {  	_ =	shalt  }
0x46: {  	_ =	shalt  }
0x47: {  	_ =	shalt  }
0x48: {  	_ =	shalt  }
0x49: {  	_ =	shalt  }
0x4a: {  	_ =	shalt  }
0x4b: {  	_ =	shalt  }
0x4c: {  	_ =	shalt  }
0x4d: {  	_ =	shalt  }
0x4e: {  	_ =	shalt  }
0x4f: {  	_ =	shalt  }
0x50: {  	_ =	shalt  }
0x51: {  	_ =	shalt  }
0x52: {  	_ =	shalt  }
0x53: {  	_ =	shalt  }
0x54: {  	_ =	shalt  }
0x55: {  	_ =	shalt  }
0x56: {  	_ =	shalt  }
0x57: {  	_ =	shalt  }
0x58: {  	_ =	shalt  }
0x59: {  	_ =	shalt  }
0x5a: {  	_ =	shalt  }
0x5b: {  	_ =	shalt  }
0x5c: {  	_ =	shalt  }
0x5d: {  	_ =	shalt  }
0x5e: {  	_ =	shalt  }
0x5f: {  	_ =	shalt  }
0x60: {  	_ =	shalt  }
0x61: {  	_ =	shalt  }
0x62: {  	_ =	shalt  }
0x63: {  	_ =	shalt  }
0x64: {  	_ =	shalt  }
0x65: {  	_ =	shalt  }
0x66: {  	_ =	shalt  }
0x67: {  	_ =	shalt  }
0x68: {  	_ =	shalt  }
0x69: {  	_ =	shalt  }
0x6a: {  	_ =	shalt  }
0x6b: {  	_ =	shalt  }
0x6c: {  	_ =	shalt  }
0x6d: {  	_ =	shalt  }
0x6e: {  	_ =	shalt  }
0x6f: {  	_ =	shalt  }
0x70: {  	_ =	shalt  }
0x71: {  	_ =	shalt  }
0x72: {  	_ =	shalt  }
0x73: {  	_ =	shalt  }
0x74: {  	_ =	shalt  }
0x75: {  	_ =	shalt  }
0x76: {  	_ =	shalt  }
0x77: {  	_ =	shalt  }
0x78: {  	_ =	shalt  }
0x79: {  	_ =	shalt  }
0x7a: {  	_ =	shalt  }
0x7b: {  	_ =	shalt  }
0x7c: {  	_ =	shalt  }
0x7d: {  	_ =	shalt  }
0x7e: {  	_ =	shalt  }
0x7f: {  	_ =	shalt  }
0x80: {  	_ =	shalt  }
0x81: {  	_ =	shalt  }
0x82: {  	_ =	shalt  }
0x83: {  	_ =	shalt  }
0x84: {  	_ =	shalt  }
0x85: {  	_ =	shalt  }
0x86: {  	_ =	shalt  }
0x87: {  	_ =	shalt  }
.Lfunc_end0:
.L_simem_size_0:
called_computation_lowered:
.L_overlay_start_0:
0x88: {  	s2 =	sld [smem:$0x3FD9]  }
0x89: {  	s3 =	sld [smem:$0x3FFE];
	_ =	sdelay $0x1  }
0x8a: {  	s1 =	srdreg.scid  }
0x8b: {  	s0 =	sand.u32 $0x1, s1  }
0x8c: {  	s17 =	sshll.u32 s0, $0xA;
	s2 =	sadd.s32 s3, s2  }
0x8d: {  	s2 =	sadd.s32 s2, s17  }
0x8e: {  	[smem:$0x3FB1] =	sst s2  }
0x8f: {  	_ = 	snop  }
0x90: {  	s2 =	sld [smem:$0x3FD0];
	(tm) =	ssettm $0x1  }
0x91: {  	s18 =	sld [smem:$0x3FFB];
	_ =	sdelay $0x3  }
0x92: {  	_ =	strace s18  }
0x93: {  	s3 =	sld [smem:$0x3FFC];
	_ =	sdelay $0x3  }
0x94: {  	_ =	strace s3  }
0x95: {  	s3 =	sld [smem:$0x3FFD];
	_ =	sdelay $0x3  }
0x96: {  	_ =	strace s3  }
0x97: {  	_ =	strace $0x8FFFFFFF  }
0x98: {  	s19 =	sld [smem:$0x3FDB];
	_ =	sdelay $0x1  }
0x99: {  	s4 =	simm.s32 $_scs_section_size  }
0x9a: {  	s5 =	simm.s32 $_size__tile_overlayer_lowered;
	s6 =	simm.s32 $_tile_overlayer_lowered  }
0x9b: {  	s22 =	simm.s32 $0x1BFF;
	s21 =	sshll.u32 s6, $0x1;
	s3 =	sadd.s32 s4, s19  }
0x9c: {  	s7 =	simm.s32 $0x0;
	s20 =	sshll.u32 s5, $0x1;
	s5 =	sadd.s32 s21, s3  }
0x9d: {  	[timem:s7], [sflag:s22] =	dma.local [hbm:s5], s20  }
0x9e: {  	_ =	swait.ge [sflag:s22], s20  }
0x9f: {  	s4 =	ssub.s32 $0x0, s20;
	[sflag:s22] =	ssyncset.done $0x0  }
0xa0: {  	[sflag:s22] =	ssyncadd.s32 s4;
	_ =	sdelay $0x1  }
0xa1: {  	s23 =	simm.s32 $0x1B8B  }
0xa2: {  	_ =	swait.ge [sflag:s23], $0x1  }
0xa3: {  	[sflag:s23] =	ssyncset.done $0x0  }
0xa4: {  	s25 =	simm.s32 $0x1B8E;
	s24 =	sld [smem:$0x3FFE];
	[sflag:s23] =	ssyncadd.s32 $0xFFFFFFFF  }
0xa5: {  	s26 =	simm.s32 $execute0_lowered;
	[smem:$0x3FD2] =	sst s25  }
0xa6: {  	s5 =	sshll.u32 s26, $0x1;
	_ =	strace $0x80000046;
	[dreg:$0x1] =	wrdreg $0xFFFFFFFF  }
0xa7: {  	s28 =	simm.s32 $_size_execute0_lowered;
	s3 =	sadd.s32 s3, s5;
	[dreg:$0x0] =	wrdreg $0x0  }
0xa8: {  	s5 =	sshll.u32 s28, $0x1;
	[dreg:$0x2] =	wrdreg s3  }
0xa9: {  	[dreg:$0x3] =	wrdreg s5  }
0xaa: {  	[dreg:$0x4] =	wrdreg $0xC0  }
0xab: {  	_ =	task [dreg:s7], $0x5FFFF  }
0xac: {  	[dreg:$0x1] =	wrdreg $0xFFFFFFFF  }
0xad: {  	[dreg:$0x0] =	wrdreg $0x60  }
0xae: {  	[dreg:$0x2] =	wrdreg s24  }
0xaf: {  	[dreg:$0x3] =	wrdreg s2  }
0xb0: {  	[dreg:$0x4] =	wrdreg $0x42300  }
0xb1: {  	[dreg:$0x5] =	wrdreg $0x9  }
0xb2: {  	_ =	task.clear_ibuf [dreg:s7], $0x6FFFF;
	_ =	strace $0x90000046  }
0xb3: {  	s29 =	simm.s32 $0x9;
	_ =	strace $0x80000048  }
0xb4: {  	_ =	swait.ge [sflag:s29], $0x1  }
0xb5: {  	[sflag:s29] =	ssyncadd.s32 $0xFFFFFFFF  }
0xb6: {  	_ =	strace $0x90000048  }
0xb7: {  	_ =	sfence  }
0xb8: {  	s30 =	sld [smem:$0x0];
	_ =	sdelay $0x2  }
0xb9: {  	s31 =	sshll.u32 s1, $0xD;
	s1 =	sshrl.u32 s1, $0x2  }
0xba: {  	s3 =	sand.u32 $0x4000, s31;
	s1 =	sadd.s32 s1, s30  }
0xbb: {  	s0 =	sor.u32 s3, s0;
	s1 =	sshll.u32 s1, $0x11  }
0xbc: {  	s0 =	sor.u32 s1, s0  }
0xbd: {  	s0 =	sadd.s32 $0x8F2B, s0  }
0xbe: {  	[sflag:s0] =	ssyncadd.remote.s32 $0x1  }
0xbf: {  	_ =	sfence.sel $0xFFFF  }
0xc0: {  	[dreg:$0x0] =	wrdreg $0xFFFFFFFF;
	(pc) =	sbr.abs _section_cstart, $3  }
0xc1: {  	[dreg:$0x1] =	wrdreg $0xFFFFFFFF  }
0xc2: {  	_ =	task.clear_ibuf [dreg:s7], $0x2FFFF;
	_ =	strace $0x9FFFFFFF  }
0xc3: {  	(tm) =	ssettm $0x7FFFFFFF  }
tec
execute0_lowered:
.L_overlay_start_1:
0x0: {  	(tag) =	ssettag $0x1  }
0x1: {  	s9 =	rddreg [dreg:$0x0]  }
0x2: {  	s1 =	srdreg.scid;
	s2 =	rddreg [dreg:$0x1]  }
0x3: {  	s0 =	stileid.u32;
	s3 =	rddreg [dreg:$0x2]  }
0x4: {  	s4 =	simm.s32 $0x0;
	s16 =	simm.s32 $0x40;
	s17 =	simm.s32 $0x90  }
0x5: {  	s18 =	simm.s32 $0x50;
	s19 =	simm.s32 $0x130;
	s20 =	simm.s32 $0x17B0  }
0x6: {  	s21 =	simm.s32 $0x1;
	s22 =	simm.s32 $0x2;
	s23 =	simm.s32 $0xE0  }
0x7: {  	s10 =	sand.u32 $0x1, s1;
	s5 =	smul.u32 $0x620, s0;
	s1 =	rddreg [dreg:$0x3]  }
0x8: {  	s24 =	simm.s32 $0x0;
	[smem:$0x7FF] =	sst s4;
	s12 =	smul.u32 $0x6E400, s0  }
0x9: {  	s7 =	sadd.s32 $0x7E600, s9;
	s8 =	sadd.s32 $0x65E00, s9;
	s6 =	smul.u32 $0x6200, s10  }
0xa: {  	_ =	strace $0x80000047;
	s13 =	ssub.s32 $0x2, s10;
	s15 =	smul.u32 $0xFFFF9E58, s10  }
0xb: {  	s30 =	sshrl.u32 s13, $0x1;
	s31 =	sshrl.u32 s12, $0x2;
	s5 =	sadd.s32 s5, s6  }
0xc: {  	v1 =	vimm.f32 $0.0e+00;
	s6 =	sadd.s32 $0x4200, s9;
	s13 =	ssub.s32 s13, s30;
	s11 =	smul.u32 $0x9, s5  }
0xd: {  	vm0 =	vcmask $0x3F30;
	vm1 =	vcmask $0x2320;
	v0 =	vmov s15;
	s15 =	simm.s32 $0x3;
	s5 =	sadd.s32 $0xC7800, s9;
	s13 =	smax.u32 s13, $0x1  }
0xe: {  	vm2 =	vcmask $0x2720;
	vm3 =	vcmask $0x2B20;
	vm4 =	vmmov $0xff;
	s14 =	sadd.s32 s11, s9;
	s9 =	sadd.s32 s31, s3;
	s11 =	smul.u32 $0xC350, s0  }
0xf: {  	vm1 =	vmor vm1, vm0;
	vm2 =	vmor vm2, vm0;
	vm3 =	vmor vm3, vm0;
	s10 =	sadd.s32 $0x1A280, s9;
	s12 =	sadd.s32 $0x135600, s14;
	s14 =	simm.s32 $0x2BB0  }
.LBB2_1:
0x10: {  	s25 =	simm.s32 $0x0  }
0x11: {  	s26 =	simm.s32 $0x120;
	[tilespmem:s25+$0x2BD0] =	vst v1  }
.LBB2_2:
0x12: {  	p0 =	sne.s32 s26, $0x58E0;
	[tilespmem:s25+$0x2BC0] =	vst v1;
	s28 =	smov.u32 s26;
	s26 =	sadd.s32 $0x120, s26  }
.Ltmp0:
0x13: {  	[tilespmem:s25+$0x2BE0] =	vst v1;
	(pc) =	sbr.rel @p0 .LBB2_2-.Ltmp0, $4  }
0x14: {  	[tilespmem:s25+$0x2BE8] =	vst v1  }
0x15: {  	[tilespmem:s25+$0x2BB0] =	vst v1  }
0x16: {  	s25 =	sshra.s32 s28, $0x2  }
0x17: {  	[tilespmem:s25+$0x2BD0] =	vst v1  }
0x18: {  	[tilespmem:s25+$0x2BC0] =	vst v1  }
0x19: {  	[tilespmem:s25+$0x2BE0] =	vst v1  }
0x1a: {  	[tilespmem:s25+$0x2BB0] =	vst v1  }
0x1b: {  	s31 =	sadd.s32 $0x0, s9;
	[tilespmem:s25+$0x2BE8] =	vst v1  }
0x1c: {  	[spmem:s31] =	stream.linear.scatter [tilespmem:s14], [sflag:$0x3], $0x1680, $0x38;
	[tilespmem:$0x1FB30] =	vst v63  }
0x1d: {  	s25 =	simm.s32 $0x5A00;
	_ =	swait.ge [sflag:s15], $0x1680  }
.LBB2_4:
0x1e: {  	s26 =	sshra.s32 s25, $0x2;
	[sflag:s15] =	ssyncset.done $0x0;
	p0 =	sne.s32 s25, $0x65400  }
.Ltmp1:
0x1f: {  	s26 =	sadd.s32 s26, s9;
	[sflag:s15] =	ssyncadd.s32 $0xFFFFE980;
	(pc) =	sbr.rel @p0 .LBB2_4-.Ltmp1, $3  }
0x20: {  	[spmem:s26] =	stream.linear.scatter [tilespmem:s14], [sflag:$0x3], $0x1680, $0x38;
	[tilespmem:$0x1FB30] =	vst v63  }
0x21: {  	s25 =	sadd.s32 $0x5A00, s25;
	_ =	sdelay $0x1  }
0x22: {  	_ =	swait.ge [sflag:s15], $0x1680  }
0x23: {  	[sflag:s15] =	ssyncset.done $0x0  }
0x24: {  	[sflag:s15] =	ssyncadd.s32 $0xFFFFE980  }
0x25: {  	[spmem:s10] =	stream.linear.scatter [tilespmem:s14], [sflag:$0x3], $0x1680, $0x38;
	[tilespmem:$0x1FB30] =	vst v63  }
0x26: {  	_ =	swait.ge [sflag:s15], $0x1680  }
0x27: {  	[sflag:s15] =	ssyncset.done $0x0  }
0x28: {  	s25 =	simm.s32 $0x0;
	[sflag:s15] =	ssyncadd.s32 $0xFFFFE980  }
0x29: {  	[tilespmem:s25], [sflag:$0x3] =	stream.linear.gather [hbm4b:s2+s25], $0x40, $0x38;
	[tilespmem:$0x1FB30] =	vst v63  }
0x2a: {  	_ =	swait.ge [sflag:s15], $0x40  }
0x2b: {  	[sflag:s15] =	ssyncset.done $0x0  }
0x2c: {  	[sflag:s15] =	ssyncadd.s32 $0xFFFFFFC0  }
0x2d: {  	v2 =	vld [tilespmem:$0x0]  }
0x2e: {  	v3 =	vld [tilespmem:$0x10]  }
0x2f: {  	v4 =	vld [tilespmem:$0x20]  }
0x30: {  	v5 =	vld [tilespmem:$0x30];
	[bflag:$0x0] =	sbarrier.arrive $0xFFFF  }
.LBB2_6:
0x31: {  	s26 =	smul.u32 $0x50, s25;
	_ =	sdelay $0x1  }
0x32: {  	s26 =	sadd.s32 s11, s26  }
0x33: {  	s26 =	sshrl.u32 s26, $0x3  }
0x34: {  	s28 =	sadd.s32 s7, s26  }
0x35: {  	[tilespmem:s16], [sflag:$0x3] =	stream.linear.gather [hbm4b:s28+s4], $0x50, $0x38;
	[tilespmem:$0x1FB30] =	vst v63  }
0x36: {  	_ =	swait.ge [sflag:s15], $0x50  }
0x37: {  	[sflag:s15] =	ssyncset.done $0x0  }
0x38: {  	s26 =	sadd.s32 s8, s26;
	[sflag:s15] =	ssyncadd.s32 $0xFFFFFFB0  }
0x39: {  	[tilespmem:s17], [sflag:$0x3] =	stream.linear.gather [hbm4b:s26+s4], $0x50, $0x38;
	[tilespmem:$0x1FB30] =	vst v63  }
0x3a: {  	_ =	swait.ge [sflag:s15], $0x50  }
0x3b: {  	[sflag:s15] =	ssyncset.done $0x0  }
0x3c: {  	[sflag:s15] =	ssyncadd.s32 $0xFFFFFFB0  }
0x3d: {  	[tilespmem:s19], [sflag:$0x1] =	stream.indirect.gather [hbm4b:s5+s18], $0x48, s16, s18, $0xb8;
	[tilespmem:$0x1FB30] =	vst v63  }
0x3e: {  	_ = 	snop  }
0x3f: {  	[tilespmem:s20], [sflag:$0x2] =	stream.indirect.gather [hbm4b:s6+s18], $0x40, s17, s18, $0xb8;
	[tilespmem:$0x1FB30] =	vst v63  }
0x40: {  	v6 =	vld [tilespmem:$0x90]  }
0x41: {  	v7 =	vld [tilespmem:$0xA0]  }
0x42: {  	v8 =	vld [tilespmem:$0xB0]  }
0x43: {  	v9 =	vld [tilespmem:$0xC0]  }
0x44: {  	v10 =	vld [tilespmem:$0xD0]  }
0x45: {  	v6 =	vadd.s32 v0, v6  }
0x46: {  	v7 =	vadd.s32 v0, v7;
	vm5 =	vlt.u32 v6, $0x61A8  }
0x47: {  	v8 =	vadd.s32 v0, v8;
	v6 =	vnsel vm5, $0x61D0, v6;
	vm5 =	vlt.u32 v7, $0x61A8  }
0x48: {  	[tilespmem:$0xE0] =	vst v6;
	v6 =	vnsel vm5, $0x61D0, v7;
	vm5 =	vlt.u32 v8, $0x61A8;
	v7 =	vadd.s32 v0, v9  }
0x49: {  	v63 =	vadd.s32 v0, v10;
	[tilespmem:$0xF0] =	vst v6;
	v6 =	vnsel vm5, $0x61D0, v8;
	vm5 =	vlt.u32 v7, $0x61A8  }
0x4a: {  	[tilespmem:$0x100] =	vst v6;
	v6 =	vnsel vm5, $0x61D0, v7;
	vm5 =	vlt.u32 v63, $0x61A8  }
0x4b: {  	[tilespmem:$0x110] =	vst v6;
	v6 =	vnsel vm5, $0x61D0, v63  }
0x4c: {  	[tilespmem:$0x120] =	vst v6  }
0x4d: {  	_ =	swait.ge [sflag:s21], $0x1680  }
0x4e: {  	[sflag:s21] =	ssyncset.done $0x0  }
0x4f: {  	[sflag:s21] =	ssyncadd.s32 $0xFFFFE980  }
0x50: {  	_ =	swait.ge [sflag:s22], $0x1400  }
0x51: {  	s29 =	simm.s32 $0x2CD0;
	s30 =	simm.s32 $0x18B0;
	[sflag:s22] =	ssyncset.done $0x0  }
0x52: {  	s28 =	simm.s32 $0x250;
	s26 =	simm.s32 $0xFFFFFFF8;
	[sflag:s22] =	ssyncadd.s32 $0xFFFFEC00  }
.LBB2_7:
0x53: {  	v6 =	vld [tilespmem:s28+$0xFFFFFEE0]  }
0x54: {  	v7 =	vld [tilespmem:s30+$0xFFFFFF00];
	_ =	sdelay $0x4  }
0x55: {  	v7 =	vadd.f32 v7, v6;
	_ =	sdelay $0x1  }
0x56: {  	v8 =	vmul.f32 $2.000000030e-01, v7;
	_ =	sdelay $0x1  }
0x57: {  	v7 =	vmax.f32 v7, v8  }
0x58: {  	v7 =	vmul.f32 v7, v2;
	_ =	sdelay $0x1  }
0x59: {  	(xrf2) =	vadd.scan.msk.f32 $0xffff, v7;
	_ =	sdelay $0x9  }
0x5a: {  	v7, _, _ =	vpop (xrf2)  }
0x5b: {  	v7 =	vmul.f32 $1.442695020e+00, v7;
	_ =	sdelay $0x1  }
0x5c: {  	v7 =	vbroadcast v7, $0xF;
	_ =	sdelay $0x1  }
0x5d: {  	(erf) = vpow2.f32 v7;
	_ =	sdelay $0x8  }
0x5e: {  	v7 =	vpop (erf)  }
0x5f: {  	v6 =	vmul.f32 v7, v6;
	_ =	sdelay $0x1  }
0x60: {  	[tilespmem:s29+$0xFFFFFEE0] =	vst v6  }
0x61: {  	v6 =	vld [tilespmem:s28+$0xFFFFFEF0]  }
0x62: {  	v12 =	vld [tilespmem:s30+$0xFFFFFF10];
	_ =	sdelay $0x4  }
0x63: {  	v8 =	vadd.f32 v12, v6;
	_ =	sdelay $0x1  }
0x64: {  	v9 =	vmul.f32 $2.000000030e-01, v8;
	_ =	sdelay $0x1  }
0x65: {  	v8 =	vmax.f32 v8, v9  }
0x66: {  	v8 =	vmul.f32 v8, v3;
	_ =	sdelay $0x1  }
0x67: {  	(xrf2) =	vadd.scan.msk.f32 $0xffff, v8;
	_ =	sdelay $0x9  }
0x68: {  	v8, _, _ =	vpop (xrf2)  }
0x69: {  	v8 =	vmul.f32 $1.442695020e+00, v8;
	_ =	sdelay $0x1  }
0x6a: {  	v8 =	vbroadcast v8, $0xF;
	_ =	sdelay $0x1  }
0x6b: {  	(erf) = vpow2.f32 v8;
	_ =	sdelay $0x8  }
0x6c: {  	v8 =	vpop (erf)  }
0x6d: {  	v6 =	vmul.f32 v8, v6;
	_ =	sdelay $0x1  }
0x6e: {  	[tilespmem:s29+$0xFFFFFEF0] =	vst v6  }
0x6f: {  	v6 =	vld [tilespmem:s28+$0xFFFFFF00]  }
0x70: {  	v13 =	vld [tilespmem:s30+$0xFFFFFF20];
	_ =	sdelay $0x4  }
0x71: {  	v9 =	vadd.f32 v13, v6;
	_ =	sdelay $0x1  }
0x72: {  	v10 =	vmul.f32 $2.000000030e-01, v9;
	_ =	sdelay $0x1  }
0x73: {  	v9 =	vmax.f32 v9, v10  }
0x74: {  	v9 =	vmul.f32 v9, v4;
	_ =	sdelay $0x1  }
0x75: {  	(xrf2) =	vadd.scan.msk.f32 $0xffff, v9;
	_ =	sdelay $0x9  }
0x76: {  	v9, _, _ =	vpop (xrf2)  }
0x77: {  	v9 =	vmul.f32 $1.442695020e+00, v9;
	_ =	sdelay $0x1  }
0x78: {  	v9 =	vbroadcast v9, $0xF;
	_ =	sdelay $0x1  }
0x79: {  	(erf) = vpow2.f32 v9;
	_ =	sdelay $0x8  }
0x7a: {  	v9 =	vpop (erf)  }
0x7b: {  	v6 =	vmul.f32 v9, v6;
	_ =	sdelay $0x1  }
0x7c: {  	[tilespmem:s29+$0xFFFFFF00] =	vst v6  }
0x7d: {  	v6 =	vld [tilespmem:s28+$0xFFFFFF10]  }
0x7e: {  	v14 =	vld [tilespmem:s30+$0xFFFFFF30];
	_ =	sdelay $0x4  }
0x7f: {  	v10 =	vadd.f32 v14, v6;
	_ =	sdelay $0x1  }
0x80: {  	v11 =	vmul.f32 $2.000000030e-01, v10;
	_ =	sdelay $0x1  }
0x81: {  	v10 =	vmax.f32 v10, v11  }
0x82: {  	v10 =	vmul.f32 v10, v5;
	_ =	sdelay $0x1  }
0x83: {  	(xrf2) =	vadd.scan.msk.f32 $0xffff, v10;
	_ =	sdelay $0x9  }
0x84: {  	v10, _, _ =	vpop (xrf2)  }
0x85: {  	v10 =	vmul.f32 $1.442695020e+00, v10;
	_ =	sdelay $0x1  }
0x86: {  	v10 =	vbroadcast v10, $0xF;
	_ =	sdelay $0x1  }
0x87: {  	(erf) = vpow2.f32 v10;
	_ =	sdelay $0x8  }
0x88: {  	v10 =	vpop (erf)  }
0x89: {  	v6 =	vmul.f32 v10, v6;
	_ =	sdelay $0x1  }
0x8a: {  	[tilespmem:s29+$0xFFFFFF10] =	vst v6  }
0x8b: {  	v6 =	vld [tilespmem:s28+$0xFFFFFF18];
	_ =	sdelay $0x2  }
0x8c: {  	v7 =	vsel vm0, $0x0, v7  }
0x8d: {  	v7 =	vsel vm1, v7, v8  }
0x8e: {  	v7 =	vsel vm2, v7, v9;
	v6 =	vmul.f32 v10, v6  }
0x8f: {  	v7 =	vsel vm3, v7, v10  }
0x90: {  	v6 =	vsel vm4, v6, v7  }
0x91: {  	[tilespmem:s29+$0xFFFFFF18] =	vst v6  }
0x92: {  	v6 =	vld [tilespmem:s28+$0xFFFFFF28]  }
0x93: {  	v7 =	vld [tilespmem:s30+$0xFFFFFF40];
	_ =	sdelay $0x4  }
0x94: {  	v7 =	vadd.f32 v7, v6;
	_ =	sdelay $0x1  }
0x95: {  	v15 =	vmul.f32 $2.000000030e-01, v7;
	_ =	sdelay $0x1  }
0x96: {  	v7 =	vmax.f32 v7, v15  }
0x97: {  	v7 =	vmul.f32 v7, v2;
	_ =	sdelay $0x1  }
0x98: {  	(xrf2) =	vadd.scan.msk.f32 $0xffff, v7;
	_ =	sdelay $0x9  }
0x99: {  	v7, _, _ =	vpop (xrf2)  }
0x9a: {  	v7 =	vmul.f32 $1.442695020e+00, v7;
	_ =	sdelay $0x1  }
0x9b: {  	v7 =	vbroadcast v7, $0xF;
	_ =	sdelay $0x1  }
0x9c: {  	(erf) = vpow2.f32 v7;
	_ =	sdelay $0x8  }
0x9d: {  	v7 =	vpop (erf)  }
0x9e: {  	v6 =	vmul.f32 v7, v6;
	_ =	sdelay $0x1  }
0x9f: {  	[tilespmem:s29+$0xFFFFFF28] =	vst v6  }
0xa0: {  	v6 =	vld [tilespmem:s28+$0xFFFFFF38]  }
0xa1: {  	v16 =	vld [tilespmem:s30+$0xFFFFFF50];
	_ =	sdelay $0x4  }
0xa2: {  	v8 =	vadd.f32 v16, v6;
	_ =	sdelay $0x1  }
0xa3: {  	v17 =	vmul.f32 $2.000000030e-01, v8;
	_ =	sdelay $0x1  }
0xa4: {  	v8 =	vmax.f32 v8, v17  }
0xa5: {  	v8 =	vmul.f32 v8, v3;
	_ =	sdelay $0x1  }
0xa6: {  	(xrf2) =	vadd.scan.msk.f32 $0xffff, v8;
	_ =	sdelay $0x9  }
0xa7: {  	v8, _, _ =	vpop (xrf2)  }
0xa8: {  	v8 =	vmul.f32 $1.442695020e+00, v8;
	_ =	sdelay $0x1  }
0xa9: {  	v8 =	vbroadcast v8, $0xF;
	_ =	sdelay $0x1  }
0xaa: {  	(erf) = vpow2.f32 v8;
	_ =	sdelay $0x8  }
0xab: {  	v8 =	vpop (erf)  }
0xac: {  	v6 =	vmul.f32 v8, v6;
	_ =	sdelay $0x1  }
0xad: {  	[tilespmem:s29+$0xFFFFFF38] =	vst v6  }
0xae: {  	v6 =	vld [tilespmem:s28+$0xFFFFFF48]  }
0xaf: {  	v18 =	vld [tilespmem:s30+$0xFFFFFF60];
	_ =	sdelay $0x4  }
0xb0: {  	v9 =	vadd.f32 v18, v6;
	_ =	sdelay $0x1  }
0xb1: {  	v19 =	vmul.f32 $2.000000030e-01, v9;
	_ =	sdelay $0x1  }
0xb2: {  	v9 =	vmax.f32 v9, v19  }
0xb3: {  	v9 =	vmul.f32 v9, v4;
	_ =	sdelay $0x1  }
0xb4: {  	(xrf2) =	vadd.scan.msk.f32 $0xffff, v9;
	_ =	sdelay $0x9  }
0xb5: {  	v9, _, _ =	vpop (xrf2)  }
0xb6: {  	v9 =	vmul.f32 $1.442695020e+00, v9;
	_ =	sdelay $0x1  }
0xb7: {  	v9 =	vbroadcast v9, $0xF;
	_ =	sdelay $0x1  }
0xb8: {  	(erf) = vpow2.f32 v9;
	_ =	sdelay $0x8  }
0xb9: {  	v9 =	vpop (erf)  }
0xba: {  	v6 =	vmul.f32 v9, v6;
	_ =	sdelay $0x1  }
0xbb: {  	[tilespmem:s29+$0xFFFFFF48] =	vst v6  }
0xbc: {  	v6 =	vld [tilespmem:s28+$0xFFFFFF58]  }
0xbd: {  	v20 =	vld [tilespmem:s30+$0xFFFFFF70];
	_ =	sdelay $0x4  }
0xbe: {  	v10 =	vadd.f32 v20, v6;
	_ =	sdelay $0x1  }
0xbf: {  	v21 =	vmul.f32 $2.000000030e-01, v10;
	_ =	sdelay $0x1  }
0xc0: {  	v10 =	vmax.f32 v10, v21  }
0xc1: {  	v10 =	vmul.f32 v10, v5;
	_ =	sdelay $0x1  }
0xc2: {  	(xrf2) =	vadd.scan.msk.f32 $0xffff, v10;
	_ =	sdelay $0x9  }
0xc3: {  	v10, _, _ =	vpop (xrf2)  }
0xc4: {  	v10 =	vmul.f32 $1.442695020e+00, v10;
	_ =	sdelay $0x1  }
0xc5: {  	v10 =	vbroadcast v10, $0xF;
	_ =	sdelay $0x1  }
0xc6: {  	(erf) = vpow2.f32 v10;
	_ =	sdelay $0x8  }
0xc7: {  	v10 =	vpop (erf)  }
0xc8: {  	v6 =	vmul.f32 v10, v6;
	_ =	sdelay $0x1  }
0xc9: {  	[tilespmem:s29+$0xFFFFFF58] =	vst v6  }
0xca: {  	v6 =	vld [tilespmem:s28+$0xFFFFFF60];
	_ =	sdelay $0x2  }
0xcb: {  	v7 =	vsel vm0, $0x0, v7  }
0xcc: {  	v7 =	vsel vm1, v7, v8  }
0xcd: {  	v7 =	vsel vm2, v7, v9;
	v6 =	vmul.f32 v10, v6  }
0xce: {  	v7 =	vsel vm3, v7, v10  }
0xcf: {  	v6 =	vsel vm4, v6, v7  }
0xd0: {  	[tilespmem:s29+$0xFFFFFF60] =	vst v6  }
0xd1: {  	v6 =	vld [tilespmem:s28+$0xFFFFFF70]  }
0xd2: {  	v7 =	vld [tilespmem:s30+$0xFFFFFF80];
	_ =	sdelay $0x4  }
0xd3: {  	v7 =	vadd.f32 v7, v6;
	_ =	sdelay $0x1  }
0xd4: {  	v22 =	vmul.f32 $2.000000030e-01, v7;
	_ =	sdelay $0x1  }
0xd5: {  	v7 =	vmax.f32 v7, v22  }
0xd6: {  	v7 =	vmul.f32 v7, v2;
	_ =	sdelay $0x1  }
0xd7: {  	(xrf2) =	vadd.scan.msk.f32 $0xffff, v7;
	_ =	sdelay $0x9  }
0xd8: {  	v7, _, _ =	vpop (xrf2)  }
0xd9: {  	v7 =	vmul.f32 $1.442695020e+00, v7;
	_ =	sdelay $0x1  }
0xda: {  	v7 =	vbroadcast v7, $0xF;
	_ =	sdelay $0x1  }
0xdb: {  	(erf) = vpow2.f32 v7;
	_ =	sdelay $0x8  }
0xdc: {  	v7 =	vpop (erf)  }
0xdd: {  	v6 =	vmul.f32 v7, v6;
	_ =	sdelay $0x1  }
0xde: {  	[tilespmem:s29+$0xFFFFFF70] =	vst v6  }
0xdf: {  	v6 =	vld [tilespmem:s28+$0xFFFFFF80]  }
0xe0: {  	v23 =	vld [tilespmem:s30+$0xFFFFFF90];
	_ =	sdelay $0x4  }
0xe1: {  	v8 =	vadd.f32 v23, v6;
	_ =	sdelay $0x1  }
0xe2: {  	v24 =	vmul.f32 $2.000000030e-01, v8;
	_ =	sdelay $0x1  }
0xe3: {  	v8 =	vmax.f32 v8, v24  }
0xe4: {  	v8 =	vmul.f32 v8, v3;
	_ =	sdelay $0x1  }
0xe5: {  	(xrf2) =	vadd.scan.msk.f32 $0xffff, v8;
	_ =	sdelay $0x9  }
0xe6: {  	v8, _, _ =	vpop (xrf2)  }
0xe7: {  	v8 =	vmul.f32 $1.442695020e+00, v8;
	_ =	sdelay $0x1  }
0xe8: {  	v8 =	vbroadcast v8, $0xF;
	_ =	sdelay $0x1  }
0xe9: {  	(erf) = vpow2.f32 v8;
	_ =	sdelay $0x8  }
0xea: {  	v8 =	vpop (erf)  }
0xeb: {  	v6 =	vmul.f32 v8, v6;
	_ =	sdelay $0x1  }
0xec: {  	[tilespmem:s29+$0xFFFFFF80] =	vst v6  }
0xed: {  	v6 =	vld [tilespmem:s28+$0xFFFFFF90]  }
0xee: {  	v25 =	vld [tilespmem:s30+$0xFFFFFFA0];
	_ =	sdelay $0x4  }
0xef: {  	v9 =	vadd.f32 v25, v6;
	_ =	sdelay $0x1  }
0xf0: {  	v26 =	vmul.f32 $2.000000030e-01, v9;
	_ =	sdelay $0x1  }
0xf1: {  	v9 =	vmax.f32 v9, v26  }
0xf2: {  	v9 =	vmul.f32 v9, v4;
	_ =	sdelay $0x1  }
0xf3: {  	(xrf2) =	vadd.scan.msk.f32 $0xffff, v9;
	_ =	sdelay $0x9  }
0xf4: {  	v9, _, _ =	vpop (xrf2)  }
0xf5: {  	v9 =	vmul.f32 $1.442695020e+00, v9;
	_ =	sdelay $0x1  }
0xf6: {  	v9 =	vbroadcast v9, $0xF;
	_ =	sdelay $0x1  }
0xf7: {  	(erf) = vpow2.f32 v9;
	_ =	sdelay $0x8  }
0xf8: {  	v9 =	vpop (erf)  }
0xf9: {  	v6 =	vmul.f32 v9, v6;
	_ =	sdelay $0x1  }
0xfa: {  	[tilespmem:s29+$0xFFFFFF90] =	vst v6  }
0xfb: {  	v6 =	vld [tilespmem:s28+$0xFFFFFFA0]  }
0xfc: {  	v27 =	vld [tilespmem:s30+$0xFFFFFFB0];
	_ =	sdelay $0x4  }
0xfd: {  	v10 =	vadd.f32 v27, v6;
	_ =	sdelay $0x1  }
0xfe: {  	v28 =	vmul.f32 $2.000000030e-01, v10;
	_ =	sdelay $0x1  }
0xff: {  	v10 =	vmax.f32 v10, v28  }
0x100: {  	v10 =	vmul.f32 v10, v5;
	_ =	sdelay $0x1  }
0x101: {  	(xrf2) =	vadd.scan.msk.f32 $0xffff, v10;
	_ =	sdelay $0x9  }
0x102: {  	v10, _, _ =	vpop (xrf2)  }
0x103: {  	v10 =	vmul.f32 $1.442695020e+00, v10;
	_ =	sdelay $0x1  }
0x104: {  	v10 =	vbroadcast v10, $0xF;
	_ =	sdelay $0x1  }
0x105: {  	(erf) = vpow2.f32 v10;
	_ =	sdelay $0x8  }
0x106: {  	v10 =	vpop (erf)  }
0x107: {  	v6 =	vmul.f32 v10, v6;
	_ =	sdelay $0x1  }
0x108: {  	[tilespmem:s29+$0xFFFFFFA0] =	vst v6  }
0x109: {  	v6 =	vld [tilespmem:s28+$0xFFFFFFA8];
	_ =	sdelay $0x2  }
0x10a: {  	v7 =	vsel vm0, $0x0, v7  }
0x10b: {  	v7 =	vsel vm1, v7, v8  }
0x10c: {  	v7 =	vsel vm2, v7, v9;
	v6 =	vmul.f32 v10, v6  }
0x10d: {  	v7 =	vsel vm3, v7, v10  }
0x10e: {  	v6 =	vsel vm4, v6, v7  }
0x10f: {  	[tilespmem:s29+$0xFFFFFFA8] =	vst v6  }
0x110: {  	v6 =	vld [tilespmem:s28+$0xFFFFFFB8]  }
0x111: {  	v7 =	vld [tilespmem:s30+$0xFFFFFFC0];
	_ =	sdelay $0x4  }
0x112: {  	v7 =	vadd.f32 v7, v6;
	_ =	sdelay $0x1  }
0x113: {  	v29 =	vmul.f32 $2.000000030e-01, v7;
	_ =	sdelay $0x1  }
0x114: {  	v7 =	vmax.f32 v7, v29  }
0x115: {  	v7 =	vmul.f32 v7, v2;
	_ =	sdelay $0x1  }
0x116: {  	(xrf2) =	vadd.scan.msk.f32 $0xffff, v7;
	_ =	sdelay $0x9  }
0x117: {  	v7, _, _ =	vpop (xrf2)  }
0x118: {  	v7 =	vmul.f32 $1.442695020e+00, v7;
	_ =	sdelay $0x1  }
0x119: {  	v7 =	vbroadcast v7, $0xF;
	_ =	sdelay $0x1  }
0x11a: {  	(erf) = vpow2.f32 v7;
	_ =	sdelay $0x8  }
0x11b: {  	v7 =	vpop (erf)  }
0x11c: {  	v6 =	vmul.f32 v7, v6;
	_ =	sdelay $0x1  }
0x11d: {  	[tilespmem:s29+$0xFFFFFFB8] =	vst v6  }
0x11e: {  	v6 =	vld [tilespmem:s28+$0xFFFFFFC8]  }
0x11f: {  	v30 =	vld [tilespmem:s30+$0xFFFFFFD0];
	_ =	sdelay $0x4  }
0x120: {  	v8 =	vadd.f32 v30, v6;
	_ =	sdelay $0x1  }
0x121: {  	v31 =	vmul.f32 $2.000000030e-01, v8;
	_ =	sdelay $0x1  }
0x122: {  	v8 =	vmax.f32 v8, v31  }
0x123: {  	v8 =	vmul.f32 v8, v3;
	_ =	sdelay $0x1  }
0x124: {  	(xrf2) =	vadd.scan.msk.f32 $0xffff, v8;
	_ =	sdelay $0x9  }
0x125: {  	v8, _, _ =	vpop (xrf2)  }
0x126: {  	v8 =	vmul.f32 $1.442695020e+00, v8;
	_ =	sdelay $0x1  }
0x127: {  	v8 =	vbroadcast v8, $0xF;
	_ =	sdelay $0x1  }
0x128: {  	(erf) = vpow2.f32 v8;
	_ =	sdelay $0x8  }
0x129: {  	v8 =	vpop (erf)  }
0x12a: {  	v6 =	vmul.f32 v8, v6;
	_ =	sdelay $0x1  }
0x12b: {  	[tilespmem:s29+$0xFFFFFFC8] =	vst v6  }
0x12c: {  	v6 =	vld [tilespmem:s28+$0xFFFFFFD8]  }
0x12d: {  	v32 =	vld [tilespmem:s30+$0xFFFFFFE0];
	_ =	sdelay $0x4  }
0x12e: {  	v9 =	vadd.f32 v32, v6;
	_ =	sdelay $0x1  }
0x12f: {  	v33 =	vmul.f32 $2.000000030e-01, v9;
	_ =	sdelay $0x1  }
0x130: {  	v9 =	vmax.f32 v9, v33  }
0x131: {  	v9 =	vmul.f32 v9, v4;
	_ =	sdelay $0x1  }
0x132: {  	(xrf2) =	vadd.scan.msk.f32 $0xffff, v9;
	_ =	sdelay $0x9  }
0x133: {  	v9, _, _ =	vpop (xrf2)  }
0x134: {  	v9 =	vmul.f32 $1.442695020e+00, v9;
	_ =	sdelay $0x1  }
0x135: {  	v9 =	vbroadcast v9, $0xF;
	_ =	sdelay $0x1  }
0x136: {  	(erf) = vpow2.f32 v9;
	_ =	sdelay $0x8  }
0x137: {  	v9 =	vpop (erf)  }
0x138: {  	v6 =	vmul.f32 v9, v6;
	_ =	sdelay $0x1  }
0x139: {  	[tilespmem:s29+$0xFFFFFFD8] =	vst v6  }
0x13a: {  	v6 =	vld [tilespmem:s28+$0xFFFFFFE8]  }
0x13b: {  	v34 =	vld [tilespmem:s30+$0xFFFFFFF0];
	_ =	sdelay $0x4  }
0x13c: {  	v10 =	vadd.f32 v34, v6;
	_ =	sdelay $0x1  }
0x13d: {  	v35 =	vmul.f32 $2.000000030e-01, v10;
	_ =	sdelay $0x1  }
0x13e: {  	v10 =	vmax.f32 v10, v35  }
0x13f: {  	v10 =	vmul.f32 v10, v5;
	_ =	sdelay $0x1  }
0x140: {  	(xrf2) =	vadd.scan.msk.f32 $0xffff, v10;
	_ =	sdelay $0x9  }
0x141: {  	v10, _, _ =	vpop (xrf2)  }
0x142: {  	v10 =	vmul.f32 $1.442695020e+00, v10;
	_ =	sdelay $0x1  }
0x143: {  	v10 =	vbroadcast v10, $0xF;
	_ =	sdelay $0x1  }
0x144: {  	(erf) = vpow2.f32 v10;
	_ =	sdelay $0x8  }
0x145: {  	v10 =	vpop (erf)  }
0x146: {  	v6 =	vmul.f32 v10, v6;
	_ =	sdelay $0x1  }
0x147: {  	[tilespmem:s29+$0xFFFFFFE8] =	vst v6  }
0x148: {  	v6 =	vld [tilespmem:s28+$0xFFFFFFF0];
	_ =	sdelay $0x2  }
0x149: {  	v7 =	vsel vm0, $0x0, v7  }
0x14a: {  	v7 =	vsel vm1, v7, v8  }
0x14b: {  	v7 =	vsel vm2, v7, v9;
	v6 =	vmul.f32 v10, v6  }
0x14c: {  	v7 =	vsel vm3, v7, v10  }
0x14d: {  	v6 =	vsel vm4, v6, v7  }
0x14e: {  	[tilespmem:s29+$0xFFFFFFF0] =	vst v6  }
0x14f: {  	v6 =	vld [tilespmem:s28+$0x0]  }
0x150: {  	v7 =	vld [tilespmem:s30+$0x0];
	_ =	sdelay $0x4  }
0x151: {  	v7 =	vadd.f32 v7, v6;
	_ =	sdelay $0x1  }
0x152: {  	v36 =	vmul.f32 $2.000000030e-01, v7;
	_ =	sdelay $0x1  }
0x153: {  	v7 =	vmax.f32 v7, v36  }
0x154: {  	v7 =	vmul.f32 v7, v2;
	_ =	sdelay $0x1  }
0x155: {  	(xrf2) =	vadd.scan.msk.f32 $0xffff, v7;
	_ =	sdelay $0x9  }
0x156: {  	v7, _, _ =	vpop (xrf2)  }
0x157: {  	v7 =	vmul.f32 $1.442695020e+00, v7;
	_ =	sdelay $0x1  }
0x158: {  	v7 =	vbroadcast v7, $0xF;
	_ =	sdelay $0x1  }
0x159: {  	(erf) = vpow2.f32 v7;
	_ =	sdelay $0x8  }
0x15a: {  	v7 =	vpop (erf)  }
0x15b: {  	v6 =	vmul.f32 v7, v6;
	_ =	sdelay $0x1  }
0x15c: {  	[tilespmem:s29+$0x0] =	vst v6  }
0x15d: {  	v6 =	vld [tilespmem:s28+$0x10]  }
0x15e: {  	v37 =	vld [tilespmem:s30+$0x10];
	_ =	sdelay $0x4  }
0x15f: {  	v8 =	vadd.f32 v37, v6;
	_ =	sdelay $0x1  }
0x160: {  	v38 =	vmul.f32 $2.000000030e-01, v8;
	_ =	sdelay $0x1  }
0x161: {  	v8 =	vmax.f32 v8, v38  }
0x162: {  	v8 =	vmul.f32 v8, v3;
	_ =	sdelay $0x1  }
0x163: {  	(xrf2) =	vadd.scan.msk.f32 $0xffff, v8;
	_ =	sdelay $0x9  }
0x164: {  	v8, _, _ =	vpop (xrf2)  }
0x165: {  	v8 =	vmul.f32 $1.442695020e+00, v8;
	_ =	sdelay $0x1  }
0x166: {  	v8 =	vbroadcast v8, $0xF;
	_ =	sdelay $0x1  }
0x167: {  	(erf) = vpow2.f32 v8;
	_ =	sdelay $0x8  }
0x168: {  	v8 =	vpop (erf)  }
0x169: {  	v6 =	vmul.f32 v8, v6;
	_ =	sdelay $0x1  }
0x16a: {  	[tilespmem:s29+$0x10] =	vst v6  }
0x16b: {  	v6 =	vld [tilespmem:s28+$0x20]  }
0x16c: {  	v39 =	vld [tilespmem:s30+$0x20];
	_ =	sdelay $0x4  }
0x16d: {  	v9 =	vadd.f32 v39, v6;
	_ =	sdelay $0x1  }
0x16e: {  	v40 =	vmul.f32 $2.000000030e-01, v9;
	_ =	sdelay $0x1  }
0x16f: {  	v9 =	vmax.f32 v9, v40  }
0x170: {  	v9 =	vmul.f32 v9, v4;
	_ =	sdelay $0x1  }
0x171: {  	(xrf2) =	vadd.scan.msk.f32 $0xffff, v9;
	_ =	sdelay $0x9  }
0x172: {  	v9, _, _ =	vpop (xrf2)  }
0x173: {  	v9 =	vmul.f32 $1.442695020e+00, v9;
	_ =	sdelay $0x1  }
0x174: {  	v9 =	vbroadcast v9, $0xF;
	_ =	sdelay $0x1  }
0x175: {  	(erf) = vpow2.f32 v9;
	_ =	sdelay $0x8  }
0x176: {  	v9 =	vpop (erf)  }
0x177: {  	v6 =	vmul.f32 v9, v6;
	_ =	sdelay $0x1  }
0x178: {  	[tilespmem:s29+$0x20] =	vst v6  }
0x179: {  	v6 =	vld [tilespmem:s28+$0x30]  }
0x17a: {  	v41 =	vld [tilespmem:s30+$0x30];
	_ =	sdelay $0x4  }
0x17b: {  	v10 =	vadd.f32 v41, v6;
	_ =	sdelay $0x1  }
0x17c: {  	v42 =	vmul.f32 $2.000000030e-01, v10;
	_ =	sdelay $0x1  }
0x17d: {  	v10 =	vmax.f32 v10, v42  }
0x17e: {  	v10 =	vmul.f32 v10, v5;
	_ =	sdelay $0x1  }
0x17f: {  	(xrf2) =	vadd.scan.msk.f32 $0xffff, v10;
	_ =	sdelay $0x9  }
0x180: {  	v10, _, _ =	vpop (xrf2)  }
0x181: {  	v10 =	vmul.f32 $1.442695020e+00, v10;
	_ =	sdelay $0x1  }
0x182: {  	v10 =	vbroadcast v10, $0xF;
	_ =	sdelay $0x1  }
0x183: {  	(erf) = vpow2.f32 v10;
	_ =	sdelay $0x8  }
0x184: {  	v10 =	vpop (erf)  }
0x185: {  	v6 =	vmul.f32 v10, v6;
	_ =	sdelay $0x1  }
0x186: {  	[tilespmem:s29+$0x30] =	vst v6  }
0x187: {  	v6 =	vld [tilespmem:s28+$0x38];
	_ =	sdelay $0x2  }
0x188: {  	v7 =	vsel vm0, $0x0, v7  }
0x189: {  	v7 =	vsel vm1, v7, v8  }
0x18a: {  	v7 =	vsel vm2, v7, v9;
	v6 =	vmul.f32 v10, v6  }
0x18b: {  	v7 =	vsel vm3, v7, v10  }
0x18c: {  	v6 =	vsel vm4, v6, v7  }
0x18d: {  	[tilespmem:s29+$0x38] =	vst v6  }
0x18e: {  	v6 =	vld [tilespmem:s28+$0x48]  }
0x18f: {  	v7 =	vld [tilespmem:s30+$0x40];
	_ =	sdelay $0x4  }
0x190: {  	v7 =	vadd.f32 v7, v6;
	_ =	sdelay $0x1  }
0x191: {  	v43 =	vmul.f32 $2.000000030e-01, v7;
	_ =	sdelay $0x1  }
0x192: {  	v7 =	vmax.f32 v7, v43  }
0x193: {  	v7 =	vmul.f32 v7, v2;
	_ =	sdelay $0x1  }
0x194: {  	(xrf2) =	vadd.scan.msk.f32 $0xffff, v7;
	_ =	sdelay $0x9  }
0x195: {  	v7, _, _ =	vpop (xrf2)  }
0x196: {  	v7 =	vmul.f32 $1.442695020e+00, v7;
	_ =	sdelay $0x1  }
0x197: {  	v7 =	vbroadcast v7, $0xF;
	_ =	sdelay $0x1  }
0x198: {  	(erf) = vpow2.f32 v7;
	_ =	sdelay $0x8  }
0x199: {  	v7 =	vpop (erf)  }
0x19a: {  	v6 =	vmul.f32 v7, v6;
	_ =	sdelay $0x1  }
0x19b: {  	[tilespmem:s29+$0x48] =	vst v6  }
0x19c: {  	v6 =	vld [tilespmem:s28+$0x58]  }
0x19d: {  	v44 =	vld [tilespmem:s30+$0x50];
	_ =	sdelay $0x4  }
0x19e: {  	v8 =	vadd.f32 v44, v6;
	_ =	sdelay $0x1  }
0x19f: {  	v45 =	vmul.f32 $2.000000030e-01, v8;
	_ =	sdelay $0x1  }
0x1a0: {  	v8 =	vmax.f32 v8, v45  }
0x1a1: {  	v8 =	vmul.f32 v8, v3;
	_ =	sdelay $0x1  }
0x1a2: {  	(xrf2) =	vadd.scan.msk.f32 $0xffff, v8;
	_ =	sdelay $0x9  }
0x1a3: {  	v8, _, _ =	vpop (xrf2)  }
0x1a4: {  	v8 =	vmul.f32 $1.442695020e+00, v8;
	_ =	sdelay $0x1  }
0x1a5: {  	v8 =	vbroadcast v8, $0xF;
	_ =	sdelay $0x1  }
0x1a6: {  	(erf) = vpow2.f32 v8;
	_ =	sdelay $0x8  }
0x1a7: {  	v8 =	vpop (erf)  }
0x1a8: {  	v6 =	vmul.f32 v8, v6;
	_ =	sdelay $0x1  }
0x1a9: {  	[tilespmem:s29+$0x58] =	vst v6  }
0x1aa: {  	v6 =	vld [tilespmem:s28+$0x68]  }
0x1ab: {  	v46 =	vld [tilespmem:s30+$0x60];
	_ =	sdelay $0x4  }
0x1ac: {  	v9 =	vadd.f32 v46, v6;
	_ =	sdelay $0x1  }
0x1ad: {  	v47 =	vmul.f32 $2.000000030e-01, v9;
	_ =	sdelay $0x1  }
0x1ae: {  	v9 =	vmax.f32 v9, v47  }
0x1af: {  	v9 =	vmul.f32 v9, v4;
	_ =	sdelay $0x1  }
0x1b0: {  	(xrf2) =	vadd.scan.msk.f32 $0xffff, v9;
	_ =	sdelay $0x9  }
0x1b1: {  	v9, _, _ =	vpop (xrf2)  }
0x1b2: {  	v9 =	vmul.f32 $1.442695020e+00, v9;
	_ =	sdelay $0x1  }
0x1b3: {  	v9 =	vbroadcast v9, $0xF;
	_ =	sdelay $0x1  }
0x1b4: {  	(erf) = vpow2.f32 v9;
	_ =	sdelay $0x8  }
0x1b5: {  	v9 =	vpop (erf)  }
0x1b6: {  	v6 =	vmul.f32 v9, v6;
	_ =	sdelay $0x1  }
0x1b7: {  	[tilespmem:s29+$0x68] =	vst v6  }
0x1b8: {  	v6 =	vld [tilespmem:s28+$0x78]  }
0x1b9: {  	v48 =	vld [tilespmem:s30+$0x70];
	_ =	sdelay $0x4  }
0x1ba: {  	v10 =	vadd.f32 v48, v6;
	_ =	sdelay $0x1  }
0x1bb: {  	v49 =	vmul.f32 $2.000000030e-01, v10;
	_ =	sdelay $0x1  }
0x1bc: {  	v10 =	vmax.f32 v10, v49  }
0x1bd: {  	v10 =	vmul.f32 v10, v5;
	_ =	sdelay $0x1  }
0x1be: {  	(xrf2) =	vadd.scan.msk.f32 $0xffff, v10;
	_ =	sdelay $0x9  }
0x1bf: {  	v10, _, _ =	vpop (xrf2)  }
0x1c0: {  	v10 =	vmul.f32 $1.442695020e+00, v10;
	_ =	sdelay $0x1  }
0x1c1: {  	v10 =	vbroadcast v10, $0xF;
	_ =	sdelay $0x1  }
0x1c2: {  	(erf) = vpow2.f32 v10;
	_ =	sdelay $0x8  }
0x1c3: {  	v10 =	vpop (erf)  }
0x1c4: {  	v6 =	vmul.f32 v10, v6;
	_ =	sdelay $0x1  }
0x1c5: {  	[tilespmem:s29+$0x78] =	vst v6  }
0x1c6: {  	v6 =	vld [tilespmem:s28+$0x80];
	_ =	sdelay $0x2  }
0x1c7: {  	v7 =	vsel vm0, $0x0, v7  }
0x1c8: {  	v7 =	vsel vm1, v7, v8  }
0x1c9: {  	v7 =	vsel vm2, v7, v9;
	v6 =	vmul.f32 v10, v6  }
0x1ca: {  	v7 =	vsel vm3, v7, v10  }
0x1cb: {  	v6 =	vsel vm4, v6, v7  }
0x1cc: {  	[tilespmem:s29+$0x80] =	vst v6  }
0x1cd: {  	v6 =	vld [tilespmem:s28+$0x90]  }
0x1ce: {  	v7 =	vld [tilespmem:s30+$0x80];
	_ =	sdelay $0x4  }
0x1cf: {  	v7 =	vadd.f32 v7, v6;
	_ =	sdelay $0x1  }
0x1d0: {  	v50 =	vmul.f32 $2.000000030e-01, v7;
	_ =	sdelay $0x1  }
0x1d1: {  	v7 =	vmax.f32 v7, v50  }
0x1d2: {  	v7 =	vmul.f32 v7, v2;
	_ =	sdelay $0x1  }
0x1d3: {  	(xrf2) =	vadd.scan.msk.f32 $0xffff, v7;
	_ =	sdelay $0x9  }
0x1d4: {  	v7, _, _ =	vpop (xrf2)  }
0x1d5: {  	v7 =	vmul.f32 $1.442695020e+00, v7;
	_ =	sdelay $0x1  }
0x1d6: {  	v7 =	vbroadcast v7, $0xF;
	_ =	sdelay $0x1  }
0x1d7: {  	(erf) = vpow2.f32 v7;
	_ =	sdelay $0x8  }
0x1d8: {  	v7 =	vpop (erf)  }
0x1d9: {  	v6 =	vmul.f32 v7, v6;
	_ =	sdelay $0x1  }
0x1da: {  	[tilespmem:s29+$0x90] =	vst v6  }
0x1db: {  	v6 =	vld [tilespmem:s28+$0xA0]  }
0x1dc: {  	v51 =	vld [tilespmem:s30+$0x90];
	_ =	sdelay $0x4  }
0x1dd: {  	v8 =	vadd.f32 v51, v6;
	_ =	sdelay $0x1  }
0x1de: {  	v52 =	vmul.f32 $2.000000030e-01, v8;
	_ =	sdelay $0x1  }
0x1df: {  	v8 =	vmax.f32 v8, v52  }
0x1e0: {  	v8 =	vmul.f32 v8, v3;
	_ =	sdelay $0x1  }
0x1e1: {  	(xrf2) =	vadd.scan.msk.f32 $0xffff, v8;
	_ =	sdelay $0x9  }
0x1e2: {  	v8, _, _ =	vpop (xrf2)  }
0x1e3: {  	v8 =	vmul.f32 $1.442695020e+00, v8;
	_ =	sdelay $0x1  }
0x1e4: {  	v8 =	vbroadcast v8, $0xF;
	_ =	sdelay $0x1  }
0x1e5: {  	(erf) = vpow2.f32 v8;
	_ =	sdelay $0x8  }
0x1e6: {  	v8 =	vpop (erf)  }
0x1e7: {  	v6 =	vmul.f32 v8, v6;
	_ =	sdelay $0x1  }
0x1e8: {  	[tilespmem:s29+$0xA0] =	vst v6  }
0x1e9: {  	v6 =	vld [tilespmem:s28+$0xB0]  }
0x1ea: {  	v53 =	vld [tilespmem:s30+$0xA0];
	_ =	sdelay $0x4  }
0x1eb: {  	v9 =	vadd.f32 v53, v6;
	_ =	sdelay $0x1  }
0x1ec: {  	v54 =	vmul.f32 $2.000000030e-01, v9;
	_ =	sdelay $0x1  }
0x1ed: {  	v9 =	vmax.f32 v9, v54  }
0x1ee: {  	v9 =	vmul.f32 v9, v4;
	_ =	sdelay $0x1  }
0x1ef: {  	(xrf2) =	vadd.scan.msk.f32 $0xffff, v9;
	_ =	sdelay $0x9  }
0x1f0: {  	v9, _, _ =	vpop (xrf2)  }
0x1f1: {  	v9 =	vmul.f32 $1.442695020e+00, v9;
	_ =	sdelay $0x1  }
0x1f2: {  	v9 =	vbroadcast v9, $0xF;
	_ =	sdelay $0x1  }
0x1f3: {  	(erf) = vpow2.f32 v9;
	_ =	sdelay $0x8  }
0x1f4: {  	v9 =	vpop (erf)  }
0x1f5: {  	v6 =	vmul.f32 v9, v6;
	_ =	sdelay $0x1  }
0x1f6: {  	[tilespmem:s29+$0xB0] =	vst v6  }
0x1f7: {  	v6 =	vld [tilespmem:s28+$0xC0]  }
0x1f8: {  	v55 =	vld [tilespmem:s30+$0xB0];
	_ =	sdelay $0x4  }
0x1f9: {  	v10 =	vadd.f32 v55, v6;
	_ =	sdelay $0x1  }
0x1fa: {  	v56 =	vmul.f32 $2.000000030e-01, v10;
	_ =	sdelay $0x1  }
0x1fb: {  	v10 =	vmax.f32 v10, v56  }
0x1fc: {  	v10 =	vmul.f32 v10, v5;
	_ =	sdelay $0x1  }
0x1fd: {  	(xrf2) =	vadd.scan.msk.f32 $0xffff, v10;
	_ =	sdelay $0x9  }
0x1fe: {  	v10, _, _ =	vpop (xrf2)  }
0x1ff: {  	v10 =	vmul.f32 $1.442695020e+00, v10;
	_ =	sdelay $0x1  }
0x200: {  	v10 =	vbroadcast v10, $0xF;
	_ =	sdelay $0x1  }
0x201: {  	(erf) = vpow2.f32 v10;
	_ =	sdelay $0x8  }
0x202: {  	v10 =	vpop (erf)  }
0x203: {  	v6 =	vmul.f32 v10, v6;
	_ =	sdelay $0x1  }
0x204: {  	[tilespmem:s29+$0xC0] =	vst v6  }
0x205: {  	v6 =	vld [tilespmem:s28+$0xC8];
	_ =	sdelay $0x2  }
0x206: {  	v7 =	vsel vm0, $0x0, v7  }
0x207: {  	v7 =	vsel vm1, v7, v8  }
0x208: {  	v7 =	vsel vm2, v7, v9;
	v6 =	vmul.f32 v10, v6  }
0x209: {  	v7 =	vsel vm3, v7, v10  }
0x20a: {  	v6 =	vsel vm4, v6, v7  }
0x20b: {  	[tilespmem:s29+$0xC8] =	vst v6  }
0x20c: {  	v6 =	vld [tilespmem:s28+$0xD8]  }
0x20d: {  	v7 =	vld [tilespmem:s30+$0xC0];
	_ =	sdelay $0x4  }
0x20e: {  	v7 =	vadd.f32 v7, v6;
	_ =	sdelay $0x1  }
0x20f: {  	v57 =	vmul.f32 $2.000000030e-01, v7;
	_ =	sdelay $0x1  }
0x210: {  	v7 =	vmax.f32 v7, v57  }
0x211: {  	v7 =	vmul.f32 v7, v2;
	_ =	sdelay $0x1  }
0x212: {  	(xrf2) =	vadd.scan.msk.f32 $0xffff, v7;
	_ =	sdelay $0x9  }
0x213: {  	v7, _, _ =	vpop (xrf2)  }
0x214: {  	v7 =	vmul.f32 $1.442695020e+00, v7;
	_ =	sdelay $0x1  }
0x215: {  	v7 =	vbroadcast v7, $0xF;
	_ =	sdelay $0x1  }
0x216: {  	(erf) = vpow2.f32 v7;
	_ =	sdelay $0x8  }
0x217: {  	v7 =	vpop (erf)  }
0x218: {  	v6 =	vmul.f32 v7, v6;
	_ =	sdelay $0x1  }
0x219: {  	[tilespmem:s29+$0xD8] =	vst v6  }
0x21a: {  	v6 =	vld [tilespmem:s28+$0xE8]  }
0x21b: {  	v58 =	vld [tilespmem:s30+$0xD0];
	_ =	sdelay $0x4  }
0x21c: {  	v8 =	vadd.f32 v58, v6;
	_ =	sdelay $0x1  }
0x21d: {  	v59 =	vmul.f32 $2.000000030e-01, v8;
	_ =	sdelay $0x1  }
0x21e: {  	v8 =	vmax.f32 v8, v59  }
0x21f: {  	v8 =	vmul.f32 v8, v3;
	_ =	sdelay $0x1  }
0x220: {  	(xrf2) =	vadd.scan.msk.f32 $0xffff, v8;
	_ =	sdelay $0x9  }
0x221: {  	v8, _, _ =	vpop (xrf2)  }
0x222: {  	v8 =	vmul.f32 $1.442695020e+00, v8;
	_ =	sdelay $0x1  }
0x223: {  	v8 =	vbroadcast v8, $0xF;
	_ =	sdelay $0x1  }
0x224: {  	(erf) = vpow2.f32 v8;
	_ =	sdelay $0x8  }
0x225: {  	v8 =	vpop (erf)  }
0x226: {  	v6 =	vmul.f32 v8, v6;
	_ =	sdelay $0x1  }
0x227: {  	[tilespmem:s29+$0xE8] =	vst v6  }
0x228: {  	v6 =	vld [tilespmem:s28+$0xF8]  }
0x229: {  	v60 =	vld [tilespmem:s30+$0xE0];
	_ =	sdelay $0x4  }
0x22a: {  	v9 =	vadd.f32 v60, v6;
	_ =	sdelay $0x1  }
0x22b: {  	v61 =	vmul.f32 $2.000000030e-01, v9;
	_ =	sdelay $0x1  }
0x22c: {  	v9 =	vmax.f32 v9, v61  }
0x22d: {  	v9 =	vmul.f32 v9, v4;
	_ =	sdelay $0x1  }
0x22e: {  	(xrf2) =	vadd.scan.msk.f32 $0xffff, v9;
	_ =	sdelay $0x9  }
0x22f: {  	v9, _, _ =	vpop (xrf2)  }
0x230: {  	v9 =	vmul.f32 $1.442695020e+00, v9;
	_ =	sdelay $0x1  }
0x231: {  	v9 =	vbroadcast v9, $0xF;
	_ =	sdelay $0x1  }
0x232: {  	(erf) = vpow2.f32 v9;
	_ =	sdelay $0x8  }
0x233: {  	v9 =	vpop (erf)  }
0x234: {  	v6 =	vmul.f32 v9, v6;
	_ =	sdelay $0x1  }
0x235: {  	[tilespmem:s29+$0xF8] =	vst v6  }
0x236: {  	v6 =	vld [tilespmem:s28+$0x108]  }
0x237: {  	v62 =	vld [tilespmem:s30+$0xF0];
	_ =	sdelay $0x4  }
0x238: {  	v10 =	vadd.f32 v62, v6;
	_ =	sdelay $0x1  }
0x239: {  	v63 =	vmul.f32 $2.000000030e-01, v10;
	_ =	sdelay $0x1  }
0x23a: {  	v10 =	vmax.f32 v10, v63  }
0x23b: {  	v10 =	vmul.f32 v10, v5;
	_ =	sdelay $0x1  }
0x23c: {  	(xrf2) =	vadd.scan.msk.f32 $0xffff, v10;
	_ =	sdelay $0x9  }
0x23d: {  	v10, _, _ =	vpop (xrf2)  }
0x23e: {  	v10 =	vmul.f32 $1.442695020e+00, v10;
	_ =	sdelay $0x1  }
0x23f: {  	v10 =	vbroadcast v10, $0xF;
	_ =	sdelay $0x1  }
0x240: {  	(erf) = vpow2.f32 v10;
	_ =	sdelay $0x8  }
0x241: {  	v10 =	vpop (erf)  }
0x242: {  	v6 =	vmul.f32 v10, v6;
	_ =	sdelay $0x1  }
0x243: {  	[tilespmem:s29+$0x108] =	vst v6  }
0x244: {  	v6 =	vld [tilespmem:s28+$0x110];
	_ =	sdelay $0x1  }
0x245: {  	s26 =	sadd.s32 $0x8, s26  }
0x246: {  	p0 =	slt.u32 s26, $0x48;
	v7 =	vsel vm0, $0x0, v7  }
.Ltmp2:
0x247: {  	v7 =	vsel vm1, v7, v8;
	(pc) =	sbr.rel @p0 .LBB2_7-.Ltmp2, $4  }
0x248: {  	v7 =	vsel vm2, v7, v9;
	v6 =	vmul.f32 v10, v6  }
0x249: {  	v7 =	vsel vm3, v7, v10  }
0x24a: {  	v6 =	vsel vm4, v6, v7  }
0x24b: {  	s30 =	sadd.s32 $0x200, s30;
	s28 =	sadd.s32 $0x240, s28;
	[tilespmem:s29+$0x110] =	vst v6;
	s29 =	sadd.s32 $0x240, s29  }
0x24c: {  	s25 =	sadd.s32 $0x1, s25  }
0x24d: {  	p0 =	sne.s32 s25, $0x271  }
.Ltmp3:
0x24e: {  	_ = 	snop;
	(pc) =	sbr.rel @p0 .LBB2_6-.Ltmp3, $4  }
0x24f: {  	[spmem:s3] =	stream.indirect.scatter.add.f32 [tilespmem:s14], [sflag:$0x3], $0x48, s23, s18, $0xb8;
	[tilespmem:$0x1FB30] =	vst v63  }
0x250: {  	_ =	swait.ge [sflag:s15], $0x1680  }
0x251: {  	[sflag:s15] =	ssyncset.done $0x0  }
0x252: {  	[sflag:s15] =	ssyncadd.s32 $0xFFFFE980  }
0x253: {  	s24 =	sadd.s32 $0x1, s24  }
0x254: {  	s25 =	sshll.u32 s0, $0x6;
	[bflag:$0x0] =	sbarrier.arrive $0xFFFF;
	p0 =	sne.s32 s24, s13  }
.Ltmp4:
0x255: {  	s26 =	sshrl.u32 s9, $0x3;
	s25 =	sor.u32 $0x1C03, s25;
	(pc) =	sbr.rel @p0 .LBB2_1-.Ltmp4, $4  }
0x256: {  	[hbm:s12], [sflag:s25] =	dma.local [spmem:s26], $0x3720  }
0x257: {  	_ =	swait.ge [sflag:s15], $0x3720  }
0x258: {  	[sflag:s15] =	ssyncset.done $0x0  }
0x259: {  	[sflag:s15] =	ssyncadd.s32 $0xFFFFC8E0  }
0x25a: {  	_ =	sfence.sel $0x180000  }
0x25b: {  	[bflag:$0x0] =	sbarrier.arrive $0xFFFF  }
0x25c: {  	p0 =	sne.s32 s0, $0x0;
	_ =	strace $0x90000047  }
0x25d: {  	s0 =	sadd.s32 @!p0 $0x100000, s1;
	[bflag:$0x2] =	sbarrier.arrive $0xFFFF  }
0x25e: {  	[sflag:s0] =	ssyncadd.tile.s32 @!p0 $0x1;
	_ =	shalt  }
.Lfunc_end2:
_tile_overlayer_lowered:
.L_overlay_start_2:
0x25f: {  	(tag) =	ssettag $0x2  }
0x260: {  	s0 =	rddreg [dreg:$0x0];
	s2 =	stileid.u32  }
0x261: {  	s1 =	rddreg [dreg:$0x1];
	p0 =	sne.s32 s2, $0x0  }
0x262: {  	s3 =	rddreg [dreg:$0x2];
	[bflag:$0x3] =	sbarrier.arrive $0xFFFF;
	s2 =	simm.s32 @!p0 $0x1C03  }
0x263: {  	[timem:s3], [sflag:s2] =	dma.local @!p0 [hbm:s0], s1  }
0x264: {  	s0 =	simm.s32 @!p0 $0x3  }
0x265: {  	_ =	swait.ge @!p0 [sflag:s0], s1  }
0x266: {  	s1 =	ssub.s32 @!p0 $0x0, s1;
	[sflag:s0] =	ssyncset.done @!p0 $0x0  }
0x267: {  	[sflag:s0] =	ssyncadd.s32 @!p0 s1  }
0x268: {  	[bflag:$0x3] =	sbarrier.arrive $0xFFFF  }
0x269: {  	_ =	shalt  }

// kernel: kernel.13.cloned.1.call-start
scs
__scs_entry_jumppad:
0x0: {  	(pc) =	sbr.rel $0x88, $3  }
0x1: {  	(tag) =	ssettag $0x0;
	lr =	simm.s32 $0x1  }
0x2: {  	[smem:$0x3F8A] =	sst lr;
	_ =	strace $0xD0000000  }
0x3: {  	_ = 	snop  }
0x4: {  	_ = 	snop  }
0x5: {  	_ = 	snop  }
0x6: {  	_ = 	snop  }
0x7: {  	_ = 	snop  }
__scs_overlays_trampoline_lowered:
0x8: {  	[smem:$0x3F99] =	sst s0  }
0x9: {  	[smem:$0x3F9A] =	sst s1  }
0xa: {  	[smem:$0x3F9B] =	sst s2  }
0xb: {  	[smem:$0x3F9C] =	sst s3  }
0xc: {  	[smem:$0x3F9D] =	sst s4  }
0xd: {  	[smem:$0x3F9E] =	sst s5  }
0xe: {  	[smem:$0x3F9F] =	sst s6  }
0xf: {  	[smem:$0x3FA0] =	sst s7  }
0x10: {  	[smem:$0x3FA1] =	sst s8  }
0x11: {  	[smem:$0x3FA2] =	sst s9;
	s0 =	simm.s32 @!p0 $0x0  }
0x12: {  	s1 =	sld [smem:$0x3F88];
	s0 =	simm.s32 @p0 $0x1  }
0x13: {  	[smem:$0x3FA3] =	sst s0;
	s0 =	simm.s32 @!p1 $0x0  }
0x14: {  	s2 =	sld [smem:$0x3F87];
	s0 =	simm.s32 @p1 $0x1  }
0x15: {  	[smem:$0x3FA4] =	sst s0;
	s0 =	simm.s32 @!p2 $0x0  }
0x16: {  	s3 =	sld [smem:$0x3FDB];
	s0 =	simm.s32 @p2 $0x1  }
0x17: {  	s4 =	simm.s32 $0x1BF5;
	[smem:$0x3FA6] =	sst s0  }
0x18: {  	s0 =	sld [smem:$0x3F89];
	_ =	swait.ge [sflag:s4], $0x0  }
0x19: {  	s7 =	sld [smem:$0x3F8A]  }
0x1a: {  	s8 =	sadd.s32 $0xFFFFE003, lr  }
0x1b: {  	s9 =	sadd.s32 $0xFFFFFEF7, lr;
	s5 =	simm.s32 $0xFFFFFFFF;
	p2 =	slt.u32 s8, $0xFFFFF086  }
0x1c: {  	p1 =	slt.u32 s9, $0xF7A;
	s5 =	simm.s32 @!p2 $0x0  }
0x1d: {  	s5 =	simm.s32 @p1 $0x1;
	p0 =	seq.s32 s7, s2  }
0x1e: {  	s7 =	smul.u32 @!p0 $0xF7A, s2;
	p2 =	seq.s32 @!p0 s5, $0x0  }
0x1f: {  	s9 =	smul.u32 $0xF7A, s1;
	s8 =	simm.s32 @!p0 $0x1BF5;
	p2 =	por !p2, p0  }
0x20: {  	[sflag:s8] =	ssyncset.s32 @!p0 $0xFFFFF086;
	s6 =	sadd.s32 @!p0 s3, s7;
	s7 =	simm.s32 @!p0 $0x108  }
0x21: {  	s3 =	sadd.s32 s3, s9;
	s6 =	sadd.s32 @!p0 $0x88, s6;
	s7 =	simm.s32 @p2 $0x1082  }
0x22: {  	[simem:s7], [sflag:s8] =	dma.local @!p0 [hbm:s6], $0xF7A  }
0x23: {  	s9 =	sor.u32 $0xD0000000, s2;
	s6 =	simm.s32 $0x108;
	_ =	swait.ge @!p0 [sflag:s8], $0x0  }
0x24: {  	s3 =	sadd.s32 $0x88, s3;
	s6 =	simm.s32 @!p1 $0x1082;
	[sflag:s4] =	ssyncset.s32 $0xFFFFF086  }
0x25: {  	[simem:s6], [sflag:s4] =	dma.local [hbm:s3], $0xF7A  }
0x26: {  	[smem:$0x3F8A] =	sst s1;
	(tag) =	ssettag s2;
	_ =	strace s9  }
0x27: {  	s1 =	sld [smem:$0x3F9A]  }
0x28: {  	s2 =	sld [smem:$0x3F9B]  }
0x29: {  	s4 =	sld [smem:$0x3F9D]  }
0x2a: {  	p0 =	seq.s32 s5, $0x0;
	s5 =	sld [smem:$0x3F9E]  }
0x2b: {  	s6 =	sld [smem:$0x3F9F]  }
0x2c: {  	s7 =	sld [smem:$0x3FA0]  }
0x2d: {  	s3 =	simm.s32 $0x108;
	s8 =	sld [smem:$0x3FA1]  }
0x2e: {  	s3 =	simm.s32 @!p0 $0x1082;
	s9 =	sld [smem:$0x3FA2]  }
0x2f: {  	lr =	sadd.s32 s0, s3;
	s0 =	sld [smem:$0x3F99]  }
0x30: {  	s3 =	sld [smem:$0x3F9C]  }
0x31: {  	[smem:$0x3FA5] =	sst s10  }
0x32: {  	s10 =	sld [smem:$0x3FA3];
	_ =	sdelay $0x3  }
0x33: {  	p0 =	seq.s32 s10, $0x1;
	s10 =	sld [smem:$0x3FA5];
	_ =	sdelay $0x3  }
0x34: {  	[smem:$0x3FA5] =	sst s10  }
0x35: {  	s10 =	sld [smem:$0x3FA4];
	_ =	sdelay $0x3  }
0x36: {  	p1 =	seq.s32 s10, $0x1;
	s10 =	sld [smem:$0x3FA5];
	_ =	sdelay $0x3  }
0x37: {  	[smem:$0x3FA5] =	sst s10  }
0x38: {  	s10 =	sld [smem:$0x3FA6]  }
0x39: {  	_ = 	snop;
	(pc) =	sbr.ind lr, $3  }
0x3a: {  	_ = 	snop  }
0x3b: {  	_ = 	snop  }
0x3c: {  	p2 =	seq.s32 s10, $0x1;
	s10 =	sld [smem:$0x3FA5]  }
0x3d: {  	_ =	shalt  }
0x3e: {  	_ =	shalt  }
0x3f: {  	_ =	shalt  }
0x40: {  	_ =	shalt  }
0x41: {  	_ =	shalt  }
0x42: {  	_ =	shalt  }
0x43: {  	_ =	shalt  }
0x44: {  	_ =	shalt  }
0x45: {  	_ =	shalt  }
0x46: {  	_ =	shalt  }
0x47: {  	_ =	shalt  }
0x48: {  	_ =	shalt  }
0x49: {  	_ =	shalt  }
0x4a: {  	_ =	shalt  }
0x4b: {  	_ =	shalt  }
0x4c: {  	_ =	shalt  }
0x4d: {  	_ =	shalt  }
0x4e: {  	_ =	shalt  }
0x4f: {  	_ =	shalt  }
0x50: {  	_ =	shalt  }
0x51: {  	_ =	shalt  }
0x52: {  	_ =	shalt  }
0x53: {  	_ =	shalt  }
0x54: {  	_ =	shalt  }
0x55: {  	_ =	shalt  }
0x56: {  	_ =	shalt  }
0x57: {  	_ =	shalt  }
0x58: {  	_ =	shalt  }
0x59: {  	_ =	shalt  }
0x5a: {  	_ =	shalt  }
0x5b: {  	_ =	shalt  }
0x5c: {  	_ =	shalt  }
0x5d: {  	_ =	shalt  }
0x5e: {  	_ =	shalt  }
0x5f: {  	_ =	shalt  }
0x60: {  	_ =	shalt  }
0x61: {  	_ =	shalt  }
0x62: {  	_ =	shalt  }
0x63: {  	_ =	shalt  }
0x64: {  	_ =	shalt  }
0x65: {  	_ =	shalt  }
0x66: {  	_ =	shalt  }
0x67: {  	_ =	shalt  }
0x68: {  	_ =	shalt  }
0x69: {  	_ =	shalt  }
0x6a: {  	_ =	shalt  }
0x6b: {  	_ =	shalt  }
0x6c: {  	_ =	shalt  }
0x6d: {  	_ =	shalt  }
0x6e: {  	_ =	shalt  }
0x6f: {  	_ =	shalt  }
0x70: {  	_ =	shalt  }
0x71: {  	_ =	shalt  }
0x72: {  	_ =	shalt  }
0x73: {  	_ =	shalt  }
0x74: {  	_ =	shalt  }
0x75: {  	_ =	shalt  }
0x76: {  	_ =	shalt  }
0x77: {  	_ =	shalt  }
0x78: {  	_ =	shalt  }
0x79: {  	_ =	shalt  }
0x7a: {  	_ =	shalt  }
0x7b: {  	_ =	shalt  }
0x7c: {  	_ =	shalt  }
0x7d: {  	_ =	shalt  }
0x7e: {  	_ =	shalt  }
0x7f: {  	_ =	shalt  }
0x80: {  	_ =	shalt  }
0x81: {  	_ =	shalt  }
0x82: {  	_ =	shalt  }
0x83: {  	_ =	shalt  }
0x84: {  	_ =	shalt  }
0x85: {  	_ =	shalt  }
0x86: {  	_ =	shalt  }
0x87: {  	_ =	shalt  }
.Lfunc_end0:
.L_simem_size_0:
called_computation.1_lowered:
.L_overlay_start_0:
0x88: {  	s2 =	sld [smem:$0x3FD9]  }
0x89: {  	s3 =	sld [smem:$0x3FFE];
	_ =	sdelay $0x1  }
0x8a: {  	s1 =	srdreg.scid  }
0x8b: {  	s0 =	sand.u32 $0x1, s1  }
0x8c: {  	s17 =	sshll.u32 s0, $0xA;
	s2 =	sadd.s32 s3, s2  }
0x8d: {  	s2 =	sadd.s32 s2, s17  }
0x8e: {  	[smem:$0x3FB1] =	sst s2  }
0x8f: {  	_ = 	snop  }
0x90: {  	s2 =	sld [smem:$0x3FBF]  }
0x91: {  	s18 =	sld [smem:$0x3FD0];
	(tm) =	ssettm $0x1  }
0x92: {  	s4 =	sld [smem:$0x3FFB];
	_ =	sdelay $0x3  }
0x93: {  	_ =	strace s4  }
0x94: {  	s4 =	sld [smem:$0x3FFC];
	_ =	sdelay $0x3  }
0x95: {  	_ =	strace s4  }
0x96: {  	s4 =	sld [smem:$0x3FFD];
	_ =	sdelay $0x3  }
0x97: {  	_ =	strace s4  }
0x98: {  	_ =	strace $0x8FFFFFFF  }
0x99: {  	s19 =	sld [smem:$0x3FDB];
	_ =	sdelay $0x1  }
0x9a: {  	s5 =	simm.s32 $_scs_section_size  }
0x9b: {  	s6 =	simm.s32 $_size__tile_overlayer_lowered;
	s7 =	simm.s32 $_tile_overlayer_lowered  }
0x9c: {  	s22 =	simm.s32 $0x1BFF;
	s21 =	sshll.u32 s7, $0x1;
	s4 =	sadd.s32 s5, s19  }
0x9d: {  	s8 =	simm.s32 $0x0;
	s20 =	sshll.u32 s6, $0x1;
	s6 =	sadd.s32 s21, s4  }
0x9e: {  	[timem:s8], [sflag:s22] =	dma.local [hbm:s6], s20  }
0x9f: {  	_ =	swait.ge [sflag:s22], s20  }
0xa0: {  	s5 =	ssub.s32 $0x0, s20;
	[sflag:s22] =	ssyncset.done $0x0  }
0xa1: {  	[sflag:s22] =	ssyncadd.s32 s5;
	_ =	sdelay $0x1  }
0xa2: {  	s23 =	simm.s32 $0x1B8B  }
0xa3: {  	_ =	swait.ge [sflag:s23], $0x1  }
0xa4: {  	[sflag:s23] =	ssyncset.done $0x0  }
0xa5: {  	s25 =	simm.s32 $0x1B8E;
	s24 =	sld [smem:$0x3FFE];
	[sflag:s23] =	ssyncadd.s32 $0xFFFFFFFF  }
0xa6: {  	s26 =	simm.s32 $execute0_lowered;
	[smem:$0x3FD2] =	sst s25  }
0xa7: {  	s6 =	sshll.u32 s26, $0x1;
	_ =	strace $0x80000049;
	[dreg:$0x1] =	wrdreg $0xFFFFFFFF  }
0xa8: {  	s28 =	simm.s32 $_size_execute0_lowered;
	s4 =	sadd.s32 s4, s6;
	[dreg:$0x0] =	wrdreg $0x0  }
0xa9: {  	s6 =	sshll.u32 s28, $0x1;
	[dreg:$0x2] =	wrdreg s4  }
0xaa: {  	[dreg:$0x3] =	wrdreg s6  }
0xab: {  	[dreg:$0x4] =	wrdreg $0xC0  }
0xac: {  	_ =	task [dreg:s8], $0x5FFFF  }
0xad: {  	[dreg:$0x1] =	wrdreg $0xFFFFFFFF  }
0xae: {  	[dreg:$0x0] =	wrdreg $0x60  }
0xaf: {  	[dreg:$0x2] =	wrdreg s24  }
0xb0: {  	[dreg:$0x3] =	wrdreg s2  }
0xb1: {  	[dreg:$0x4] =	wrdreg s18  }
0xb2: {  	[dreg:$0x5] =	wrdreg $0x15000  }
0xb3: {  	[dreg:$0x6] =	wrdreg $0x9  }
0xb4: {  	_ =	task.clear_ibuf [dreg:s8], $0x7FFFF;
	_ =	strace $0x90000049  }
0xb5: {  	s29 =	simm.s32 $0x9;
	_ =	strace $0x8000004B  }
0xb6: {  	_ =	swait.ge [sflag:s29], $0x1  }
0xb7: {  	[sflag:s29] =	ssyncadd.s32 $0xFFFFFFFF  }
0xb8: {  	_ =	strace $0x9000004B  }
0xb9: {  	_ =	sfence  }
0xba: {  	s30 =	sld [smem:$0x0];
	_ =	sdelay $0x2  }
0xbb: {  	s31 =	sshll.u32 s1, $0xD;
	s1 =	sshrl.u32 s1, $0x2  }
0xbc: {  	s3 =	sand.u32 $0x4000, s31;
	s1 =	sadd.s32 s1, s30  }
0xbd: {  	s0 =	sor.u32 s3, s0;
	s1 =	sshll.u32 s1, $0x11  }
0xbe: {  	s0 =	sor.u32 s1, s0  }
0xbf: {  	s0 =	sadd.s32 $0x8F2B, s0  }
0xc0: {  	[sflag:s0] =	ssyncadd.remote.s32 $0x1  }
0xc1: {  	_ =	sfence.sel $0xFFFF  }
0xc2: {  	[dreg:$0x0] =	wrdreg $0xFFFFFFFF;
	(pc) =	sbr.abs _section_cstart, $3  }
0xc3: {  	[dreg:$0x1] =	wrdreg $0xFFFFFFFF  }
0xc4: {  	_ =	task.clear_ibuf [dreg:s8], $0x2FFFF;
	_ =	strace $0x9FFFFFFF  }
0xc5: {  	(tm) =	ssettm $0x7FFFFFFF  }
tec
execute0_lowered:
.L_overlay_start_1:
0x0: {  	(tag) =	ssettag $0x1  }
0x1: {  	s8 =	rddreg [dreg:$0x0]  }
0x2: {  	s1 =	rddreg [dreg:$0x1]  }
0x3: {  	s12 =	rddreg [dreg:$0x2]  }
0x4: {  	s3 =	rddreg [dreg:$0x3]  }
0x5: {  	s0 =	rddreg [dreg:$0x4]  }
0x6: {  	s4 =	simm.s32 $0x0;
	s2 =	stileid.u32;
	s6 =	srdreg.scid  }
0x7: {  	s16 =	simm.s32 $0x10;
	s17 =	simm.s32 $0x60;
	s18 =	simm.s32 $0x50  }
0x8: {  	s19 =	simm.s32 $0x100;
	s20 =	simm.s32 $0x600;
	s21 =	simm.s32 $0x1  }
0x9: {  	s23 =	simm.s32 $0xB0;
	s24 =	simm.s32 $0x0;
	[smem:$0x7FF] =	sst s4  }
0xa: {  	s9 =	smul.u32 $0x620, s2;
	s5 =	sadd.s32 $0x1CA00, s8;
	s10 =	sand.u32 $0x1, s6  }
0xb: {  	s11 =	smul.u32 $0x31000, s2;
	s6 =	sadd.s32 $0x4200, s8;
	s7 =	sadd.s32 $0x7E600, s8  }
0xc: {  	s8 =	sadd.s32 $0x65E00, s8;
	s13 =	ssub.s32 $0x2, s10;
	s14 =	smul.u32 $0x6200, s10  }
0xd: {  	_ =	strace $0x8000004A;
	s22 =	smul.u32 $0xFFFF9E58, s10;
	s15 =	sshrl.u32 s13, $0x1  }
0xe: {  	s11 =	sshrl.u32 s11, $0x2;
	s13 =	ssub.s32 s13, s15;
	s14 =	sadd.s32 s9, s14  }
0xf: {  	s9 =	sadd.s32 s11, s3;
	s11 =	smul.u32 $0xC350, s2;
	s15 =	simm.s32 $0x3  }
0x10: {  	v0 =	vmov s22;
	s22 =	simm.s32 $0x2;
	s14 =	sshll.u32 s14, $0x2;
	s10 =	sadd.s32 $0xBA00, s9  }
0x11: {  	v1 =	vimm.f32 $0.0e+00;
	vm0 =	vmmov $0x1;
	s13 =	smax.u32 s13, $0x1;
	s12 =	sadd.s32 s12, s14;
	s14 =	simm.s32 $0xB00  }
.LBB2_1:
0x12: {  	s25 =	simm.s32 $0x0  }
.LBB2_2:
0x13: {  	p0 =	sne.s32 s25, $0x2780  }
.Ltmp0:
0x14: {  	_ = 	snop;
	(pc) =	sbr.rel @p0 .LBB2_2-.Ltmp0, $4  }
0x15: {  	_ = 	snop  }
0x16: {  	s26 =	sshra.s32 s25, $0x2  }
0x17: {  	[tilespmem:s26+$0xB00] =	vst v1  }
0x18: {  	s25 =	sadd.s32 $0x80, s25;
	[tilespmem:s26+$0xB10] =	vst v1  }
0x19: {  	s25 =	sadd.s32 $0x0, s9  }
0x1a: {  	[spmem:s25] =	stream.linear.scatter [tilespmem:s14], [sflag:$0x3], $0xA00, $0x38;
	[tilespmem:$0xD900] =	vst v63  }
0x1b: {  	s25 =	simm.s32 $0x2800;
	_ =	swait.ge [sflag:s15], $0xA00  }
.LBB2_4:
0x1c: {  	s26 =	sshra.s32 s25, $0x2;
	[sflag:s15] =	ssyncset.done $0x0;
	p0 =	sne.s32 s25, $0x2D000  }
.Ltmp1:
0x1d: {  	s26 =	sadd.s32 s26, s9;
	[sflag:s15] =	ssyncadd.s32 $0xFFFFF600;
	(pc) =	sbr.rel @p0 .LBB2_4-.Ltmp1, $3  }
0x1e: {  	[spmem:s26] =	stream.linear.scatter [tilespmem:s14], [sflag:$0x3], $0xA00, $0x38;
	[tilespmem:$0xD900] =	vst v63  }
0x1f: {  	s25 =	sadd.s32 $0x2800, s25;
	_ =	sdelay $0x1  }
0x20: {  	_ =	swait.ge [sflag:s15], $0xA00  }
0x21: {  	[sflag:s15] =	ssyncset.done $0x0  }
0x22: {  	[sflag:s15] =	ssyncadd.s32 $0xFFFFF600  }
0x23: {  	[spmem:s10] =	stream.linear.scatter [tilespmem:s14], [sflag:$0x3], $0xA00, $0x38;
	[tilespmem:$0xD900] =	vst v63  }
0x24: {  	_ =	swait.ge [sflag:s15], $0xA00  }
0x25: {  	[sflag:s15] =	ssyncset.done $0x0  }
0x26: {  	s25 =	simm.s32 $0x0;
	[sflag:s15] =	ssyncadd.s32 $0xFFFFF600  }
0x27: {  	[tilespmem:s25], [sflag:$0x3] =	stream.linear.gather [hbm4b:s1+s25], $0x10, $0x38;
	[tilespmem:$0xD900] =	vst v63  }
0x28: {  	_ =	swait.ge [sflag:s15], $0x10  }
0x29: {  	[sflag:s15] =	ssyncset.done $0x0  }
0x2a: {  	[sflag:s15] =	ssyncadd.s32 $0xFFFFFFF0  }
0x2b: {  	v2 =	vld [tilespmem:$0x0];
	[bflag:$0x0] =	sbarrier.arrive $0xFFFF  }
.LBB2_6:
0x2c: {  	s26 =	smul.u32 $0x50, s25;
	_ =	sdelay $0x1  }
0x2d: {  	s26 =	sadd.s32 s11, s26  }
0x2e: {  	s26 =	sshrl.u32 s26, $0x3  }
0x2f: {  	s28 =	sadd.s32 s7, s26  }
0x30: {  	[tilespmem:s16], [sflag:$0x3] =	stream.linear.gather [hbm4b:s28+s4], $0x50, $0x38;
	[tilespmem:$0xD900] =	vst v63  }
0x31: {  	_ =	swait.ge [sflag:s15], $0x50  }
0x32: {  	[sflag:s15] =	ssyncset.done $0x0  }
0x33: {  	s26 =	sadd.s32 s8, s26;
	[sflag:s15] =	ssyncadd.s32 $0xFFFFFFB0  }
0x34: {  	[tilespmem:s17], [sflag:$0x3] =	stream.linear.gather [hbm4b:s26+s4], $0x50, $0x38;
	[tilespmem:$0xD900] =	vst v63  }
0x35: {  	_ =	swait.ge [sflag:s15], $0x50  }
0x36: {  	[sflag:s15] =	ssyncset.done $0x0  }
0x37: {  	[sflag:s15] =	ssyncadd.s32 $0xFFFFFFB0  }
0x38: {  	[tilespmem:s19], [sflag:$0x1] =	stream.indirect.gather [hbm4b:s5+s18], $0x10, s16, s18, $0xb8;
	[tilespmem:$0xD900] =	vst v63  }
0x39: {  	_ = 	snop  }
0x3a: {  	[tilespmem:s20], [sflag:$0x2] =	stream.indirect.gather [hbm4b:s6+s18], $0x10, s17, s18, $0xb8;
	[tilespmem:$0xD900] =	vst v63  }
0x3b: {  	v3 =	vld [tilespmem:$0x60]  }
0x3c: {  	v4 =	vld [tilespmem:$0x70]  }
0x3d: {  	v5 =	vld [tilespmem:$0x80]  }
0x3e: {  	v6 =	vld [tilespmem:$0x90]  }
0x3f: {  	v7 =	vld [tilespmem:$0xA0]  }
0x40: {  	v3 =	vadd.s32 v0, v3  }
0x41: {  	v4 =	vadd.s32 v0, v4;
	vm1 =	vlt.u32 v3, $0x61A8  }
0x42: {  	v5 =	vadd.s32 v0, v5;
	v3 =	vnsel vm1, $0x61D0, v3;
	vm1 =	vlt.u32 v4, $0x61A8  }
0x43: {  	v62 =	vadd.s32 v0, v6;
	[tilespmem:$0xB0] =	vst v3;
	v3 =	vnsel vm1, $0x61D0, v4;
	vm1 =	vlt.u32 v5, $0x61A8  }
0x44: {  	v63 =	vadd.s32 v0, v7;
	[tilespmem:$0xC0] =	vst v3;
	v3 =	vnsel vm1, $0x61D0, v5;
	vm1 =	vlt.u32 v62, $0x61A8  }
0x45: {  	[tilespmem:$0xD0] =	vst v3;
	v3 =	vnsel vm1, $0x61D0, v62;
	vm1 =	vlt.u32 v63, $0x61A8  }
0x46: {  	[tilespmem:$0xE0] =	vst v3;
	v3 =	vnsel vm1, $0x61D0, v63  }
0x47: {  	[tilespmem:$0xF0] =	vst v3  }
0x48: {  	_ =	swait.ge [sflag:s21], $0x500  }
0x49: {  	[sflag:s21] =	ssyncset.done $0x0  }
0x4a: {  	[sflag:s21] =	ssyncadd.s32 $0xFFFFFB00  }
0x4b: {  	_ =	swait.ge [sflag:s22], $0x500  }
0x4c: {  	s29 =	simm.s32 $0xB80;
	s30 =	simm.s32 $0x140;
	[sflag:s22] =	ssyncset.done $0x0  }
0x4d: {  	s28 =	simm.s32 $0x640;
	s26 =	simm.s32 $0xFFFFFFF8;
	[sflag:s22] =	ssyncadd.s32 $0xFFFFFB00  }
.LBB2_7:
0x4e: {  	v3 =	vld [tilespmem:s30+$0xFFFFFFC0]  }
0x4f: {  	v4 =	vld [tilespmem:s28+$0xFFFFFFC0];
	_ =	sdelay $0x4  }
0x50: {  	v4 =	vadd.f32 v4, v3;
	_ =	sdelay $0x1  }
0x51: {  	v5 =	vmul.f32 $2.000000030e-01, v4;
	_ =	sdelay $0x1  }
0x52: {  	v4 =	vmax.f32 v4, v5  }
0x53: {  	v4 =	vmul.f32 v4, v2;
	_ =	sdelay $0x1  }
0x54: {  	(xrf2) =	vadd.scan.msk.f32 $0xffff, v4;
	_ =	sdelay $0x9  }
0x55: {  	v4, _, _ =	vpop (xrf2)  }
0x56: {  	v4 =	vmul.f32 $1.442695020e+00, v4;
	_ =	sdelay $0x1  }
0x57: {  	v4 =	vbroadcast v4, $0xF;
	_ =	sdelay $0x1  }
0x58: {  	(erf) = vpow2.f32 v4;
	_ =	sdelay $0x8  }
0x59: {  	v4 =	vpop (erf)  }
0x5a: {  	v3 =	vmul.f32 v4, v3;
	_ =	sdelay $0x1  }
0x5b: {  	[tilespmem:s29+$0xFFFFFF80] =	vst v3;
	v3 =	vnsel vm0, $0x0, v4  }
0x5c: {  	[tilespmem:s29+$0xFFFFFF90] =	vst v3  }
0x5d: {  	v3 =	vld [tilespmem:s30+$0xFFFFFFD0]  }
0x5e: {  	v50 =	vld [tilespmem:s28+$0xFFFFFFD0];
	_ =	sdelay $0x4  }
0x5f: {  	v4 =	vadd.f32 v50, v3;
	_ =	sdelay $0x1  }
0x60: {  	v51 =	vmul.f32 $2.000000030e-01, v4;
	_ =	sdelay $0x1  }
0x61: {  	v4 =	vmax.f32 v4, v51  }
0x62: {  	v4 =	vmul.f32 v4, v2;
	_ =	sdelay $0x1  }
0x63: {  	(xrf2) =	vadd.scan.msk.f32 $0xffff, v4;
	_ =	sdelay $0x9  }
0x64: {  	v4, _, _ =	vpop (xrf2)  }
0x65: {  	v4 =	vmul.f32 $1.442695020e+00, v4;
	_ =	sdelay $0x1  }
0x66: {  	v4 =	vbroadcast v4, $0xF;
	_ =	sdelay $0x1  }
0x67: {  	(erf) = vpow2.f32 v4;
	_ =	sdelay $0x8  }
0x68: {  	v4 =	vpop (erf)  }
0x69: {  	v3 =	vmul.f32 v4, v3;
	_ =	sdelay $0x1  }
0x6a: {  	[tilespmem:s29+$0xFFFFFFA0] =	vst v3;
	v3 =	vnsel vm0, $0x0, v4  }
0x6b: {  	[tilespmem:s29+$0xFFFFFFB0] =	vst v3  }
0x6c: {  	v3 =	vld [tilespmem:s30+$0xFFFFFFE0]  }
0x6d: {  	v52 =	vld [tilespmem:s28+$0xFFFFFFE0];
	_ =	sdelay $0x4  }
0x6e: {  	v4 =	vadd.f32 v52, v3;
	_ =	sdelay $0x1  }
0x6f: {  	v53 =	vmul.f32 $2.000000030e-01, v4;
	_ =	sdelay $0x1  }
0x70: {  	v4 =	vmax.f32 v4, v53  }
0x71: {  	v4 =	vmul.f32 v4, v2;
	_ =	sdelay $0x1  }
0x72: {  	(xrf2) =	vadd.scan.msk.f32 $0xffff, v4;
	_ =	sdelay $0x9  }
0x73: {  	v4, _, _ =	vpop (xrf2)  }
0x74: {  	v4 =	vmul.f32 $1.442695020e+00, v4;
	_ =	sdelay $0x1  }
0x75: {  	v4 =	vbroadcast v4, $0xF;
	_ =	sdelay $0x1  }
0x76: {  	(erf) = vpow2.f32 v4;
	_ =	sdelay $0x8  }
0x77: {  	v4 =	vpop (erf)  }
0x78: {  	v3 =	vmul.f32 v4, v3;
	_ =	sdelay $0x1  }
0x79: {  	[tilespmem:s29+$0xFFFFFFC0] =	vst v3;
	v3 =	vnsel vm0, $0x0, v4  }
0x7a: {  	[tilespmem:s29+$0xFFFFFFD0] =	vst v3  }
0x7b: {  	v3 =	vld [tilespmem:s30+$0xFFFFFFF0]  }
0x7c: {  	v54 =	vld [tilespmem:s28+$0xFFFFFFF0];
	_ =	sdelay $0x4  }
0x7d: {  	v4 =	vadd.f32 v54, v3;
	_ =	sdelay $0x1  }
0x7e: {  	v55 =	vmul.f32 $2.000000030e-01, v4;
	_ =	sdelay $0x1  }
0x7f: {  	v4 =	vmax.f32 v4, v55  }
0x80: {  	v4 =	vmul.f32 v4, v2;
	_ =	sdelay $0x1  }
0x81: {  	(xrf2) =	vadd.scan.msk.f32 $0xffff, v4;
	_ =	sdelay $0x9  }
0x82: {  	v4, _, _ =	vpop (xrf2)  }
0x83: {  	v4 =	vmul.f32 $1.442695020e+00, v4;
	_ =	sdelay $0x1  }
0x84: {  	v4 =	vbroadcast v4, $0xF;
	_ =	sdelay $0x1  }
0x85: {  	(erf) = vpow2.f32 v4;
	_ =	sdelay $0x8  }
0x86: {  	v4 =	vpop (erf)  }
0x87: {  	v3 =	vmul.f32 v4, v3;
	_ =	sdelay $0x1  }
0x88: {  	[tilespmem:s29+$0xFFFFFFE0] =	vst v3;
	v3 =	vnsel vm0, $0x0, v4  }
0x89: {  	[tilespmem:s29+$0xFFFFFFF0] =	vst v3  }
0x8a: {  	v3 =	vld [tilespmem:s30+$0x0]  }
0x8b: {  	v56 =	vld [tilespmem:s28+$0x0];
	_ =	sdelay $0x4  }
0x8c: {  	v4 =	vadd.f32 v56, v3;
	_ =	sdelay $0x1  }
0x8d: {  	v57 =	vmul.f32 $2.000000030e-01, v4;
	_ =	sdelay $0x1  }
0x8e: {  	v4 =	vmax.f32 v4, v57  }
0x8f: {  	v4 =	vmul.f32 v4, v2;
	_ =	sdelay $0x1  }
0x90: {  	(xrf2) =	vadd.scan.msk.f32 $0xffff, v4;
	_ =	sdelay $0x9  }
0x91: {  	v4, _, _ =	vpop (xrf2)  }
0x92: {  	v4 =	vmul.f32 $1.442695020e+00, v4;
	_ =	sdelay $0x1  }
0x93: {  	v4 =	vbroadcast v4, $0xF;
	_ =	sdelay $0x1  }
0x94: {  	(erf) = vpow2.f32 v4;
	_ =	sdelay $0x8  }
0x95: {  	v4 =	vpop (erf)  }
0x96: {  	v3 =	vmul.f32 v4, v3;
	_ =	sdelay $0x1  }
0x97: {  	[tilespmem:s29+$0x0] =	vst v3;
	v3 =	vnsel vm0, $0x0, v4  }
0x98: {  	[tilespmem:s29+$0x10] =	vst v3  }
0x99: {  	v3 =	vld [tilespmem:s30+$0x10]  }
0x9a: {  	v58 =	vld [tilespmem:s28+$0x10];
	_ =	sdelay $0x4  }
0x9b: {  	v4 =	vadd.f32 v58, v3;
	_ =	sdelay $0x1  }
0x9c: {  	v59 =	vmul.f32 $2.000000030e-01, v4;
	_ =	sdelay $0x1  }
0x9d: {  	v4 =	vmax.f32 v4, v59  }
0x9e: {  	v4 =	vmul.f32 v4, v2;
	_ =	sdelay $0x1  }
0x9f: {  	(xrf2) =	vadd.scan.msk.f32 $0xffff, v4;
	_ =	sdelay $0x9  }
0xa0: {  	v4, _, _ =	vpop (xrf2)  }
0xa1: {  	v4 =	vmul.f32 $1.442695020e+00, v4;
	_ =	sdelay $0x1  }
0xa2: {  	v4 =	vbroadcast v4, $0xF;
	_ =	sdelay $0x1  }
0xa3: {  	(erf) = vpow2.f32 v4;
	_ =	sdelay $0x8  }
0xa4: {  	v4 =	vpop (erf)  }
0xa5: {  	v3 =	vmul.f32 v4, v3;
	_ =	sdelay $0x1  }
0xa6: {  	[tilespmem:s29+$0x20] =	vst v3;
	v3 =	vnsel vm0, $0x0, v4  }
0xa7: {  	[tilespmem:s29+$0x30] =	vst v3  }
0xa8: {  	v3 =	vld [tilespmem:s30+$0x20]  }
0xa9: {  	v60 =	vld [tilespmem:s28+$0x20];
	_ =	sdelay $0x4  }
0xaa: {  	v4 =	vadd.f32 v60, v3;
	_ =	sdelay $0x1  }
0xab: {  	v61 =	vmul.f32 $2.000000030e-01, v4;
	_ =	sdelay $0x1  }
0xac: {  	v4 =	vmax.f32 v4, v61  }
0xad: {  	v4 =	vmul.f32 v4, v2;
	_ =	sdelay $0x1  }
0xae: {  	(xrf2) =	vadd.scan.msk.f32 $0xffff, v4;
	_ =	sdelay $0x9  }
0xaf: {  	v4, _, _ =	vpop (xrf2)  }
0xb0: {  	v4 =	vmul.f32 $1.442695020e+00, v4;
	_ =	sdelay $0x1  }
0xb1: {  	v4 =	vbroadcast v4, $0xF;
	_ =	sdelay $0x1  }
0xb2: {  	(erf) = vpow2.f32 v4;
	_ =	sdelay $0x8  }
0xb3: {  	v4 =	vpop (erf)  }
0xb4: {  	v3 =	vmul.f32 v4, v3;
	_ =	sdelay $0x1  }
0xb5: {  	[tilespmem:s29+$0x40] =	vst v3;
	v3 =	vnsel vm0, $0x0, v4  }
0xb6: {  	[tilespmem:s29+$0x50] =	vst v3  }
0xb7: {  	v3 =	vld [tilespmem:s30+$0x30]  }
0xb8: {  	v62 =	vld [tilespmem:s28+$0x30];
	_ =	sdelay $0x4  }
0xb9: {  	v4 =	vadd.f32 v62, v3;
	_ =	sdelay $0x1  }
0xba: {  	v63 =	vmul.f32 $2.000000030e-01, v4;
	_ =	sdelay $0x1  }
0xbb: {  	v4 =	vmax.f32 v4, v63  }
0xbc: {  	v4 =	vmul.f32 v4, v2;
	_ =	sdelay $0x1  }
0xbd: {  	(xrf2) =	vadd.scan.msk.f32 $0xffff, v4;
	_ =	sdelay $0x9  }
0xbe: {  	v4, _, _ =	vpop (xrf2)  }
0xbf: {  	v4 =	vmul.f32 $1.442695020e+00, v4;
	_ =	sdelay $0x1  }
0xc0: {  	v4 =	vbroadcast v4, $0xF;
	_ =	sdelay $0x1  }
0xc1: {  	(erf) = vpow2.f32 v4;
	_ =	sdelay $0x6  }
0xc2: {  	s26 =	sadd.s32 $0x8, s26  }
0xc3: {  	p0 =	slt.u32 s26, $0x48  }
.Ltmp2:
0xc4: {  	v4 =	vpop (erf);
	(pc) =	sbr.rel @p0 .LBB2_7-.Ltmp2, $3  }
0xc5: {  	v3 =	vmul.f32 v4, v3;
	_ =	sdelay $0x1  }
0xc6: {  	[tilespmem:s29+$0x60] =	vst v3;
	v3 =	vnsel vm0, $0x0, v4  }
0xc7: {  	s28 =	sadd.s32 $0x80, s28;
	s30 =	sadd.s32 $0x80, s30;
	[tilespmem:s29+$0x70] =	vst v3;
	s29 =	sadd.s32 $0x100, s29  }
0xc8: {  	s25 =	sadd.s32 $0x1, s25  }
0xc9: {  	p0 =	sne.s32 s25, $0x271  }
.Ltmp3:
0xca: {  	_ = 	snop;
	(pc) =	sbr.rel @p0 .LBB2_6-.Ltmp3, $4  }
0xcb: {  	[spmem:s3] =	stream.indirect.scatter.add.f32 [tilespmem:s14], [sflag:$0x3], $0x20, s23, s18, $0xb8;
	[tilespmem:$0xD900] =	vst v63  }
0xcc: {  	_ =	swait.ge [sflag:s15], $0xA00  }
0xcd: {  	[sflag:s15] =	ssyncset.done $0x0  }
0xce: {  	[sflag:s15] =	ssyncadd.s32 $0xFFFFF600  }
0xcf: {  	s24 =	sadd.s32 $0x1, s24  }
0xd0: {  	s25 =	sshll.u32 s2, $0x6;
	[bflag:$0x0] =	sbarrier.arrive $0xFFFF;
	p0 =	sne.s32 s24, s13  }
.Ltmp4:
0xd1: {  	s26 =	sshrl.u32 s9, $0x3;
	s25 =	sor.u32 $0x1C03, s25;
	(pc) =	sbr.rel @p0 .LBB2_1-.Ltmp4, $4  }
0xd2: {  	[hbm:s12], [sflag:s25] =	dma.local [spmem:s26], $0x1880  }
0xd3: {  	_ =	swait.ge [sflag:s15], $0x1880  }
0xd4: {  	[sflag:s15] =	ssyncset.done $0x0  }
0xd5: {  	[sflag:s15] =	ssyncadd.s32 $0xFFFFE780  }
0xd6: {  	_ =	sfence.sel $0x180000  }
0xd7: {  	[bflag:$0x0] =	sbarrier.arrive $0xFFFF  }
0xd8: {  	p0 =	sne.s32 s2, $0x0;
	_ =	strace $0x9000004A  }
0xd9: {  	s0 =	sadd.s32 @!p0 $0x100000, s0;
	[bflag:$0x2] =	sbarrier.arrive $0xFFFF  }
0xda: {  	[sflag:s0] =	ssyncadd.tile.s32 @!p0 $0x1;
	_ =	shalt  }
.Lfunc_end2:
_tile_overlayer_lowered:
.L_overlay_start_2:
0xdb: {  	(tag) =	ssettag $0x2  }
0xdc: {  	s0 =	rddreg [dreg:$0x0];
	s2 =	stileid.u32  }
0xdd: {  	s1 =	rddreg [dreg:$0x1];
	p0 =	sne.s32 s2, $0x0  }
0xde: {  	s3 =	rddreg [dreg:$0x2];
	[bflag:$0x3] =	sbarrier.arrive $0xFFFF;
	s2 =	simm.s32 @!p0 $0x1C03  }
0xdf: {  	[timem:s3], [sflag:s2] =	dma.local @!p0 [hbm:s0], s1  }
0xe0: {  	s0 =	simm.s32 @!p0 $0x3  }
0xe1: {  	_ =	swait.ge @!p0 [sflag:s0], s1  }
0xe2: {  	s1 =	ssub.s32 @!p0 $0x0, s1;
	[sflag:s0] =	ssyncset.done @!p0 $0x0  }
0xe3: {  	[sflag:s0] =	ssyncadd.s32 @!p0 s1  }
0xe4: {  	[bflag:$0x3] =	sbarrier.arrive $0xFFFF  }
0xe5: {  	_ =	shalt  }

</sc_bundles>
